<compile_context>
chip_gen: v7x
topology: tpu7x:2x2x1
jax: 0.10.2.dev20260603
libtpu: 0.0.44.dev20260713+nightly
codegen_flags: <defaults>
</compile_context>

<pallas_src>
import functools

import jax
import jax.numpy as jnp
from jax import lax
from jax.experimental import pallas as pl
from jax.experimental.pallas import tpu as pltpu
from jax.experimental.pallas import tpu_sc as plsc

_N = 10000
_E = 320000
_D = 128
_G = 64
_NC = 2
_NS = 16
_NW = _NC * _NS
_EPW = _E // _NW
_C = 125
_NCH = _EPW // _C
_SS = 16
_NSS = _NCH // _SS
_NP = 10240
_RPT = _NP // _NS



def _deg_body(dstr_hbm, zeros1_hbm, out_hbm, dst_v, ones_v, bounce_v, dacc_sh):
    c = lax.axis_index("c")
    s = lax.axis_index("s")
    wid = s * _NC + c
    pltpu.sync_copy(dstr_hbm.at[wid], dst_v)
    for t in range(8):
        ones_v[pl.ds(16 * t, 16)] = jnp.ones((16,), jnp.float32)

    @pl.when(s == 0)
    def _():
        pltpu.sync_copy(zeros1_hbm, dacc_sh)

    plsc.subcore_barrier()

    @pl.loop(0, _NCH)
    def _(j):
        pltpu.sync_copy(ones_v.at[pl.ds(0, _C)], dacc_sh.at[dst_v.at[j]], add=True)

    plsc.subcore_barrier()

    @pl.when(s == 0)
    def _():
        pltpu.sync_copy(dacc_sh, bounce_v)
        pltpu.sync_copy(bounce_v, out_hbm.at[pl.ds(c * _N, _N)])



def _segsum_body(h_hbm, srcr_hbm, dstr_hbm, zeros2_hbm, out_hbm,
                 src_v, dst_v, buf_v, acc_sh, sem, ssem):
    c = lax.axis_index("c")
    s = lax.axis_index("s")
    wid = s * _NC + c
    pltpu.sync_copy(srcr_hbm.at[wid], src_v)
    pltpu.sync_copy(dstr_hbm.at[wid], dst_v)
    pltpu.sync_copy(zeros2_hbm.at[pl.ds(s * _RPT, _RPT)],
                    acc_sh.at[pl.ds(s * _RPT, _RPT)])
    plsc.subcore_barrier()

    def _gather_start(j, b):
        pltpu.async_copy(h_hbm.at[src_v.at[j]], buf_v.at[b], sem)

    def _gather_wait(j, b):
        pltpu.make_async_copy(h_hbm.at[src_v.at[j]], buf_v.at[b], sem).wait()

    def _scatter_start(j, b):
        pltpu.async_copy(buf_v.at[b], acc_sh.at[dst_v.at[j]], ssem, add=True)

    def _scatter_wait(j, b):
        pltpu.make_async_copy(buf_v.at[b], acc_sh.at[dst_v.at[j]],
                              ssem).wait()

    for b in range(3):
        _gather_start(b, b)

    @pl.loop(0, _NCH)
    def _(j):
        b = lax.rem(j, 4)
        _gather_wait(j, b)

        @pl.when(j >= 1)
        def _():
            _scatter_wait(j - 1, lax.rem(j - 1, 4))

        @pl.when(j + 3 < _NCH)
        def _():
            _gather_start(j + 3, lax.rem(j + 3, 4))

        _scatter_start(j, b)

    _scatter_wait(_NCH - 1, lax.rem(_NCH - 1, 4))
    plsc.subcore_barrier()

    @pl.loop(0, _RPT // 64)
    def _(k):
        r0 = s * _RPT + k * 64
        pltpu.sync_copy(acc_sh.at[pl.ds(r0, 64)], buf_v.at[0, pl.ds(0, 64)])
        pltpu.sync_copy(buf_v.at[0, pl.ds(0, 64)], out_hbm.at[c, pl.ds(r0, 64)])


@functools.lru_cache(maxsize=None)
def _sc_kernels():
    mesh = plsc.VectorSubcoreMesh(core_axis_name="c", subcore_axis_name="s")
    deg_k = pl.kernel(
        _deg_body,
        out_type=jax.ShapeDtypeStruct((_NC * _N,), jnp.float32),
        mesh=mesh,
        scratch_types=[
            pltpu.VMEM((_NCH, _C), jnp.int32),
            pltpu.VMEM((128,), jnp.float32),
            pltpu.VMEM((_N,), jnp.float32),
            pltpu.VMEM_SHARED((_N,), jnp.float32),
        ],
    )
    segsum_k = pl.kernel(
        _segsum_body,
        out_type=jax.ShapeDtypeStruct((_NC, _NP, _D), jnp.bfloat16),
        mesh=mesh,
        scratch_types=[
            pltpu.VMEM((_NCH, _C), jnp.int32),
            pltpu.VMEM((_NCH, _C), jnp.int32),
            pltpu.VMEM((4, _C, _D), jnp.bfloat16),
            pltpu.VMEM_SHARED((_NP, _D), jnp.bfloat16),
            pltpu.SemaphoreType.DMA,
            pltpu.SemaphoreType.DMA,
        ],
        compiler_params=pltpu.CompilerParams(use_tc_tiling_on_sc=False),
    )
    return deg_k, segsum_k


def _deg(dstr, zeros1):
    return _sc_kernels()[0](dstr, zeros1)


def _segsum(h, srcr, dstr, zeros2):
    return _sc_kernels()[1](h, srcr, dstr, zeros2)



_BLK = 1000
_NBLK = _N // _BLK


def _dinv_of(pt_blk):
    deg = pt_blk[:, 0:1] + pt_blk[:, 1:2] + 1.0
    return lax.rsqrt(deg)


def _tc_first_body(x_ref, w_ref, pt_ref, hb_ref):
    dinv = _dinv_of(pt_ref[...])
    res = jnp.dot(x_ref[...], w_ref[...],
                  preferred_element_type=jnp.float32) * dinv
    hb_ref[...] = res.astype(jnp.bfloat16)


def _tc_first(x, w, pt):
    return pl.pallas_call(
        _tc_first_body,
        grid=(_NBLK,),
        in_specs=[
            pl.BlockSpec((_BLK, _D), lambda i: (i, 0)),
            pl.BlockSpec((_D, _D), lambda i: (0, 0)),
            pl.BlockSpec((_BLK, 2), lambda i: (i, 0)),
        ],
        out_specs=pl.BlockSpec((_BLK, _D), lambda i: (i, 0)),
        out_shape=jax.ShapeDtypeStruct((_N, _D), jnp.bfloat16),
    )(x, w, pt)


def _tc_mid_body(acc_ref, hp_ref, pt_ref, b_ref, w_ref, hb_ref):
    dinv = _dinv_of(pt_ref[...])
    tot = (acc_ref[0].astype(jnp.float32) + acc_ref[1].astype(jnp.float32)
           + hp_ref[...].astype(jnp.float32))
    xn = dinv * tot + b_ref[...][None, :]
    xn = jnp.maximum(xn, 0.0)
    res = jnp.dot(xn, w_ref[...], preferred_element_type=jnp.float32) * dinv
    hb_ref[...] = res.astype(jnp.bfloat16)


def _tc_mid(acc, hp, pt, b, w):
    return pl.pallas_call(
        _tc_mid_body,
        grid=(_NBLK,),
        in_specs=[
            pl.BlockSpec((_NC, _BLK, _D), lambda i: (0, i, 0)),
            pl.BlockSpec((_BLK, _D), lambda i: (i, 0)),
            pl.BlockSpec((_BLK, 2), lambda i: (i, 0)),
            pl.BlockSpec((_D,), lambda i: (0,)),
            pl.BlockSpec((_D, _D), lambda i: (0, 0)),
        ],
        out_specs=pl.BlockSpec((_BLK, _D), lambda i: (i, 0)),
        out_shape=jax.ShapeDtypeStruct((_N, _D), jnp.bfloat16),
    )(acc[:, :_N], hp, pt, b, w)


def _tc_final_body(acc_ref, hp_ref, pt_ref, b_ref, batch_ref,
                   wf1_ref, bf1_ref, wf2_ref, bf2_ref, out_ref,
                   sums_s, cnt_s):
    i = pl.program_id(0)

    @pl.when(i == 0)
    def _():
        sums_s[...] = jnp.zeros_like(sums_s)
        cnt_s[...] = jnp.zeros_like(cnt_s)

    dinv = _dinv_of(pt_ref[...])
    tot = (acc_ref[0].astype(jnp.float32) + acc_ref[1].astype(jnp.float32)
           + hp_ref[...].astype(jnp.float32))
    h3 = dinv * tot + b_ref[...][None, :]
    gids = lax.broadcasted_iota(jnp.int32, (_BLK, _G), 1)
    onehot = (batch_ref[...] == gids).astype(jnp.float32)
    sums_s[...] += lax.dot_general(onehot, h3, (((0,), (0,)), ((), ())),
                                   preferred_element_type=jnp.float32)
    cnt_s[...] += lax.dot_general(onehot, jnp.ones((_BLK, 1), jnp.float32),
                                  (((0,), (0,)), ((), ())),
                                  preferred_element_type=jnp.float32)

    @pl.when(i == _NBLK - 1)
    def _():
        pooled = sums_s[...] / jnp.maximum(cnt_s[...], 1.0)
        z = jnp.maximum(jnp.dot(pooled, wf1_ref[...],
                                preferred_element_type=jnp.float32)
                        + bf1_ref[...][None, :], 0.0)
        logit = jnp.dot(z, wf2_ref[...],
                        preferred_element_type=jnp.float32) + bf2_ref[...][None, :]
        out_ref[...] = jax.nn.sigmoid(logit)


def _tc_final(acc, hp, pt, b, batch2, wf1, bf1, wf2, bf2):
    return pl.pallas_call(
        _tc_final_body,
        grid=(_NBLK,),
        in_specs=[
            pl.BlockSpec((_NC, _BLK, _D), lambda i: (0, i, 0)),
            pl.BlockSpec((_BLK, _D), lambda i: (i, 0)),
            pl.BlockSpec((_BLK, 2), lambda i: (i, 0)),
            pl.BlockSpec((_D,), lambda i: (0,)),
            pl.BlockSpec((_BLK, 1), lambda i: (i, 0)),
            pl.BlockSpec((_D, _D), lambda i: (0, 0)),
            pl.BlockSpec((_D,), lambda i: (0,)),
            pl.BlockSpec((_D, 1), lambda i: (0, 0)),
            pl.BlockSpec((1,), lambda i: (0,)),
        ],
        out_specs=pl.BlockSpec((_G, 1), lambda i: (0, 0)),
        out_shape=jax.ShapeDtypeStruct((_G, 1), jnp.float32),
        scratch_shapes=[
            pltpu.VMEM((_G, _D), jnp.float32),
            pltpu.VMEM((_G, 1), jnp.float32),
        ],
    )(acc[:, :_N], hp, pt, b, batch2, wf1, bf1, wf2, bf2)



def kernel(x, edge_index, batch, W1, b1, W2, b2, W3, b3, Wf1, bf1, Wf2, bf2):
    srcr = edge_index[0].reshape(_NW, _NCH, _C)
    dstr = edge_index[1].reshape(_NW, _NCH, _C)
    zeros1 = jnp.zeros((_N,), jnp.float32)
    zeros2 = jnp.zeros((_NP, _D), jnp.bfloat16)

    degp = _deg(dstr, zeros1).reshape(_NC, _N)
    pt = degp.T

    h1b = _tc_first(x, W1, pt)
    acc1 = _segsum(h1b, srcr, dstr, zeros2)
    h2b = _tc_mid(acc1, h1b, pt, b1, W2)
    acc2 = _segsum(h2b, srcr, dstr, zeros2)
    h3b = _tc_mid(acc2, h2b, pt, b2, W3)
    acc3 = _segsum(h3b, srcr, dstr, zeros2)
    return _tc_final(acc3, h3b, pt, b3, batch.reshape(_N, 1),
                     Wf1, bf1, Wf2, bf2)

# --- scband reference (transcript-rebuilt; emitter-appended) ---
"""Pipeline reference for scband-graph-neural-network-20873541058681 (READ-ONLY COPY).

The authoritative reference and input builder live on the scoring server;
editing this copy changes nothing except your own understanding.
"""

import jax, jax.numpy as jnp
import numpy as np

N = 10000
E = 320000
D = 128
H = 128
O = 128
G = 64


def setup_inputs(seed: int = 0) -> dict:
    key = jax.random.key(seed)
    ks = jax.random.split(key, 16)
    x = jax.random.normal(ks[0], (N, D), dtype=jnp.float32)
    edge_index = jax.random.randint(ks[1], (2, E), 0, N, dtype=jnp.int32)
    batch = jnp.sort(jax.random.randint(ks[2], (N,), 0, G, dtype=jnp.int32))
    def glorot(k, fan_in, fan_out):
        lim = float(np.sqrt(6.0 / (fan_in + fan_out)))
        return jax.random.uniform(k, (fan_in, fan_out), dtype=jnp.float32, minval=-lim, maxval=lim)
    W1 = glorot(ks[3], D, H); b1 = jnp.zeros((H,), jnp.float32)
    W2 = glorot(ks[4], H, H); b2 = jnp.zeros((H,), jnp.float32)
    W3 = glorot(ks[5], H, O); b3 = jnp.zeros((O,), jnp.float32)
    Wf1 = glorot(ks[6], O, H); bf1 = jnp.zeros((H,), jnp.float32)
    Wf2 = glorot(ks[7], H, 1); bf2 = jnp.zeros((1,), jnp.float32)
    return {"x": x, "edge_index": edge_index, "batch": batch,
            "W1": W1, "b1": b1, "W2": W2, "b2": b2, "W3": W3, "b3": b3,
            "Wf1": Wf1, "bf1": bf1, "Wf2": Wf2, "bf2": bf2}


def _gcn_conv(x, edge_index, W, b):
    # PyG-style GCNConv: add self-loops, symmetric degree normalization
    src = edge_index[0]
    dst = edge_index[1]
    loop = jnp.arange(N, dtype=src.dtype)
    src = jnp.concatenate([src, loop])
    dst = jnp.concatenate([dst, loop])
    deg = jax.ops.segment_sum(jnp.ones_like(src, dtype=x.dtype), dst, num_segments=N)
    dinv = jnp.where(deg > 0, 1.0 / jnp.sqrt(deg), 0.0)
    norm = dinv[src] * dinv[dst]
    h = x @ W
    msg = h[src] * norm[:, None]
    out = jax.ops.segment_sum(msg, dst, num_segments=N)
    return out + b


def reference(x, edge_index, batch, W1, b1, W2, b2, W3, b3, Wf1, bf1, Wf2, bf2):
    # eval mode: dropout is identity
    h = jax.nn.relu(_gcn_conv(x, edge_index, W1, b1))
    h = jax.nn.relu(_gcn_conv(h, edge_index, W2, b2))
    h = _gcn_conv(h, edge_index, W3, b3)
    sums = jax.ops.segment_sum(h, batch, num_segments=G)
    cnt = jax.ops.segment_sum(jnp.ones((N,), h.dtype), batch, num_segments=G)
    pooled = sums / jnp.maximum(cnt, 1.0)[:, None]
    z = jax.nn.relu(pooled @ Wf1 + bf1)
    out = jax.nn.sigmoid(z @ Wf2 + bf2)
    return out

if __name__ == "__main__":
    import jax
    _d = setup_inputs()
    print(jax.jit(kernel)(*tuple(_d.values())))

</pallas_src>

<mosaic_0001>
#map = affine_map<(d0, d1) -> (0, 0)>
#map1 = affine_map<(d0, d1) -> (0, 0, 0)>
module attributes {stable_mosaic.version = 14 : i64} {
  func.func @_segsum_body(%arg0: i32, %arg1: i32, %arg2: memref<10000x128xbf16, #tpu.memory_space<hbm>>, %arg3: memref<32x80x125xi32, #tpu.memory_space<hbm>>, %arg4: memref<32x80x125xi32, #tpu.memory_space<hbm>>, %arg5: memref<10240x128xbf16, #tpu.memory_space<hbm>>, %arg6: memref<2x10240x128xbf16, #tpu.memory_space<hbm>>, %arg7: memref<80x125xi32, #tpu.memory_space<vmem>>, %arg8: memref<80x125xi32, #tpu.memory_space<vmem>>, %arg9: memref<4x125x128xbf16, #tpu.memory_space<vmem>>, %arg10: memref<10240x128xbf16, #tpu.memory_space<vmem_shared>>, %arg11: memref<!tpu.dma_semaphore, #tpu.memory_space<semaphore_mem>>, %arg12: memref<!tpu.dma_semaphore, #tpu.memory_space<semaphore_mem>>) attributes {dimension_semantics = [#tpu.dimension_semantics<core_parallel>, #tpu.dimension_semantics<subcore_parallel>], iteration_bounds = array<i64: 2, 16>, scalar_prefetch = 0 : i64, scratch_operands = 6 : i64, tpu.core_type = #tpu.core_type<sc_vector_subcore>, window_params = [{transform_indices = #map}, {transform_indices = #map1}, {transform_indices = #map1}, {transform_indices = #map}, {transform_indices = #map1}]} {
    %mul3A = arith.constant 2 : i32
    %mul3A_0 = arith.muli %arg1, %mul3A : i32
    %add3A = arith.addi %mul3A_0, %arg0 : i32
    "tpu.region"() ({
      %run_scoped3A = tpu.sem_alloc : memref<!tpu.dma_semaphore, #tpu.memory_space<semaphore_mem>>
      %dma_start3A_62 = arith.constant 0 : i32
      %dma_start3A_63 = arith.constant 0 : i32
      %dma_start3A_64 = tpu.memref_slice %arg3[%add3A, %dma_start3A_62, %dma_start3A_63] : memref<32x80x125xi32, #tpu.memory_space<hbm>> -> memref<1x80x125xi32, #tpu.memory_space<hbm>>
      %dma_start3A_65 = tpu.memref_squeeze %dma_start3A_64 : memref<1x80x125xi32, #tpu.memory_space<hbm>> -> memref<80x125xi32, #tpu.memory_space<hbm>>
      %dma_start3A_66 = arith.constant 0 : i32
      %dma_start3A_67 = arith.constant 0 : i32
      %dma_start3A_68 = tpu.memref_slice %arg3[%add3A, %dma_start3A_66, %dma_start3A_67] : memref<32x80x125xi32, #tpu.memory_space<hbm>> -> memref<1x80x125xi32, #tpu.memory_space<hbm>>
      %dma_start3A_69 = tpu.memref_squeeze %dma_start3A_68 : memref<1x80x125xi32, #tpu.memory_space<hbm>> -> memref<80x125xi32, #tpu.memory_space<hbm>>
      tpu.enqueue_dma source(%dma_start3A_69 : memref<80x125xi32, #tpu.memory_space<hbm>>) target(%arg7 : memref<80x125xi32, #tpu.memory_space<vmem>>) target_semaphore(%run_scoped3A : memref<!tpu.dma_semaphore, #tpu.memory_space<semaphore_mem>>)
      %dma_wait3A_70 = arith.constant 0 : i32
      %dma_wait3A_71 = arith.constant 0 : i32
      %dma_wait3A_72 = tpu.memref_slice %arg3[%add3A, %dma_wait3A_70, %dma_wait3A_71] : memref<32x80x125xi32, #tpu.memory_space<hbm>> -> memref<1x80x125xi32, #tpu.memory_space<hbm>>
      %dma_wait3A_73 = tpu.memref_squeeze %dma_wait3A_72 : memref<1x80x125xi32, #tpu.memory_space<hbm>> -> memref<80x125xi32, #tpu.memory_space<hbm>>
      %dma_wait3A_74 = arith.constant 0 : i32
      %dma_wait3A_75 = arith.constant 0 : i32
      %dma_wait3A_76 = tpu.memref_slice %arg3[%add3A, %dma_wait3A_74, %dma_wait3A_75] : memref<32x80x125xi32, #tpu.memory_space<hbm>> -> memref<1x80x125xi32, #tpu.memory_space<hbm>>
      %dma_wait3A_77 = tpu.memref_squeeze %dma_wait3A_76 : memref<1x80x125xi32, #tpu.memory_space<hbm>> -> memref<80x125xi32, #tpu.memory_space<hbm>>
      tpu.wait_dma2 semaphore(%run_scoped3A : memref<!tpu.dma_semaphore, #tpu.memory_space<semaphore_mem>>) src(%dma_wait3A_77 : memref<80x125xi32, #tpu.memory_space<hbm>>) dst(%arg7 : memref<80x125xi32, #tpu.memory_space<vmem>>)
      tpu.yield
    }) : () -> ()
    "tpu.region"() ({
      %run_scoped3A = tpu.sem_alloc : memref<!tpu.dma_semaphore, #tpu.memory_space<semaphore_mem>>
      %dma_start3A_62 = arith.constant 0 : i32
      %dma_start3A_63 = arith.constant 0 : i32
      %dma_start3A_64 = tpu.memref_slice %arg4[%add3A, %dma_start3A_62, %dma_start3A_63] : memref<32x80x125xi32, #tpu.memory_space<hbm>> -> memref<1x80x125xi32, #tpu.memory_space<hbm>>
      %dma_start3A_65 = tpu.memref_squeeze %dma_start3A_64 : memref<1x80x125xi32, #tpu.memory_space<hbm>> -> memref<80x125xi32, #tpu.memory_space<hbm>>
      %dma_start3A_66 = arith.constant 0 : i32
      %dma_start3A_67 = arith.constant 0 : i32
      %dma_start3A_68 = tpu.memref_slice %arg4[%add3A, %dma_start3A_66, %dma_start3A_67] : memref<32x80x125xi32, #tpu.memory_space<hbm>> -> memref<1x80x125xi32, #tpu.memory_space<hbm>>
      %dma_start3A_69 = tpu.memref_squeeze %dma_start3A_68 : memref<1x80x125xi32, #tpu.memory_space<hbm>> -> memref<80x125xi32, #tpu.memory_space<hbm>>
      tpu.enqueue_dma source(%dma_start3A_69 : memref<80x125xi32, #tpu.memory_space<hbm>>) target(%arg8 : memref<80x125xi32, #tpu.memory_space<vmem>>) target_semaphore(%run_scoped3A : memref<!tpu.dma_semaphore, #tpu.memory_space<semaphore_mem>>)
      %dma_wait3A_70 = arith.constant 0 : i32
      %dma_wait3A_71 = arith.constant 0 : i32
      %dma_wait3A_72 = tpu.memref_slice %arg4[%add3A, %dma_wait3A_70, %dma_wait3A_71] : memref<32x80x125xi32, #tpu.memory_space<hbm>> -> memref<1x80x125xi32, #tpu.memory_space<hbm>>
      %dma_wait3A_73 = tpu.memref_squeeze %dma_wait3A_72 : memref<1x80x125xi32, #tpu.memory_space<hbm>> -> memref<80x125xi32, #tpu.memory_space<hbm>>
      %dma_wait3A_74 = arith.constant 0 : i32
      %dma_wait3A_75 = arith.constant 0 : i32
      %dma_wait3A_76 = tpu.memref_slice %arg4[%add3A, %dma_wait3A_74, %dma_wait3A_75] : memref<32x80x125xi32, #tpu.memory_space<hbm>> -> memref<1x80x125xi32, #tpu.memory_space<hbm>>
      %dma_wait3A_77 = tpu.memref_squeeze %dma_wait3A_76 : memref<1x80x125xi32, #tpu.memory_space<hbm>> -> memref<80x125xi32, #tpu.memory_space<hbm>>
      tpu.wait_dma2 semaphore(%run_scoped3A : memref<!tpu.dma_semaphore, #tpu.memory_space<semaphore_mem>>) src(%dma_wait3A_77 : memref<80x125xi32, #tpu.memory_space<hbm>>) dst(%arg8 : memref<80x125xi32, #tpu.memory_space<vmem>>)
      tpu.yield
    }) : () -> ()
    %mul3A_1 = arith.constant 640 : i32
    %mul3A_2 = arith.muli %arg1, %mul3A_1 : i32
    %mul3A_3 = arith.constant 640 : i32
    %mul3A_4 = arith.muli %arg1, %mul3A_3 : i32
    "tpu.region"() ({
      %run_scoped3A = tpu.sem_alloc : memref<!tpu.dma_semaphore, #tpu.memory_space<semaphore_mem>>
      %dma_start3A_62 = arith.constant 0 : i32
      %dma_start3A_63 = tpu.memref_slice %arg10[%mul3A_4, %dma_start3A_62] : memref<10240x128xbf16, #tpu.memory_space<vmem_shared>> -> memref<640x128xbf16, #tpu.memory_space<vmem_shared>>
      %dma_start3A_64 = arith.constant 0 : i32
      %dma_start3A_65 = tpu.memref_slice %arg5[%mul3A_2, %dma_start3A_64] : memref<10240x128xbf16, #tpu.memory_space<hbm>> -> memref<640x128xbf16, #tpu.memory_space<hbm>>
      tpu.enqueue_dma source(%dma_start3A_65 : memref<640x128xbf16, #tpu.memory_space<hbm>>) target(%dma_start3A_63 : memref<640x128xbf16, #tpu.memory_space<vmem_shared>>) target_semaphore(%run_scoped3A : memref<!tpu.dma_semaphore, #tpu.memory_space<semaphore_mem>>)
      %dma_wait3A_66 = arith.constant 0 : i32
      %dma_wait3A_67 = tpu.memref_slice %arg10[%mul3A_4, %dma_wait3A_66] : memref<10240x128xbf16, #tpu.memory_space<vmem_shared>> -> memref<640x128xbf16, #tpu.memory_space<vmem_shared>>
      %dma_wait3A_68 = arith.constant 0 : i32
      %dma_wait3A_69 = tpu.memref_slice %arg5[%mul3A_2, %dma_wait3A_68] : memref<10240x128xbf16, #tpu.memory_space<hbm>> -> memref<640x128xbf16, #tpu.memory_space<hbm>>
      tpu.wait_dma2 semaphore(%run_scoped3A : memref<!tpu.dma_semaphore, #tpu.memory_space<semaphore_mem>>) src(%dma_wait3A_69 : memref<640x128xbf16, #tpu.memory_space<hbm>>) dst(%dma_wait3A_67 : memref<640x128xbf16, #tpu.memory_space<vmem_shared>>)
      tpu.yield
    }) : () -> ()
    %barrier3A = arith.constant 0 : index
    tpu.barrier barrier_id(%barrier3A)
    %dma_start3A = arith.constant 0 : i32
    %dma_start3A_5 = arith.constant 0 : i32
    %dma_start3A_6 = arith.constant 0 : i32
    %dma_start3A_7 = arith.constant 0 : i32
    %dma_start3A_8 = tpu.memref_slice %arg9[%dma_start3A_5, %dma_start3A_6, %dma_start3A_7] : memref<4x125x128xbf16, #tpu.memory_space<vmem>> -> memref<1x125x128xbf16, #tpu.memory_space<vmem>>
    %dma_start3A_9 = tpu.memref_squeeze %dma_start3A_8 : memref<1x125x128xbf16, #tpu.memory_space<vmem>> -> memref<125x128xbf16, #tpu.memory_space<vmem>>
    %dma_start3A_10 = arith.constant 0 : i32
    %dma_start3A_11 = tpu.memref_slice %arg7[%dma_start3A, %dma_start3A_10] : memref<80x125xi32, #tpu.memory_space<vmem>> -> memref<1x125xi32, #tpu.memory_space<vmem>>
    %dma_start3A_12 = tpu.memref_squeeze %dma_start3A_11 : memref<1x125xi32, #tpu.memory_space<vmem>> -> memref<125xi32, #tpu.memory_space<vmem>>
    %dma_start3A_13 = arith.constant 0 : i32
    %dma_start3A_14 = arith.constant 0 : i32
    %dma_start3A_15 = tpu.memref_slice %arg2[%dma_start3A_13, %dma_start3A_14] : memref<10000x128xbf16, #tpu.memory_space<hbm>> -> memref<10000x128xbf16, #tpu.memory_space<hbm>>
    tpu.enqueue_indirect_dma source(%dma_start3A_15 : memref<10000x128xbf16, #tpu.memory_space<hbm>>) target(%dma_start3A_9 : memref<125x128xbf16, #tpu.memory_space<vmem>>) offsets(%dma_start3A_12 : memref<125xi32, #tpu.memory_space<vmem>>) semaphore(%arg11 : memref<!tpu.dma_semaphore, #tpu.memory_space<semaphore_mem>>)
    %dma_start3A_16 = arith.constant 1 : i32
    %dma_start3A_17 = arith.constant 1 : i32
    %dma_start3A_18 = arith.constant 0 : i32
    %dma_start3A_19 = arith.constant 0 : i32
    %dma_start3A_20 = tpu.memref_slice %arg9[%dma_start3A_17, %dma_start3A_18, %dma_start3A_19] : memref<4x125x128xbf16, #tpu.memory_space<vmem>> -> memref<1x125x128xbf16, #tpu.memory_space<vmem>>
    %dma_start3A_21 = tpu.memref_squeeze %dma_start3A_20 : memref<1x125x128xbf16, #tpu.memory_space<vmem>> -> memref<125x128xbf16, #tpu.memory_space<vmem>>
    %dma_start3A_22 = arith.constant 0 : i32
    %dma_start3A_23 = tpu.memref_slice %arg7[%dma_start3A_16, %dma_start3A_22] : memref<80x125xi32, #tpu.memory_space<vmem>> -> memref<1x125xi32, #tpu.memory_space<vmem>>
    %dma_start3A_24 = tpu.memref_squeeze %dma_start3A_23 : memref<1x125xi32, #tpu.memory_space<vmem>> -> memref<125xi32, #tpu.memory_space<vmem>>
    %dma_start3A_25 = arith.constant 0 : i32
    %dma_start3A_26 = arith.constant 0 : i32
    %dma_start3A_27 = tpu.memref_slice %arg2[%dma_start3A_25, %dma_start3A_26] : memref<10000x128xbf16, #tpu.memory_space<hbm>> -> memref<10000x128xbf16, #tpu.memory_space<hbm>>
    tpu.enqueue_indirect_dma source(%dma_start3A_27 : memref<10000x128xbf16, #tpu.memory_space<hbm>>) target(%dma_start3A_21 : memref<125x128xbf16, #tpu.memory_space<vmem>>) offsets(%dma_start3A_24 : memref<125xi32, #tpu.memory_space<vmem>>) semaphore(%arg11 : memref<!tpu.dma_semaphore, #tpu.memory_space<semaphore_mem>>)
    %dma_start3A_28 = arith.constant 2 : i32
    %dma_start3A_29 = arith.constant 2 : i32
    %dma_start3A_30 = arith.constant 0 : i32
    %dma_start3A_31 = arith.constant 0 : i32
    %dma_start3A_32 = tpu.memref_slice %arg9[%dma_start3A_29, %dma_start3A_30, %dma_start3A_31] : memref<4x125x128xbf16, #tpu.memory_space<vmem>> -> memref<1x125x128xbf16, #tpu.memory_space<vmem>>
    %dma_start3A_33 = tpu.memref_squeeze %dma_start3A_32 : memref<1x125x128xbf16, #tpu.memory_space<vmem>> -> memref<125x128xbf16, #tpu.memory_space<vmem>>
    %dma_start3A_34 = arith.constant 0 : i32
    %dma_start3A_35 = tpu.memref_slice %arg7[%dma_start3A_28, %dma_start3A_34] : memref<80x125xi32, #tpu.memory_space<vmem>> -> memref<1x125xi32, #tpu.memory_space<vmem>>
    %dma_start3A_36 = tpu.memref_squeeze %dma_start3A_35 : memref<1x125xi32, #tpu.memory_space<vmem>> -> memref<125xi32, #tpu.memory_space<vmem>>
    %dma_start3A_37 = arith.constant 0 : i32
    %dma_start3A_38 = arith.constant 0 : i32
    %dma_start3A_39 = tpu.memref_slice %arg2[%dma_start3A_37, %dma_start3A_38] : memref<10000x128xbf16, #tpu.memory_space<hbm>> -> memref<10000x128xbf16, #tpu.memory_space<hbm>>
    tpu.enqueue_indirect_dma source(%dma_start3A_39 : memref<10000x128xbf16, #tpu.memory_space<hbm>>) target(%dma_start3A_33 : memref<125x128xbf16, #tpu.memory_space<vmem>>) offsets(%dma_start3A_36 : memref<125xi32, #tpu.memory_space<vmem>>) semaphore(%arg11 : memref<!tpu.dma_semaphore, #tpu.memory_space<semaphore_mem>>)
    %scan3A = arith.constant 0 : i32
    %scan3A_40 = arith.constant 80 : i32
    %scan3A_41 = arith.addi %scan3A, %scan3A_40 : i32
    %scan3A_42 = arith.constant 1 : i32
    scf.for %scan3A_62 = %scan3A to %scan3A_41 step %scan3A_42  : i32 {
      %mul3A_63 = arith.constant 1 : i32
      %mul3A_64 = arith.muli %scan3A_62, %mul3A_63 : i32
      %add3A_65 = arith.constant 0 : i32
      %add3A_66 = arith.addi %add3A_65, %mul3A_64 : i32
      %rem3A_67 = arith.constant 4 : i32
      %rem3A_68 = arith.remsi %add3A_66, %rem3A_67 : i32
      %dma_wait3A_69 = arith.constant 0 : i32
      %dma_wait3A_70 = arith.constant 0 : i32
      %dma_wait3A_71 = tpu.memref_slice %arg9[%rem3A_68, %dma_wait3A_69, %dma_wait3A_70] : memref<4x125x128xbf16, #tpu.memory_space<vmem>> -> memref<1x125x128xbf16, #tpu.memory_space<vmem>>
      %dma_wait3A_72 = tpu.memref_squeeze %dma_wait3A_71 : memref<1x125x128xbf16, #tpu.memory_space<vmem>> -> memref<125x128xbf16, #tpu.memory_space<vmem>>
      %dma_wait3A_73 = arith.constant 0 : i32
      %dma_wait3A_74 = tpu.memref_slice %arg7[%add3A_66, %dma_wait3A_73] : memref<80x125xi32, #tpu.memory_space<vmem>> -> memref<1x125xi32, #tpu.memory_space<vmem>>
      %dma_wait3A_75 = tpu.memref_squeeze %dma_wait3A_74 : memref<1x125xi32, #tpu.memory_space<vmem>> -> memref<125xi32, #tpu.memory_space<vmem>>
      %dma_wait3A_76 = arith.constant 0 : i32
      %dma_wait3A_77 = arith.constant 0 : i32
      %dma_wait3A_78 = tpu.memref_slice %arg2[%dma_wait3A_76, %dma_wait3A_77] : memref<10000x128xbf16, #tpu.memory_space<hbm>> -> memref<10000x128xbf16, #tpu.memory_space<hbm>>
      tpu.wait_indirect_dma semaphore(%arg11 : memref<!tpu.dma_semaphore, #tpu.memory_space<semaphore_mem>>) src(%dma_wait3A_78 : memref<10000x128xbf16, #tpu.memory_space<hbm>>) dst(%dma_wait3A_72 : memref<125x128xbf16, #tpu.memory_space<vmem>>)
      %ge3A = arith.constant 1 : i32
      %ge3A_79 = arith.cmpi sge, %add3A_66, %ge3A : i32
      %convert_element_type3A = arith.extui %ge3A_79 : i1 to i32
      %cond3A = arith.constant 0 : i32
      %cond3A_80 = arith.cmpi ne, %convert_element_type3A, %cond3A : i32
      scf.if %cond3A_80 {
        %sub3A = arith.constant 1 : i32
        %sub3A_97 = arith.subi %add3A_66, %sub3A : i32
        %sub3A_98 = arith.constant 1 : i32
        %sub3A_99 = arith.subi %add3A_66, %sub3A_98 : i32
        %rem3A_100 = arith.constant 4 : i32
        %rem3A_101 = arith.remsi %sub3A_99, %rem3A_100 : i32
        %dma_wait3A_102 = arith.constant 0 : i32
        %dma_wait3A_103 = arith.constant 0 : i32
        %dma_wait3A_104 = tpu.memref_slice %arg9[%rem3A_101, %dma_wait3A_102, %dma_wait3A_103] : memref<4x125x128xbf16, #tpu.memory_space<vmem>> -> memref<1x125x128xbf16, #tpu.memory_space<vmem>>
        %dma_wait3A_105 = tpu.memref_squeeze %dma_wait3A_104 : memref<1x125x128xbf16, #tpu.memory_space<vmem>> -> memref<125x128xbf16, #tpu.memory_space<vmem>>
        %dma_wait3A_106 = arith.constant 0 : i32
        %dma_wait3A_107 = tpu.memref_slice %arg8[%sub3A_97, %dma_wait3A_106] : memref<80x125xi32, #tpu.memory_space<vmem>> -> memref<1x125xi32, #tpu.memory_space<vmem>>
        %dma_wait3A_108 = tpu.memref_squeeze %dma_wait3A_107 : memref<1x125xi32, #tpu.memory_space<vmem>> -> memref<125xi32, #tpu.memory_space<vmem>>
        %dma_wait3A_109 = arith.constant 0 : i32
        %dma_wait3A_110 = arith.constant 0 : i32
        %dma_wait3A_111 = tpu.memref_slice %arg10[%dma_wait3A_109, %dma_wait3A_110] : memref<10240x128xbf16, #tpu.memory_space<vmem_shared>> -> memref<10240x128xbf16, #tpu.memory_space<vmem_shared>>
        tpu.wait_indirect_dma semaphore(%arg12 : memref<!tpu.dma_semaphore, #tpu.memory_space<semaphore_mem>>) src(%dma_wait3A_105 : memref<125x128xbf16, #tpu.memory_space<vmem>>) dst(%dma_wait3A_111 : memref<10240x128xbf16, #tpu.memory_space<vmem_shared>>)
      } else {
      }
      %add3A_81 = arith.constant 3 : i32
      %add3A_82 = arith.addi %add3A_66, %add3A_81 : i32
      %lt3A = arith.constant 80 : i32
      %lt3A_83 = arith.cmpi slt, %add3A_82, %lt3A : i32
      %convert_element_type3A_84 = arith.extui %lt3A_83 : i1 to i32
      %cond3A_85 = arith.constant 0 : i32
      %cond3A_86 = arith.cmpi ne, %convert_element_type3A_84, %cond3A_85 : i32
      scf.if %cond3A_86 {
        %add3A_97 = arith.constant 3 : i32
        %add3A_98 = arith.addi %add3A_66, %add3A_97 : i32
        %add3A_99 = arith.constant 3 : i32
        %add3A_100 = arith.addi %add3A_66, %add3A_99 : i32
        %rem3A_101 = arith.constant 4 : i32
        %rem3A_102 = arith.remsi %add3A_100, %rem3A_101 : i32
        %dma_start3A_103 = arith.constant 0 : i32
        %dma_start3A_104 = arith.constant 0 : i32
        %dma_start3A_105 = tpu.memref_slice %arg9[%rem3A_102, %dma_start3A_103, %dma_start3A_104] : memref<4x125x128xbf16, #tpu.memory_space<vmem>> -> memref<1x125x128xbf16, #tpu.memory_space<vmem>>
        %dma_start3A_106 = tpu.memref_squeeze %dma_start3A_105 : memref<1x125x128xbf16, #tpu.memory_space<vmem>> -> memref<125x128xbf16, #tpu.memory_space<vmem>>
        %dma_start3A_107 = arith.constant 0 : i32
        %dma_start3A_108 = tpu.memref_slice %arg7[%add3A_98, %dma_start3A_107] : memref<80x125xi32, #tpu.memory_space<vmem>> -> memref<1x125xi32, #tpu.memory_space<vmem>>
        %dma_start3A_109 = tpu.memref_squeeze %dma_start3A_108 : memref<1x125xi32, #tpu.memory_space<vmem>> -> memref<125xi32, #tpu.memory_space<vmem>>
        %dma_start3A_110 = arith.constant 0 : i32
        %dma_start3A_111 = arith.constant 0 : i32
        %dma_start3A_112 = tpu.memref_slice %arg2[%dma_start3A_110, %dma_start3A_111] : memref<10000x128xbf16, #tpu.memory_space<hbm>> -> memref<10000x128xbf16, #tpu.memory_space<hbm>>
        tpu.enqueue_indirect_dma source(%dma_start3A_112 : memref<10000x128xbf16, #tpu.memory_space<hbm>>) target(%dma_start3A_106 : memref<125x128xbf16, #tpu.memory_space<vmem>>) offsets(%dma_start3A_109 : memref<125xi32, #tpu.memory_space<vmem>>) semaphore(%arg11 : memref<!tpu.dma_semaphore, #tpu.memory_space<semaphore_mem>>)
      } else {
      }
      %dma_start3A_87 = arith.constant 0 : i32
      %dma_start3A_88 = arith.constant 0 : i32
      %dma_start3A_89 = tpu.memref_slice %arg9[%rem3A_68, %dma_start3A_87, %dma_start3A_88] : memref<4x125x128xbf16, #tpu.memory_space<vmem>> -> memref<1x125x128xbf16, #tpu.memory_space<vmem>>
      %dma_start3A_90 = tpu.memref_squeeze %dma_start3A_89 : memref<1x125x128xbf16, #tpu.memory_space<vmem>> -> memref<125x128xbf16, #tpu.memory_space<vmem>>
      %dma_start3A_91 = arith.constant 0 : i32
      %dma_start3A_92 = tpu.memref_slice %arg8[%add3A_66, %dma_start3A_91] : memref<80x125xi32, #tpu.memory_space<vmem>> -> memref<1x125xi32, #tpu.memory_space<vmem>>
      %dma_start3A_93 = tpu.memref_squeeze %dma_start3A_92 : memref<1x125xi32, #tpu.memory_space<vmem>> -> memref<125xi32, #tpu.memory_space<vmem>>
      %dma_start3A_94 = arith.constant 0 : i32
      %dma_start3A_95 = arith.constant 0 : i32
      %dma_start3A_96 = tpu.memref_slice %arg10[%dma_start3A_94, %dma_start3A_95] : memref<10240x128xbf16, #tpu.memory_space<vmem_shared>> -> memref<10240x128xbf16, #tpu.memory_space<vmem_shared>>
      tpu.enqueue_indirect_dma source(%dma_start3A_90 : memref<125x128xbf16, #tpu.memory_space<vmem>>) target(%dma_start3A_96 : memref<10240x128xbf16, #tpu.memory_space<vmem_shared>>) offsets(%dma_start3A_93 : memref<125xi32, #tpu.memory_space<vmem>>) semaphore(%arg12 : memref<!tpu.dma_semaphore, #tpu.memory_space<semaphore_mem>>) {add = true}
    }
    %scan3A_43 = arith.constant 80 : i32
    %rem3A = arith.constant 79 : i32
    %rem3A_44 = arith.constant 4 : i32
    %rem3A_45 = arith.remsi %rem3A, %rem3A_44 : i32
    %dma_wait3A = arith.constant 79 : i32
    %dma_wait3A_46 = arith.constant 0 : i32
    %dma_wait3A_47 = arith.constant 0 : i32
    %dma_wait3A_48 = tpu.memref_slice %arg9[%rem3A_45, %dma_wait3A_46, %dma_wait3A_47] : memref<4x125x128xbf16, #tpu.memory_space<vmem>> -> memref<1x125x128xbf16, #tpu.memory_space<vmem>>
    %dma_wait3A_49 = tpu.memref_squeeze %dma_wait3A_48 : memref<1x125x128xbf16, #tpu.memory_space<vmem>> -> memref<125x128xbf16, #tpu.memory_space<vmem>>
    %dma_wait3A_50 = arith.constant 0 : i32
    %dma_wait3A_51 = tpu.memref_slice %arg8[%dma_wait3A, %dma_wait3A_50] : memref<80x125xi32, #tpu.memory_space<vmem>> -> memref<1x125xi32, #tpu.memory_space<vmem>>
    %dma_wait3A_52 = tpu.memref_squeeze %dma_wait3A_51 : memref<1x125xi32, #tpu.memory_space<vmem>> -> memref<125xi32, #tpu.memory_space<vmem>>
    %dma_wait3A_53 = arith.constant 0 : i32
    %dma_wait3A_54 = arith.constant 0 : i32
    %dma_wait3A_55 = tpu.memref_slice %arg10[%dma_wait3A_53, %dma_wait3A_54] : memref<10240x128xbf16, #tpu.memory_space<vmem_shared>> -> memref<10240x128xbf16, #tpu.memory_space<vmem_shared>>
    tpu.wait_indirect_dma semaphore(%arg12 : memref<!tpu.dma_semaphore, #tpu.memory_space<semaphore_mem>>) src(%dma_wait3A_49 : memref<125x128xbf16, #tpu.memory_space<vmem>>) dst(%dma_wait3A_55 : memref<10240x128xbf16, #tpu.memory_space<vmem_shared>>)
    %barrier3A_56 = arith.constant 0 : index
    tpu.barrier barrier_id(%barrier3A_56)
    %scan3A_57 = arith.constant 0 : i32
    %scan3A_58 = arith.constant 10 : i32
    %scan3A_59 = arith.addi %scan3A_57, %scan3A_58 : i32
    %scan3A_60 = arith.constant 1 : i32
    scf.for %scan3A_62 = %scan3A_57 to %scan3A_59 step %scan3A_60  : i32 {
      %mul3A_63 = arith.constant 1 : i32
      %mul3A_64 = arith.muli %scan3A_62, %mul3A_63 : i32
      %add3A_65 = arith.constant 0 : i32
      %add3A_66 = arith.addi %add3A_65, %mul3A_64 : i32
      %mul3A_67 = arith.constant 640 : i32
      %mul3A_68 = arith.muli %arg1, %mul3A_67 : i32
      %mul3A_69 = arith.constant 64 : i32
      %mul3A_70 = arith.muli %add3A_66, %mul3A_69 : i32
      %add3A_71 = arith.addi %mul3A_68, %mul3A_70 : i32
      %run_scoped3A = arith.constant 0 : i32
      "tpu.region"() ({
        %run_scoped3A_73 = tpu.sem_alloc : memref<!tpu.dma_semaphore, #tpu.memory_space<semaphore_mem>>
        %dma_start3A_74 = arith.constant 0 : i32
        %dma_start3A_75 = arith.constant 0 : i32
        %dma_start3A_76 = tpu.memref_slice %arg9[%run_scoped3A, %dma_start3A_74, %dma_start3A_75] : memref<4x125x128xbf16, #tpu.memory_space<vmem>> -> memref<1x64x128xbf16, #tpu.memory_space<vmem>>
        %dma_start3A_77 = tpu.memref_squeeze %dma_start3A_76 : memref<1x64x128xbf16, #tpu.memory_space<vmem>> -> memref<64x128xbf16, #tpu.memory_space<vmem>>
        %dma_start3A_78 = arith.constant 0 : i32
        %dma_start3A_79 = tpu.memref_slice %arg10[%add3A_71, %dma_start3A_78] : memref<10240x128xbf16, #tpu.memory_space<vmem_shared>> -> memref<64x128xbf16, #tpu.memory_space<vmem_shared>>
        %dma_start3A_80 = arith.constant 0 : i32
        %dma_start3A_81 = arith.constant 0 : i32
        %dma_start3A_82 = tpu.memref_slice %arg9[%run_scoped3A, %dma_start3A_80, %dma_start3A_81] : memref<4x125x128xbf16, #tpu.memory_space<vmem>> -> memref<1x64x128xbf16, #tpu.memory_space<vmem>>
        %dma_start3A_83 = tpu.memref_squeeze %dma_start3A_82 : memref<1x64x128xbf16, #tpu.memory_space<vmem>> -> memref<64x128xbf16, #tpu.memory_space<vmem>>
        %dma_start3A_84 = arith.constant 0 : i32
        %dma_start3A_85 = tpu.memref_slice %arg10[%add3A_71, %dma_start3A_84] : memref<10240x128xbf16, #tpu.memory_space<vmem_shared>> -> memref<64x128xbf16, #tpu.memory_space<vmem_shared>>
        tpu.enqueue_dma source(%dma_start3A_85 : memref<64x128xbf16, #tpu.memory_space<vmem_shared>>) target(%dma_start3A_83 : memref<64x128xbf16, #tpu.memory_space<vmem>>) target_semaphore(%run_scoped3A_73 : memref<!tpu.dma_semaphore, #tpu.memory_space<semaphore_mem>>)
        %dma_wait3A_86 = arith.constant 0 : i32
        %dma_wait3A_87 = arith.constant 0 : i32
        %dma_wait3A_88 = tpu.memref_slice %arg9[%run_scoped3A, %dma_wait3A_86, %dma_wait3A_87] : memref<4x125x128xbf16, #tpu.memory_space<vmem>> -> memref<1x64x128xbf16, #tpu.memory_space<vmem>>
        %dma_wait3A_89 = tpu.memref_squeeze %dma_wait3A_88 : memref<1x64x128xbf16, #tpu.memory_space<vmem>> -> memref<64x128xbf16, #tpu.memory_space<vmem>>
        %dma_wait3A_90 = arith.constant 0 : i32
        %dma_wait3A_91 = tpu.memref_slice %arg10[%add3A_71, %dma_wait3A_90] : memref<10240x128xbf16, #tpu.memory_space<vmem_shared>> -> memref<64x128xbf16, #tpu.memory_space<vmem_shared>>
        %dma_wait3A_92 = arith.constant 0 : i32
        %dma_wait3A_93 = arith.constant 0 : i32
        %dma_wait3A_94 = tpu.memref_slice %arg9[%run_scoped3A, %dma_wait3A_92, %dma_wait3A_93] : memref<4x125x128xbf16, #tpu.memory_space<vmem>> -> memref<1x64x128xbf16, #tpu.memory_space<vmem>>
        %dma_wait3A_95 = tpu.memref_squeeze %dma_wait3A_94 : memref<1x64x128xbf16, #tpu.memory_space<vmem>> -> memref<64x128xbf16, #tpu.memory_space<vmem>>
        %dma_wait3A_96 = arith.constant 0 : i32
        %dma_wait3A_97 = tpu.memref_slice %arg10[%add3A_71, %dma_wait3A_96] : memref<10240x128xbf16, #tpu.memory_space<vmem_shared>> -> memref<64x128xbf16, #tpu.memory_space<vmem_shared>>
        tpu.wait_dma2 semaphore(%run_scoped3A_73 : memref<!tpu.dma_semaphore, #tpu.memory_space<semaphore_mem>>) src(%dma_wait3A_97 : memref<64x128xbf16, #tpu.memory_space<vmem_shared>>) dst(%dma_wait3A_95 : memref<64x128xbf16, #tpu.memory_space<vmem>>)
        tpu.yield
      }) : () -> ()
      %run_scoped3A_72 = arith.constant 0 : i32
      "tpu.region"() ({
        %run_scoped3A_73 = tpu.sem_alloc : memref<!tpu.dma_semaphore, #tpu.memory_space<semaphore_mem>>
        %dma_start3A_74 = arith.constant 0 : i32
        %dma_start3A_75 = arith.constant 0 : i32
        %dma_start3A_76 = tpu.memref_slice %arg9[%run_scoped3A_72, %dma_start3A_74, %dma_start3A_75] : memref<4x125x128xbf16, #tpu.memory_space<vmem>> -> memref<1x64x128xbf16, #tpu.memory_space<vmem>>
        %dma_start3A_77 = tpu.memref_squeeze %dma_start3A_76 : memref<1x64x128xbf16, #tpu.memory_space<vmem>> -> memref<64x128xbf16, #tpu.memory_space<vmem>>
        %dma_start3A_78 = arith.constant 0 : i32
        %dma_start3A_79 = tpu.memref_slice %arg6[%arg0, %add3A_71, %dma_start3A_78] : memref<2x10240x128xbf16, #tpu.memory_space<hbm>> -> memref<1x64x128xbf16, #tpu.memory_space<hbm>>
        %dma_start3A_80 = tpu.memref_squeeze %dma_start3A_79 : memref<1x64x128xbf16, #tpu.memory_space<hbm>> -> memref<64x128xbf16, #tpu.memory_space<hbm>>
        %dma_start3A_81 = arith.constant 0 : i32
        %dma_start3A_82 = tpu.memref_slice %arg6[%arg0, %add3A_71, %dma_start3A_81] : memref<2x10240x128xbf16, #tpu.memory_space<hbm>> -> memref<1x64x128xbf16, #tpu.memory_space<hbm>>
        %dma_start3A_83 = tpu.memref_squeeze %dma_start3A_82 : memref<1x64x128xbf16, #tpu.memory_space<hbm>> -> memref<64x128xbf16, #tpu.memory_space<hbm>>
        %dma_start3A_84 = arith.constant 0 : i32
        %dma_start3A_85 = arith.constant 0 : i32
        %dma_start3A_86 = tpu.memref_slice %arg9[%run_scoped3A_72, %dma_start3A_84, %dma_start3A_85] : memref<4x125x128xbf16, #tpu.memory_space<vmem>> -> memref<1x64x128xbf16, #tpu.memory_space<vmem>>
        %dma_start3A_87 = tpu.memref_squeeze %dma_start3A_86 : memref<1x64x128xbf16, #tpu.memory_space<vmem>> -> memref<64x128xbf16, #tpu.memory_space<vmem>>
        tpu.enqueue_dma source(%dma_start3A_87 : memref<64x128xbf16, #tpu.memory_space<vmem>>) target(%dma_start3A_83 : memref<64x128xbf16, #tpu.memory_space<hbm>>) target_semaphore(%run_scoped3A_73 : memref<!tpu.dma_semaphore, #tpu.memory_space<semaphore_mem>>)
        %dma_wait3A_88 = arith.constant 0 : i32
        %dma_wait3A_89 = arith.constant 0 : i32
        %dma_wait3A_90 = tpu.memref_slice %arg9[%run_scoped3A_72, %dma_wait3A_88, %dma_wait3A_89] : memref<4x125x128xbf16, #tpu.memory_space<vmem>> -> memref<1x64x128xbf16, #tpu.memory_space<vmem>>
        %dma_wait3A_91 = tpu.memref_squeeze %dma_wait3A_90 : memref<1x64x128xbf16, #tpu.memory_space<vmem>> -> memref<64x128xbf16, #tpu.memory_space<vmem>>
        %dma_wait3A_92 = arith.constant 0 : i32
        %dma_wait3A_93 = tpu.memref_slice %arg6[%arg0, %add3A_71, %dma_wait3A_92] : memref<2x10240x128xbf16, #tpu.memory_space<hbm>> -> memref<1x64x128xbf16, #tpu.memory_space<hbm>>
        %dma_wait3A_94 = tpu.memref_squeeze %dma_wait3A_93 : memref<1x64x128xbf16, #tpu.memory_space<hbm>> -> memref<64x128xbf16, #tpu.memory_space<hbm>>
        %dma_wait3A_95 = arith.constant 0 : i32
        %dma_wait3A_96 = tpu.memref_slice %arg6[%arg0, %add3A_71, %dma_wait3A_95] : memref<2x10240x128xbf16, #tpu.memory_space<hbm>> -> memref<1x64x128xbf16, #tpu.memory_space<hbm>>
        %dma_wait3A_97 = tpu.memref_squeeze %dma_wait3A_96 : memref<1x64x128xbf16, #tpu.memory_space<hbm>> -> memref<64x128xbf16, #tpu.memory_space<hbm>>
        %dma_wait3A_98 = arith.constant 0 : i32
        %dma_wait3A_99 = arith.constant 0 : i32
        %dma_wait3A_100 = tpu.memref_slice %arg9[%run_scoped3A_72, %dma_wait3A_98, %dma_wait3A_99] : memref<4x125x128xbf16, #tpu.memory_space<vmem>> -> memref<1x64x128xbf16, #tpu.memory_space<vmem>>
        %dma_wait3A_101 = tpu.memref_squeeze %dma_wait3A_100 : memref<1x64x128xbf16, #tpu.memory_space<vmem>> -> memref<64x128xbf16, #tpu.memory_space<vmem>>
        tpu.wait_dma2 semaphore(%run_scoped3A_73 : memref<!tpu.dma_semaphore, #tpu.memory_space<semaphore_mem>>) src(%dma_wait3A_101 : memref<64x128xbf16, #tpu.memory_space<vmem>>) dst(%dma_wait3A_97 : memref<64x128xbf16, #tpu.memory_space<hbm>>)
        tpu.yield
      }) : () -> ()
    }
    %scan3A_61 = arith.constant 10 : i32
    return
  }
}

#map = affine_map<(d0, d1) -> (0, 0, 0)>
#map1 = affine_map<(d0, d1) -> (0)>
module attributes {stable_mosaic.version = 14 : i64} {
  func.func @_deg_body(%arg0: i32, %arg1: i32, %arg2: memref<32x80x125xi32, #tpu.memory_space<hbm>>, %arg3: memref<10000xf32, #tpu.memory_space<hbm>>, %arg4: memref<20000xf32, #tpu.memory_space<hbm>>, %arg5: memref<80x125xi32, #tpu.memory_space<vmem>>, %arg6: memref<128xf32, #tpu.memory_space<vmem>>, %arg7: memref<10000xf32, #tpu.memory_space<vmem>>, %arg8: memref<10000xf32, #tpu.memory_space<vmem_shared>>) attributes {dimension_semantics = [#tpu.dimension_semantics<core_parallel>, #tpu.dimension_semantics<subcore_parallel>], iteration_bounds = array<i64: 2, 16>, scalar_prefetch = 0 : i64, scratch_operands = 4 : i64, tpu.core_type = #tpu.core_type<sc_vector_subcore>, window_params = [{transform_indices = #map}, {transform_indices = #map1}, {transform_indices = #map1}]} {
    %mul3A = arith.constant 2 : i32
    %mul3A_0 = arith.muli %arg1, %mul3A : i32
    %add3A = arith.addi %mul3A_0, %arg0 : i32
    "tpu.region"() ({
      %run_scoped3A = tpu.sem_alloc : memref<!tpu.dma_semaphore, #tpu.memory_space<semaphore_mem>>
      %dma_start3A = arith.constant 0 : i32
      %dma_start3A_59 = arith.constant 0 : i32
      %dma_start3A_60 = tpu.memref_slice %arg2[%add3A, %dma_start3A, %dma_start3A_59] : memref<32x80x125xi32, #tpu.memory_space<hbm>> -> memref<1x80x125xi32, #tpu.memory_space<hbm>>
      %dma_start3A_61 = tpu.memref_squeeze %dma_start3A_60 : memref<1x80x125xi32, #tpu.memory_space<hbm>> -> memref<80x125xi32, #tpu.memory_space<hbm>>
      %dma_start3A_62 = arith.constant 0 : i32
      %dma_start3A_63 = arith.constant 0 : i32
      %dma_start3A_64 = tpu.memref_slice %arg2[%add3A, %dma_start3A_62, %dma_start3A_63] : memref<32x80x125xi32, #tpu.memory_space<hbm>> -> memref<1x80x125xi32, #tpu.memory_space<hbm>>
      %dma_start3A_65 = tpu.memref_squeeze %dma_start3A_64 : memref<1x80x125xi32, #tpu.memory_space<hbm>> -> memref<80x125xi32, #tpu.memory_space<hbm>>
      tpu.enqueue_dma source(%dma_start3A_65 : memref<80x125xi32, #tpu.memory_space<hbm>>) target(%arg5 : memref<80x125xi32, #tpu.memory_space<vmem>>) target_semaphore(%run_scoped3A : memref<!tpu.dma_semaphore, #tpu.memory_space<semaphore_mem>>)
      %dma_wait3A = arith.constant 0 : i32
      %dma_wait3A_66 = arith.constant 0 : i32
      %dma_wait3A_67 = tpu.memref_slice %arg2[%add3A, %dma_wait3A, %dma_wait3A_66] : memref<32x80x125xi32, #tpu.memory_space<hbm>> -> memref<1x80x125xi32, #tpu.memory_space<hbm>>
      %dma_wait3A_68 = tpu.memref_squeeze %dma_wait3A_67 : memref<1x80x125xi32, #tpu.memory_space<hbm>> -> memref<80x125xi32, #tpu.memory_space<hbm>>
      %dma_wait3A_69 = arith.constant 0 : i32
      %dma_wait3A_70 = arith.constant 0 : i32
      %dma_wait3A_71 = tpu.memref_slice %arg2[%add3A, %dma_wait3A_69, %dma_wait3A_70] : memref<32x80x125xi32, #tpu.memory_space<hbm>> -> memref<1x80x125xi32, #tpu.memory_space<hbm>>
      %dma_wait3A_72 = tpu.memref_squeeze %dma_wait3A_71 : memref<1x80x125xi32, #tpu.memory_space<hbm>> -> memref<80x125xi32, #tpu.memory_space<hbm>>
      tpu.wait_dma2 semaphore(%run_scoped3A : memref<!tpu.dma_semaphore, #tpu.memory_space<semaphore_mem>>) src(%dma_wait3A_72 : memref<80x125xi32, #tpu.memory_space<hbm>>) dst(%arg5 : memref<80x125xi32, #tpu.memory_space<vmem>>)
      tpu.yield
    }) : () -> ()
    %broadcast_in_dim3A = arith.constant 1.000000e+00 : f32
    %broadcast_in_dim3A_1 = vector.broadcast %broadcast_in_dim3A : f32 to vector<16xf32>
    %swap3A = arith.constant 0 : index
    %swap3A_2 = tpu.vector_load %arg6[%swap3A] {strides = array<i32>} : memref<128xf32, #tpu.memory_space<vmem>>, vector<16xf32>,
    %swap3A_3 = vector.shape_cast %swap3A_2 : vector<16xf32> to vector<16xf32>
    %swap3A_4 = vector.shape_cast %broadcast_in_dim3A_1 : vector<16xf32> to vector<16xf32>
    tpu.vector_store %arg6[%swap3A], %swap3A_4 {strides = array<i32>} : memref<128xf32, #tpu.memory_space<vmem>>, vector<16xf32>,
    %broadcast_in_dim3A_5 = arith.constant 1.000000e+00 : f32
    %broadcast_in_dim3A_6 = vector.broadcast %broadcast_in_dim3A_5 : f32 to vector<16xf32>
    %swap3A_7 = arith.constant 16 : index
    %swap3A_8 = tpu.vector_load %arg6[%swap3A_7] {strides = array<i32>} : memref<128xf32, #tpu.memory_space<vmem>>, vector<16xf32>,
    %swap3A_9 = vector.shape_cast %swap3A_8 : vector<16xf32> to vector<16xf32>
    %swap3A_10 = vector.shape_cast %broadcast_in_dim3A_6 : vector<16xf32> to vector<16xf32>
    tpu.vector_store %arg6[%swap3A_7], %swap3A_10 {strides = array<i32>} : memref<128xf32, #tpu.memory_space<vmem>>, vector<16xf32>,
    %broadcast_in_dim3A_11 = arith.constant 1.000000e+00 : f32
    %broadcast_in_dim3A_12 = vector.broadcast %broadcast_in_dim3A_11 : f32 to vector<16xf32>
    %swap3A_13 = arith.constant 32 : index
    %swap3A_14 = tpu.vector_load %arg6[%swap3A_13] {strides = array<i32>} : memref<128xf32, #tpu.memory_space<vmem>>, vector<16xf32>,
    %swap3A_15 = vector.shape_cast %swap3A_14 : vector<16xf32> to vector<16xf32>
    %swap3A_16 = vector.shape_cast %broadcast_in_dim3A_12 : vector<16xf32> to vector<16xf32>
    tpu.vector_store %arg6[%swap3A_13], %swap3A_16 {strides = array<i32>} : memref<128xf32, #tpu.memory_space<vmem>>, vector<16xf32>,
    %broadcast_in_dim3A_17 = arith.constant 1.000000e+00 : f32
    %broadcast_in_dim3A_18 = vector.broadcast %broadcast_in_dim3A_17 : f32 to vector<16xf32>
    %swap3A_19 = arith.constant 48 : index
    %swap3A_20 = tpu.vector_load %arg6[%swap3A_19] {strides = array<i32>} : memref<128xf32, #tpu.memory_space<vmem>>, vector<16xf32>,
    %swap3A_21 = vector.shape_cast %swap3A_20 : vector<16xf32> to vector<16xf32>
    %swap3A_22 = vector.shape_cast %broadcast_in_dim3A_18 : vector<16xf32> to vector<16xf32>
    tpu.vector_store %arg6[%swap3A_19], %swap3A_22 {strides = array<i32>} : memref<128xf32, #tpu.memory_space<vmem>>, vector<16xf32>,
    %broadcast_in_dim3A_23 = arith.constant 1.000000e+00 : f32
    %broadcast_in_dim3A_24 = vector.broadcast %broadcast_in_dim3A_23 : f32 to vector<16xf32>
    %swap3A_25 = arith.constant 64 : index
    %swap3A_26 = tpu.vector_load %arg6[%swap3A_25] {strides = array<i32>} : memref<128xf32, #tpu.memory_space<vmem>>, vector<16xf32>,
    %swap3A_27 = vector.shape_cast %swap3A_26 : vector<16xf32> to vector<16xf32>
    %swap3A_28 = vector.shape_cast %broadcast_in_dim3A_24 : vector<16xf32> to vector<16xf32>
    tpu.vector_store %arg6[%swap3A_25], %swap3A_28 {strides = array<i32>} : memref<128xf32, #tpu.memory_space<vmem>>, vector<16xf32>,
    %broadcast_in_dim3A_29 = arith.constant 1.000000e+00 : f32
    %broadcast_in_dim3A_30 = vector.broadcast %broadcast_in_dim3A_29 : f32 to vector<16xf32>
    %swap3A_31 = arith.constant 80 : index
    %swap3A_32 = tpu.vector_load %arg6[%swap3A_31] {strides = array<i32>} : memref<128xf32, #tpu.memory_space<vmem>>, vector<16xf32>,
    %swap3A_33 = vector.shape_cast %swap3A_32 : vector<16xf32> to vector<16xf32>
    %swap3A_34 = vector.shape_cast %broadcast_in_dim3A_30 : vector<16xf32> to vector<16xf32>
    tpu.vector_store %arg6[%swap3A_31], %swap3A_34 {strides = array<i32>} : memref<128xf32, #tpu.memory_space<vmem>>, vector<16xf32>,
    %broadcast_in_dim3A_35 = arith.constant 1.000000e+00 : f32
    %broadcast_in_dim3A_36 = vector.broadcast %broadcast_in_dim3A_35 : f32 to vector<16xf32>
    %swap3A_37 = arith.constant 96 : index
    %swap3A_38 = tpu.vector_load %arg6[%swap3A_37] {strides = array<i32>} : memref<128xf32, #tpu.memory_space<vmem>>, vector<16xf32>,
    %swap3A_39 = vector.shape_cast %swap3A_38 : vector<16xf32> to vector<16xf32>
    %swap3A_40 = vector.shape_cast %broadcast_in_dim3A_36 : vector<16xf32> to vector<16xf32>
    tpu.vector_store %arg6[%swap3A_37], %swap3A_40 {strides = array<i32>} : memref<128xf32, #tpu.memory_space<vmem>>, vector<16xf32>,
    %broadcast_in_dim3A_41 = arith.constant 1.000000e+00 : f32
    %broadcast_in_dim3A_42 = vector.broadcast %broadcast_in_dim3A_41 : f32 to vector<16xf32>
    %swap3A_43 = arith.constant 112 : index
    %swap3A_44 = tpu.vector_load %arg6[%swap3A_43] {strides = array<i32>} : memref<128xf32, #tpu.memory_space<vmem>>, vector<16xf32>,
    %swap3A_45 = vector.shape_cast %swap3A_44 : vector<16xf32> to vector<16xf32>
    %swap3A_46 = vector.shape_cast %broadcast_in_dim3A_42 : vector<16xf32> to vector<16xf32>
    tpu.vector_store %arg6[%swap3A_43], %swap3A_46 {strides = array<i32>} : memref<128xf32, #tpu.memory_space<vmem>>, vector<16xf32>,
    %eq3A = arith.constant 0 : i32
    %eq3A_47 = arith.cmpi eq, %arg1, %eq3A : i32
    %convert_element_type3A = arith.extui %eq3A_47 : i1 to i32
    %cond3A = arith.constant 0 : i32
    %cond3A_48 = arith.cmpi ne, %convert_element_type3A, %cond3A : i32
    scf.if %cond3A_48 {
      "tpu.region"() ({
        %run_scoped3A = tpu.sem_alloc : memref<!tpu.dma_semaphore, #tpu.memory_space<semaphore_mem>>
        tpu.enqueue_dma source(%arg3 : memref<10000xf32, #tpu.memory_space<hbm>>) target(%arg8 : memref<10000xf32, #tpu.memory_space<vmem_shared>>) target_semaphore(%run_scoped3A : memref<!tpu.dma_semaphore, #tpu.memory_space<semaphore_mem>>)
        tpu.wait_dma2 semaphore(%run_scoped3A : memref<!tpu.dma_semaphore, #tpu.memory_space<semaphore_mem>>) src(%arg3 : memref<10000xf32, #tpu.memory_space<hbm>>) dst(%arg8 : memref<10000xf32, #tpu.memory_space<vmem_shared>>)
        tpu.yield
      }) : () -> ()
    } else {
    }
    %barrier3A = arith.constant 0 : index
    tpu.barrier barrier_id(%barrier3A)
    %scan3A = arith.constant 0 : i32
    %scan3A_49 = arith.constant 80 : i32
    %scan3A_50 = arith.addi %scan3A, %scan3A_49 : i32
    %scan3A_51 = arith.constant 1 : i32
    scf.for %scan3A_59 = %scan3A to %scan3A_50 step %scan3A_51  : i32 {
      %mul3A_60 = arith.constant 1 : i32
      %mul3A_61 = arith.muli %scan3A_59, %mul3A_60 : i32
      %add3A_62 = arith.constant 0 : i32
      %add3A_63 = arith.addi %add3A_62, %mul3A_61 : i32
      "tpu.region"() ({
        %run_scoped3A = tpu.sem_alloc : memref<!tpu.dma_semaphore, #tpu.memory_space<semaphore_mem>>
        %dma_start3A = arith.constant 0 : i32
        %dma_start3A_64 = tpu.memref_slice %arg6[%dma_start3A] : memref<128xf32, #tpu.memory_space<vmem>> -> memref<125xf32, #tpu.memory_space<vmem>>
        %dma_start3A_65 = arith.constant 0 : i32
        %dma_start3A_66 = tpu.memref_slice %arg5[%add3A_63, %dma_start3A_65] : memref<80x125xi32, #tpu.memory_space<vmem>> -> memref<1x125xi32, #tpu.memory_space<vmem>>
        %dma_start3A_67 = tpu.memref_squeeze %dma_start3A_66 : memref<1x125xi32, #tpu.memory_space<vmem>> -> memref<125xi32, #tpu.memory_space<vmem>>
        %dma_start3A_68 = arith.constant 0 : i32
        %dma_start3A_69 = tpu.memref_slice %arg8[%dma_start3A_68] : memref<10000xf32, #tpu.memory_space<vmem_shared>> -> memref<10000xf32, #tpu.memory_space<vmem_shared>>
        tpu.enqueue_indirect_dma source(%dma_start3A_64 : memref<125xf32, #tpu.memory_space<vmem>>) target(%dma_start3A_69 : memref<10000xf32, #tpu.memory_space<vmem_shared>>) offsets(%dma_start3A_67 : memref<125xi32, #tpu.memory_space<vmem>>) semaphore(%run_scoped3A : memref<!tpu.dma_semaphore, #tpu.memory_space<semaphore_mem>>) {add = true}
        %dma_wait3A = arith.constant 0 : i32
        %dma_wait3A_70 = tpu.memref_slice %arg6[%dma_wait3A] : memref<128xf32, #tpu.memory_space<vmem>> -> memref<125xf32, #tpu.memory_space<vmem>>
        %dma_wait3A_71 = arith.constant 0 : i32
        %dma_wait3A_72 = tpu.memref_slice %arg5[%add3A_63, %dma_wait3A_71] : memref<80x125xi32, #tpu.memory_space<vmem>> -> memref<1x125xi32, #tpu.memory_space<vmem>>
        %dma_wait3A_73 = tpu.memref_squeeze %dma_wait3A_72 : memref<1x125xi32, #tpu.memory_space<vmem>> -> memref<125xi32, #tpu.memory_space<vmem>>
        %dma_wait3A_74 = arith.constant 0 : i32
        %dma_wait3A_75 = tpu.memref_slice %arg8[%dma_wait3A_74] : memref<10000xf32, #tpu.memory_space<vmem_shared>> -> memref<10000xf32, #tpu.memory_space<vmem_shared>>
        tpu.wait_indirect_dma semaphore(%run_scoped3A : memref<!tpu.dma_semaphore, #tpu.memory_space<semaphore_mem>>) src(%dma_wait3A_70 : memref<125xf32, #tpu.memory_space<vmem>>) dst(%dma_wait3A_75 : memref<10000xf32, #tpu.memory_space<vmem_shared>>)
        tpu.yield
      }) : () -> ()
    }
    %scan3A_52 = arith.constant 80 : i32
    %barrier3A_53 = arith.constant 0 : index
    tpu.barrier barrier_id(%barrier3A_53)
    %eq3A_54 = arith.constant 0 : i32
    %eq3A_55 = arith.cmpi eq, %arg1, %eq3A_54 : i32
    %convert_element_type3A_56 = arith.extui %eq3A_55 : i1 to i32
    %cond3A_57 = arith.constant 0 : i32
    %cond3A_58 = arith.cmpi ne, %convert_element_type3A_56, %cond3A_57 : i32
    scf.if %cond3A_58 {
      "tpu.region"() ({
        %run_scoped3A = tpu.sem_alloc : memref<!tpu.dma_semaphore, #tpu.memory_space<semaphore_mem>>
        tpu.enqueue_dma source(%arg8 : memref<10000xf32, #tpu.memory_space<vmem_shared>>) target(%arg7 : memref<10000xf32, #tpu.memory_space<vmem>>) target_semaphore(%run_scoped3A : memref<!tpu.dma_semaphore, #tpu.memory_space<semaphore_mem>>)
        tpu.wait_dma2 semaphore(%run_scoped3A : memref<!tpu.dma_semaphore, #tpu.memory_space<semaphore_mem>>) src(%arg8 : memref<10000xf32, #tpu.memory_space<vmem_shared>>) dst(%arg7 : memref<10000xf32, #tpu.memory_space<vmem>>)
        tpu.yield
      }) : () -> ()
      %mul3A_59 = arith.constant 10000 : i32
      %mul3A_60 = arith.muli %arg0, %mul3A_59 : i32
      "tpu.region"() ({
        %run_scoped3A = tpu.sem_alloc : memref<!tpu.dma_semaphore, #tpu.memory_space<semaphore_mem>>
        %dma_start3A = tpu.memref_slice %arg4[%mul3A_60] : memref<20000xf32, #tpu.memory_space<hbm>> -> memref<10000xf32, #tpu.memory_space<hbm>>
        %dma_start3A_61 = tpu.memref_slice %arg4[%mul3A_60] : memref<20000xf32, #tpu.memory_space<hbm>> -> memref<10000xf32, #tpu.memory_space<hbm>>
        tpu.enqueue_dma source(%arg7 : memref<10000xf32, #tpu.memory_space<vmem>>) target(%dma_start3A_61 : memref<10000xf32, #tpu.memory_space<hbm>>) target_semaphore(%run_scoped3A : memref<!tpu.dma_semaphore, #tpu.memory_space<semaphore_mem>>)
        %dma_wait3A = tpu.memref_slice %arg4[%mul3A_60] : memref<20000xf32, #tpu.memory_space<hbm>> -> memref<10000xf32, #tpu.memory_space<hbm>>
        %dma_wait3A_62 = tpu.memref_slice %arg4[%mul3A_60] : memref<20000xf32, #tpu.memory_space<hbm>> -> memref<10000xf32, #tpu.memory_space<hbm>>
        tpu.wait_dma2 semaphore(%run_scoped3A : memref<!tpu.dma_semaphore, #tpu.memory_space<semaphore_mem>>) src(%arg7 : memref<10000xf32, #tpu.memory_space<vmem>>) dst(%dma_wait3A_62 : memref<10000xf32, #tpu.memory_space<hbm>>)
        tpu.yield
      }) : () -> ()
    } else {
    }
    return
  }
}

#map = affine_map<(d0, d1) -> (0, 0)>
#map1 = affine_map<(d0, d1) -> (0, 0, 0)>
module attributes {stable_mosaic.version = 14 : i64} {
  func.func @_segsum_body(%arg0: i32, %arg1: i32, %arg2: memref<10000x128xbf16, #tpu.memory_space<hbm>>, %arg3: memref<32x80x125xi32, #tpu.memory_space<hbm>>, %arg4: memref<32x80x125xi32, #tpu.memory_space<hbm>>, %arg5: memref<10240x128xbf16, #tpu.memory_space<hbm>>, %arg6: memref<2x10240x128xbf16, #tpu.memory_space<hbm>>, %arg7: memref<80x125xi32, #tpu.memory_space<vmem>>, %arg8: memref<80x125xi32, #tpu.memory_space<vmem>>, %arg9: memref<4x125x128xbf16, #tpu.memory_space<vmem>>, %arg10: memref<10240x128xbf16, #tpu.memory_space<vmem_shared>>, %arg11: memref<!tpu.dma_semaphore, #tpu.memory_space<semaphore_mem>>, %arg12: memref<!tpu.dma_semaphore, #tpu.memory_space<semaphore_mem>>) attributes {dimension_semantics = [#tpu.dimension_semantics<core_parallel>, #tpu.dimension_semantics<subcore_parallel>], iteration_bounds = array<i64: 2, 16>, scalar_prefetch = 0 : i64, scratch_operands = 6 : i64, tpu.core_type = #tpu.core_type<sc_vector_subcore>, window_params = [{transform_indices = #map}, {transform_indices = #map1}, {transform_indices = #map1}, {transform_indices = #map}, {transform_indices = #map1}]} {
    %mul3A = arith.constant 2 : i32
    %mul3A_0 = arith.muli %arg1, %mul3A : i32
    %add3A = arith.addi %mul3A_0, %arg0 : i32
    "tpu.region"() ({
      %run_scoped3A = tpu.sem_alloc : memref<!tpu.dma_semaphore, #tpu.memory_space<semaphore_mem>>
      %dma_start3A_62 = arith.constant 0 : i32
      %dma_start3A_63 = arith.constant 0 : i32
      %dma_start3A_64 = tpu.memref_slice %arg3[%add3A, %dma_start3A_62, %dma_start3A_63] : memref<32x80x125xi32, #tpu.memory_space<hbm>> -> memref<1x80x125xi32, #tpu.memory_space<hbm>>
      %dma_start3A_65 = tpu.memref_squeeze %dma_start3A_64 : memref<1x80x125xi32, #tpu.memory_space<hbm>> -> memref<80x125xi32, #tpu.memory_space<hbm>>
      %dma_start3A_66 = arith.constant 0 : i32
      %dma_start3A_67 = arith.constant 0 : i32
      %dma_start3A_68 = tpu.memref_slice %arg3[%add3A, %dma_start3A_66, %dma_start3A_67] : memref<32x80x125xi32, #tpu.memory_space<hbm>> -> memref<1x80x125xi32, #tpu.memory_space<hbm>>
      %dma_start3A_69 = tpu.memref_squeeze %dma_start3A_68 : memref<1x80x125xi32, #tpu.memory_space<hbm>> -> memref<80x125xi32, #tpu.memory_space<hbm>>
      tpu.enqueue_dma source(%dma_start3A_69 : memref<80x125xi32, #tpu.memory_space<hbm>>) target(%arg7 : memref<80x125xi32, #tpu.memory_space<vmem>>) target_semaphore(%run_scoped3A : memref<!tpu.dma_semaphore, #tpu.memory_space<semaphore_mem>>)
      %dma_wait3A_70 = arith.constant 0 : i32
      %dma_wait3A_71 = arith.constant 0 : i32
      %dma_wait3A_72 = tpu.memref_slice %arg3[%add3A, %dma_wait3A_70, %dma_wait3A_71] : memref<32x80x125xi32, #tpu.memory_space<hbm>> -> memref<1x80x125xi32, #tpu.memory_space<hbm>>
      %dma_wait3A_73 = tpu.memref_squeeze %dma_wait3A_72 : memref<1x80x125xi32, #tpu.memory_space<hbm>> -> memref<80x125xi32, #tpu.memory_space<hbm>>
      %dma_wait3A_74 = arith.constant 0 : i32
      %dma_wait3A_75 = arith.constant 0 : i32
      %dma_wait3A_76 = tpu.memref_slice %arg3[%add3A, %dma_wait3A_74, %dma_wait3A_75] : memref<32x80x125xi32, #tpu.memory_space<hbm>> -> memref<1x80x125xi32, #tpu.memory_space<hbm>>
      %dma_wait3A_77 = tpu.memref_squeeze %dma_wait3A_76 : memref<1x80x125xi32, #tpu.memory_space<hbm>> -> memref<80x125xi32, #tpu.memory_space<hbm>>
      tpu.wait_dma2 semaphore(%run_scoped3A : memref<!tpu.dma_semaphore, #tpu.memory_space<semaphore_mem>>) src(%dma_wait3A_77 : memref<80x125xi32, #tpu.memory_space<hbm>>) dst(%arg7 : memref<80x125xi32, #tpu.memory_space<vmem>>)
      tpu.yield
    }) : () -> ()
    "tpu.region"() ({
      %run_scoped3A = tpu.sem_alloc : memref<!tpu.dma_semaphore, #tpu.memory_space<semaphore_mem>>
      %dma_start3A_62 = arith.constant 0 : i32
      %dma_start3A_63 = arith.constant 0 : i32
      %dma_start3A_64 = tpu.memref_slice %arg4[%add3A, %dma_start3A_62, %dma_start3A_63] : memref<32x80x125xi32, #tpu.memory_space<hbm>> -> memref<1x80x125xi32, #tpu.memory_space<hbm>>
      %dma_start3A_65 = tpu.memref_squeeze %dma_start3A_64 : memref<1x80x125xi32, #tpu.memory_space<hbm>> -> memref<80x125xi32, #tpu.memory_space<hbm>>
      %dma_start3A_66 = arith.constant 0 : i32
      %dma_start3A_67 = arith.constant 0 : i32
      %dma_start3A_68 = tpu.memref_slice %arg4[%add3A, %dma_start3A_66, %dma_start3A_67] : memref<32x80x125xi32, #tpu.memory_space<hbm>> -> memref<1x80x125xi32, #tpu.memory_space<hbm>>
      %dma_start3A_69 = tpu.memref_squeeze %dma_start3A_68 : memref<1x80x125xi32, #tpu.memory_space<hbm>> -> memref<80x125xi32, #tpu.memory_space<hbm>>
      tpu.enqueue_dma source(%dma_start3A_69 : memref<80x125xi32, #tpu.memory_space<hbm>>) target(%arg8 : memref<80x125xi32, #tpu.memory_space<vmem>>) target_semaphore(%run_scoped3A : memref<!tpu.dma_semaphore, #tpu.memory_space<semaphore_mem>>)
      %dma_wait3A_70 = arith.constant 0 : i32
      %dma_wait3A_71 = arith.constant 0 : i32
      %dma_wait3A_72 = tpu.memref_slice %arg4[%add3A, %dma_wait3A_70, %dma_wait3A_71] : memref<32x80x125xi32, #tpu.memory_space<hbm>> -> memref<1x80x125xi32, #tpu.memory_space<hbm>>
      %dma_wait3A_73 = tpu.memref_squeeze %dma_wait3A_72 : memref<1x80x125xi32, #tpu.memory_space<hbm>> -> memref<80x125xi32, #tpu.memory_space<hbm>>
      %dma_wait3A_74 = arith.constant 0 : i32
      %dma_wait3A_75 = arith.constant 0 : i32
      %dma_wait3A_76 = tpu.memref_slice %arg4[%add3A, %dma_wait3A_74, %dma_wait3A_75] : memref<32x80x125xi32, #tpu.memory_space<hbm>> -> memref<1x80x125xi32, #tpu.memory_space<hbm>>
      %dma_wait3A_77 = tpu.memref_squeeze %dma_wait3A_76 : memref<1x80x125xi32, #tpu.memory_space<hbm>> -> memref<80x125xi32, #tpu.memory_space<hbm>>
      tpu.wait_dma2 semaphore(%run_scoped3A : memref<!tpu.dma_semaphore, #tpu.memory_space<semaphore_mem>>) src(%dma_wait3A_77 : memref<80x125xi32, #tpu.memory_space<hbm>>) dst(%arg8 : memref<80x125xi32, #tpu.memory_space<vmem>>)
      tpu.yield
    }) : () -> ()
    %mul3A_1 = arith.constant 640 : i32
    %mul3A_2 = arith.muli %arg1, %mul3A_1 : i32
    %mul3A_3 = arith.constant 640 : i32
    %mul3A_4 = arith.muli %arg1, %mul3A_3 : i32
    "tpu.region"() ({
      %run_scoped3A = tpu.sem_alloc : memref<!tpu.dma_semaphore, #tpu.memory_space<semaphore_mem>>
      %dma_start3A_62 = arith.constant 0 : i32
      %dma_start3A_63 = tpu.memref_slice %arg10[%mul3A_4, %dma_start3A_62] : memref<10240x128xbf16, #tpu.memory_space<vmem_shared>> -> memref<640x128xbf16, #tpu.memory_space<vmem_shared>>
      %dma_start3A_64 = arith.constant 0 : i32
      %dma_start3A_65 = tpu.memref_slice %arg5[%mul3A_2, %dma_start3A_64] : memref<10240x128xbf16, #tpu.memory_space<hbm>> -> memref<640x128xbf16, #tpu.memory_space<hbm>>
      tpu.enqueue_dma source(%dma_start3A_65 : memref<640x128xbf16, #tpu.memory_space<hbm>>) target(%dma_start3A_63 : memref<640x128xbf16, #tpu.memory_space<vmem_shared>>) target_semaphore(%run_scoped3A : memref<!tpu.dma_semaphore, #tpu.memory_space<semaphore_mem>>)
      %dma_wait3A_66 = arith.constant 0 : i32
      %dma_wait3A_67 = tpu.memref_slice %arg10[%mul3A_4, %dma_wait3A_66] : memref<10240x128xbf16, #tpu.memory_space<vmem_shared>> -> memref<640x128xbf16, #tpu.memory_space<vmem_shared>>
      %dma_wait3A_68 = arith.constant 0 : i32
      %dma_wait3A_69 = tpu.memref_slice %arg5[%mul3A_2, %dma_wait3A_68] : memref<10240x128xbf16, #tpu.memory_space<hbm>> -> memref<640x128xbf16, #tpu.memory_space<hbm>>
      tpu.wait_dma2 semaphore(%run_scoped3A : memref<!tpu.dma_semaphore, #tpu.memory_space<semaphore_mem>>) src(%dma_wait3A_69 : memref<640x128xbf16, #tpu.memory_space<hbm>>) dst(%dma_wait3A_67 : memref<640x128xbf16, #tpu.memory_space<vmem_shared>>)
      tpu.yield
    }) : () -> ()
    %barrier3A = arith.constant 0 : index
    tpu.barrier barrier_id(%barrier3A)
    %dma_start3A = arith.constant 0 : i32
    %dma_start3A_5 = arith.constant 0 : i32
    %dma_start3A_6 = arith.constant 0 : i32
    %dma_start3A_7 = arith.constant 0 : i32
    %dma_start3A_8 = tpu.memref_slice %arg9[%dma_start3A_5, %dma_start3A_6, %dma_start3A_7] : memref<4x125x128xbf16, #tpu.memory_space<vmem>> -> memref<1x125x128xbf16, #tpu.memory_space<vmem>>
    %dma_start3A_9 = tpu.memref_squeeze %dma_start3A_8 : memref<1x125x128xbf16, #tpu.memory_space<vmem>> -> memref<125x128xbf16, #tpu.memory_space<vmem>>
    %dma_start3A_10 = arith.constant 0 : i32
    %dma_start3A_11 = tpu.memref_slice %arg7[%dma_start3A, %dma_start3A_10] : memref<80x125xi32, #tpu.memory_space<vmem>> -> memref<1x125xi32, #tpu.memory_space<vmem>>
    %dma_start3A_12 = tpu.memref_squeeze %dma_start3A_11 : memref<1x125xi32, #tpu.memory_space<vmem>> -> memref<125xi32, #tpu.memory_space<vmem>>
    %dma_start3A_13 = arith.constant 0 : i32
    %dma_start3A_14 = arith.constant 0 : i32
    %dma_start3A_15 = tpu.memref_slice %arg2[%dma_start3A_13, %dma_start3A_14] : memref<10000x128xbf16, #tpu.memory_space<hbm>> -> memref<10000x128xbf16, #tpu.memory_space<hbm>>
    tpu.enqueue_indirect_dma source(%dma_start3A_15 : memref<10000x128xbf16, #tpu.memory_space<hbm>>) target(%dma_start3A_9 : memref<125x128xbf16, #tpu.memory_space<vmem>>) offsets(%dma_start3A_12 : memref<125xi32, #tpu.memory_space<vmem>>) semaphore(%arg11 : memref<!tpu.dma_semaphore, #tpu.memory_space<semaphore_mem>>)
    %dma_start3A_16 = arith.constant 1 : i32
    %dma_start3A_17 = arith.constant 1 : i32
    %dma_start3A_18 = arith.constant 0 : i32
    %dma_start3A_19 = arith.constant 0 : i32
    %dma_start3A_20 = tpu.memref_slice %arg9[%dma_start3A_17, %dma_start3A_18, %dma_start3A_19] : memref<4x125x128xbf16, #tpu.memory_space<vmem>> -> memref<1x125x128xbf16, #tpu.memory_space<vmem>>
    %dma_start3A_21 = tpu.memref_squeeze %dma_start3A_20 : memref<1x125x128xbf16, #tpu.memory_space<vmem>> -> memref<125x128xbf16, #tpu.memory_space<vmem>>
    %dma_start3A_22 = arith.constant 0 : i32
    %dma_start3A_23 = tpu.memref_slice %arg7[%dma_start3A_16, %dma_start3A_22] : memref<80x125xi32, #tpu.memory_space<vmem>> -> memref<1x125xi32, #tpu.memory_space<vmem>>
    %dma_start3A_24 = tpu.memref_squeeze %dma_start3A_23 : memref<1x125xi32, #tpu.memory_space<vmem>> -> memref<125xi32, #tpu.memory_space<vmem>>
    %dma_start3A_25 = arith.constant 0 : i32
    %dma_start3A_26 = arith.constant 0 : i32
    %dma_start3A_27 = tpu.memref_slice %arg2[%dma_start3A_25, %dma_start3A_26] : memref<10000x128xbf16, #tpu.memory_space<hbm>> -> memref<10000x128xbf16, #tpu.memory_space<hbm>>
    tpu.enqueue_indirect_dma source(%dma_start3A_27 : memref<10000x128xbf16, #tpu.memory_space<hbm>>) target(%dma_start3A_21 : memref<125x128xbf16, #tpu.memory_space<vmem>>) offsets(%dma_start3A_24 : memref<125xi32, #tpu.memory_space<vmem>>) semaphore(%arg11 : memref<!tpu.dma_semaphore, #tpu.memory_space<semaphore_mem>>)
    %dma_start3A_28 = arith.constant 2 : i32
    %dma_start3A_29 = arith.constant 2 : i32
    %dma_start3A_30 = arith.constant 0 : i32
    %dma_start3A_31 = arith.constant 0 : i32
    %dma_start3A_32 = tpu.memref_slice %arg9[%dma_start3A_29, %dma_start3A_30, %dma_start3A_31] : memref<4x125x128xbf16, #tpu.memory_space<vmem>> -> memref<1x125x128xbf16, #tpu.memory_space<vmem>>
    %dma_start3A_33 = tpu.memref_squeeze %dma_start3A_32 : memref<1x125x128xbf16, #tpu.memory_space<vmem>> -> memref<125x128xbf16, #tpu.memory_space<vmem>>
    %dma_start3A_34 = arith.constant 0 : i32
    %dma_start3A_35 = tpu.memref_slice %arg7[%dma_start3A_28, %dma_start3A_34] : memref<80x125xi32, #tpu.memory_space<vmem>> -> memref<1x125xi32, #tpu.memory_space<vmem>>
    %dma_start3A_36 = tpu.memref_squeeze %dma_start3A_35 : memref<1x125xi32, #tpu.memory_space<vmem>> -> memref<125xi32, #tpu.memory_space<vmem>>
    %dma_start3A_37 = arith.constant 0 : i32
    %dma_start3A_38 = arith.constant 0 : i32
    %dma_start3A_39 = tpu.memref_slice %arg2[%dma_start3A_37, %dma_start3A_38] : memref<10000x128xbf16, #tpu.memory_space<hbm>> -> memref<10000x128xbf16, #tpu.memory_space<hbm>>
    tpu.enqueue_indirect_dma source(%dma_start3A_39 : memref<10000x128xbf16, #tpu.memory_space<hbm>>) target(%dma_start3A_33 : memref<125x128xbf16, #tpu.memory_space<vmem>>) offsets(%dma_start3A_36 : memref<125xi32, #tpu.memory_space<vmem>>) semaphore(%arg11 : memref<!tpu.dma_semaphore, #tpu.memory_space<semaphore_mem>>)
    %scan3A = arith.constant 0 : i32
    %scan3A_40 = arith.constant 80 : i32
    %scan3A_41 = arith.addi %scan3A, %scan3A_40 : i32
    %scan3A_42 = arith.constant 1 : i32
    scf.for %scan3A_62 = %scan3A to %scan3A_41 step %scan3A_42  : i32 {
      %mul3A_63 = arith.constant 1 : i32
      %mul3A_64 = arith.muli %scan3A_62, %mul3A_63 : i32
      %add3A_65 = arith.constant 0 : i32
      %add3A_66 = arith.addi %add3A_65, %mul3A_64 : i32
      %rem3A_67 = arith.constant 4 : i32
      %rem3A_68 = arith.remsi %add3A_66, %rem3A_67 : i32
      %dma_wait3A_69 = arith.constant 0 : i32
      %dma_wait3A_70 = arith.constant 0 : i32
      %dma_wait3A_71 = tpu.memref_slice %arg9[%rem3A_68, %dma_wait3A_69, %dma_wait3A_70] : memref<4x125x128xbf16, #tpu.memory_space<vmem>> -> memref<1x125x128xbf16, #tpu.memory_space<vmem>>
      %dma_wait3A_72 = tpu.memref_squeeze %dma_wait3A_71 : memref<1x125x128xbf16, #tpu.memory_space<vmem>> -> memref<125x128xbf16, #tpu.memory_space<vmem>>
      %dma_wait3A_73 = arith.constant 0 : i32
      %dma_wait3A_74 = tpu.memref_slice %arg7[%add3A_66, %dma_wait3A_73] : memref<80x125xi32, #tpu.memory_space<vmem>> -> memref<1x125xi32, #tpu.memory_space<vmem>>
      %dma_wait3A_75 = tpu.memref_squeeze %dma_wait3A_74 : memref<1x125xi32, #tpu.memory_space<vmem>> -> memref<125xi32, #tpu.memory_space<vmem>>
      %dma_wait3A_76 = arith.constant 0 : i32
      %dma_wait3A_77 = arith.constant 0 : i32
      %dma_wait3A_78 = tpu.memref_slice %arg2[%dma_wait3A_76, %dma_wait3A_77] : memref<10000x128xbf16, #tpu.memory_space<hbm>> -> memref<10000x128xbf16, #tpu.memory_space<hbm>>
      tpu.wait_indirect_dma semaphore(%arg11 : memref<!tpu.dma_semaphore, #tpu.memory_space<semaphore_mem>>) src(%dma_wait3A_78 : memref<10000x128xbf16, #tpu.memory_space<hbm>>) dst(%dma_wait3A_72 : memref<125x128xbf16, #tpu.memory_space<vmem>>)
      %ge3A = arith.constant 1 : i32
      %ge3A_79 = arith.cmpi sge, %add3A_66, %ge3A : i32
      %convert_element_type3A = arith.extui %ge3A_79 : i1 to i32
      %cond3A = arith.constant 0 : i32
      %cond3A_80 = arith.cmpi ne, %convert_element_type3A, %cond3A : i32
      scf.if %cond3A_80 {
        %sub3A = arith.constant 1 : i32
        %sub3A_97 = arith.subi %add3A_66, %sub3A : i32
        %sub3A_98 = arith.constant 1 : i32
        %sub3A_99 = arith.subi %add3A_66, %sub3A_98 : i32
        %rem3A_100 = arith.constant 4 : i32
        %rem3A_101 = arith.remsi %sub3A_99, %rem3A_100 : i32
        %dma_wait3A_102 = arith.constant 0 : i32
        %dma_wait3A_103 = arith.constant 0 : i32
        %dma_wait3A_104 = tpu.memref_slice %arg9[%rem3A_101, %dma_wait3A_102, %dma_wait3A_103] : memref<4x125x128xbf16, #tpu.memory_space<vmem>> -> memref<1x125x128xbf16, #tpu.memory_space<vmem>>
        %dma_wait3A_105 = tpu.memref_squeeze %dma_wait3A_104 : memref<1x125x128xbf16, #tpu.memory_space<vmem>> -> memref<125x128xbf16, #tpu.memory_space<vmem>>
        %dma_wait3A_106 = arith.constant 0 : i32
        %dma_wait3A_107 = tpu.memref_slice %arg8[%sub3A_97, %dma_wait3A_106] : memref<80x125xi32, #tpu.memory_space<vmem>> -> memref<1x125xi32, #tpu.memory_space<vmem>>
        %dma_wait3A_108 = tpu.memref_squeeze %dma_wait3A_107 : memref<1x125xi32, #tpu.memory_space<vmem>> -> memref<125xi32, #tpu.memory_space<vmem>>
        %dma_wait3A_109 = arith.constant 0 : i32
        %dma_wait3A_110 = arith.constant 0 : i32
        %dma_wait3A_111 = tpu.memref_slice %arg10[%dma_wait3A_109, %dma_wait3A_110] : memref<10240x128xbf16, #tpu.memory_space<vmem_shared>> -> memref<10240x128xbf16, #tpu.memory_space<vmem_shared>>
        tpu.wait_indirect_dma semaphore(%arg12 : memref<!tpu.dma_semaphore, #tpu.memory_space<semaphore_mem>>) src(%dma_wait3A_105 : memref<125x128xbf16, #tpu.memory_space<vmem>>) dst(%dma_wait3A_111 : memref<10240x128xbf16, #tpu.memory_space<vmem_shared>>)
      } else {
      }
      %add3A_81 = arith.constant 3 : i32
      %add3A_82 = arith.addi %add3A_66, %add3A_81 : i32
      %lt3A = arith.constant 80 : i32
      %lt3A_83 = arith.cmpi slt, %add3A_82, %lt3A : i32
      %convert_element_type3A_84 = arith.extui %lt3A_83 : i1 to i32
      %cond3A_85 = arith.constant 0 : i32
      %cond3A_86 = arith.cmpi ne, %convert_element_type3A_84, %cond3A_85 : i32
      scf.if %cond3A_86 {
        %add3A_97 = arith.constant 3 : i32
        %add3A_98 = arith.addi %add3A_66, %add3A_97 : i32
        %add3A_99 = arith.constant 3 : i32
        %add3A_100 = arith.addi %add3A_66, %add3A_99 : i32
        %rem3A_101 = arith.constant 4 : i32
        %rem3A_102 = arith.remsi %add3A_100, %rem3A_101 : i32
        %dma_start3A_103 = arith.constant 0 : i32
        %dma_start3A_104 = arith.constant 0 : i32
        %dma_start3A_105 = tpu.memref_slice %arg9[%rem3A_102, %dma_start3A_103, %dma_start3A_104] : memref<4x125x128xbf16, #tpu.memory_space<vmem>> -> memref<1x125x128xbf16, #tpu.memory_space<vmem>>
        %dma_start3A_106 = tpu.memref_squeeze %dma_start3A_105 : memref<1x125x128xbf16, #tpu.memory_space<vmem>> -> memref<125x128xbf16, #tpu.memory_space<vmem>>
        %dma_start3A_107 = arith.constant 0 : i32
        %dma_start3A_108 = tpu.memref_slice %arg7[%add3A_98, %dma_start3A_107] : memref<80x125xi32, #tpu.memory_space<vmem>> -> memref<1x125xi32, #tpu.memory_space<vmem>>
        %dma_start3A_109 = tpu.memref_squeeze %dma_start3A_108 : memref<1x125xi32, #tpu.memory_space<vmem>> -> memref<125xi32, #tpu.memory_space<vmem>>
        %dma_start3A_110 = arith.constant 0 : i32
        %dma_start3A_111 = arith.constant 0 : i32
        %dma_start3A_112 = tpu.memref_slice %arg2[%dma_start3A_110, %dma_start3A_111] : memref<10000x128xbf16, #tpu.memory_space<hbm>> -> memref<10000x128xbf16, #tpu.memory_space<hbm>>
        tpu.enqueue_indirect_dma source(%dma_start3A_112 : memref<10000x128xbf16, #tpu.memory_space<hbm>>) target(%dma_start3A_106 : memref<125x128xbf16, #tpu.memory_space<vmem>>) offsets(%dma_start3A_109 : memref<125xi32, #tpu.memory_space<vmem>>) semaphore(%arg11 : memref<!tpu.dma_semaphore, #tpu.memory_space<semaphore_mem>>)
      } else {
      }
      %dma_start3A_87 = arith.constant 0 : i32
      %dma_start3A_88 = arith.constant 0 : i32
      %dma_start3A_89 = tpu.memref_slice %arg9[%rem3A_68, %dma_start3A_87, %dma_start3A_88] : memref<4x125x128xbf16, #tpu.memory_space<vmem>> -> memref<1x125x128xbf16, #tpu.memory_space<vmem>>
      %dma_start3A_90 = tpu.memref_squeeze %dma_start3A_89 : memref<1x125x128xbf16, #tpu.memory_space<vmem>> -> memref<125x128xbf16, #tpu.memory_space<vmem>>
      %dma_start3A_91 = arith.constant 0 : i32
      %dma_start3A_92 = tpu.memref_slice %arg8[%add3A_66, %dma_start3A_91] : memref<80x125xi32, #tpu.memory_space<vmem>> -> memref<1x125xi32, #tpu.memory_space<vmem>>
      %dma_start3A_93 = tpu.memref_squeeze %dma_start3A_92 : memref<1x125xi32, #tpu.memory_space<vmem>> -> memref<125xi32, #tpu.memory_space<vmem>>
      %dma_start3A_94 = arith.constant 0 : i32
      %dma_start3A_95 = arith.constant 0 : i32
      %dma_start3A_96 = tpu.memref_slice %arg10[%dma_start3A_94, %dma_start3A_95] : memref<10240x128xbf16, #tpu.memory_space<vmem_shared>> -> memref<10240x128xbf16, #tpu.memory_space<vmem_shared>>
      tpu.enqueue_indirect_dma source(%dma_start3A_90 : memref<125x128xbf16, #tpu.memory_space<vmem>>) target(%dma_start3A_96 : memref<10240x128xbf16, #tpu.memory_space<vmem_shared>>) offsets(%dma_start3A_93 : memref<125xi32, #tpu.memory_space<vmem>>) semaphore(%arg12 : memref<!tpu.dma_semaphore, #tpu.memory_space<semaphore_mem>>) {add = true}
    }
    %scan3A_43 = arith.constant 80 : i32
    %rem3A = arith.constant 79 : i32
    %rem3A_44 = arith.constant 4 : i32
    %rem3A_45 = arith.remsi %rem3A, %rem3A_44 : i32
    %dma_wait3A = arith.constant 79 : i32
    %dma_wait3A_46 = arith.constant 0 : i32
    %dma_wait3A_47 = arith.constant 0 : i32
    %dma_wait3A_48 = tpu.memref_slice %arg9[%rem3A_45, %dma_wait3A_46, %dma_wait3A_47] : memref<4x125x128xbf16, #tpu.memory_space<vmem>> -> memref<1x125x128xbf16, #tpu.memory_space<vmem>>
    %dma_wait3A_49 = tpu.memref_squeeze %dma_wait3A_48 : memref<1x125x128xbf16, #tpu.memory_space<vmem>> -> memref<125x128xbf16, #tpu.memory_space<vmem>>
    %dma_wait3A_50 = arith.constant 0 : i32
    %dma_wait3A_51 = tpu.memref_slice %arg8[%dma_wait3A, %dma_wait3A_50] : memref<80x125xi32, #tpu.memory_space<vmem>> -> memref<1x125xi32, #tpu.memory_space<vmem>>
    %dma_wait3A_52 = tpu.memref_squeeze %dma_wait3A_51 : memref<1x125xi32, #tpu.memory_space<vmem>> -> memref<125xi32, #tpu.memory_space<vmem>>
    %dma_wait3A_53 = arith.constant 0 : i32
    %dma_wait3A_54 = arith.constant 0 : i32
    %dma_wait3A_55 = tpu.memref_slice %arg10[%dma_wait3A_53, %dma_wait3A_54] : memref<10240x128xbf16, #tpu.memory_space<vmem_shared>> -> memref<10240x128xbf16, #tpu.memory_space<vmem_shared>>
    tpu.wait_indirect_dma semaphore(%arg12 : memref<!tpu.dma_semaphore, #tpu.memory_space<semaphore_mem>>) src(%dma_wait3A_49 : memref<125x128xbf16, #tpu.memory_space<vmem>>) dst(%dma_wait3A_55 : memref<10240x128xbf16, #tpu.memory_space<vmem_shared>>)
    %barrier3A_56 = arith.constant 0 : index
    tpu.barrier barrier_id(%barrier3A_56)
    %scan3A_57 = arith.constant 0 : i32
    %scan3A_58 = arith.constant 10 : i32
    %scan3A_59 = arith.addi %scan3A_57, %scan3A_58 : i32
    %scan3A_60 = arith.constant 1 : i32
    scf.for %scan3A_62 = %scan3A_57 to %scan3A_59 step %scan3A_60  : i32 {
      %mul3A_63 = arith.constant 1 : i32
      %mul3A_64 = arith.muli %scan3A_62, %mul3A_63 : i32
      %add3A_65 = arith.constant 0 : i32
      %add3A_66 = arith.addi %add3A_65, %mul3A_64 : i32
      %mul3A_67 = arith.constant 640 : i32
      %mul3A_68 = arith.muli %arg1, %mul3A_67 : i32
      %mul3A_69 = arith.constant 64 : i32
      %mul3A_70 = arith.muli %add3A_66, %mul3A_69 : i32
      %add3A_71 = arith.addi %mul3A_68, %mul3A_70 : i32
      %run_scoped3A = arith.constant 0 : i32
      "tpu.region"() ({
        %run_scoped3A_73 = tpu.sem_alloc : memref<!tpu.dma_semaphore, #tpu.memory_space<semaphore_mem>>
        %dma_start3A_74 = arith.constant 0 : i32
        %dma_start3A_75 = arith.constant 0 : i32
        %dma_start3A_76 = tpu.memref_slice %arg9[%run_scoped3A, %dma_start3A_74, %dma_start3A_75] : memref<4x125x128xbf16, #tpu.memory_space<vmem>> -> memref<1x64x128xbf16, #tpu.memory_space<vmem>>
        %dma_start3A_77 = tpu.memref_squeeze %dma_start3A_76 : memref<1x64x128xbf16, #tpu.memory_space<vmem>> -> memref<64x128xbf16, #tpu.memory_space<vmem>>
        %dma_start3A_78 = arith.constant 0 : i32
        %dma_start3A_79 = tpu.memref_slice %arg10[%add3A_71, %dma_start3A_78] : memref<10240x128xbf16, #tpu.memory_space<vmem_shared>> -> memref<64x128xbf16, #tpu.memory_space<vmem_shared>>
        %dma_start3A_80 = arith.constant 0 : i32
        %dma_start3A_81 = arith.constant 0 : i32
        %dma_start3A_82 = tpu.memref_slice %arg9[%run_scoped3A, %dma_start3A_80, %dma_start3A_81] : memref<4x125x128xbf16, #tpu.memory_space<vmem>> -> memref<1x64x128xbf16, #tpu.memory_space<vmem>>
        %dma_start3A_83 = tpu.memref_squeeze %dma_start3A_82 : memref<1x64x128xbf16, #tpu.memory_space<vmem>> -> memref<64x128xbf16, #tpu.memory_space<vmem>>
        %dma_start3A_84 = arith.constant 0 : i32
        %dma_start3A_85 = tpu.memref_slice %arg10[%add3A_71, %dma_start3A_84] : memref<10240x128xbf16, #tpu.memory_space<vmem_shared>> -> memref<64x128xbf16, #tpu.memory_space<vmem_shared>>
        tpu.enqueue_dma source(%dma_start3A_85 : memref<64x128xbf16, #tpu.memory_space<vmem_shared>>) target(%dma_start3A_83 : memref<64x128xbf16, #tpu.memory_space<vmem>>) target_semaphore(%run_scoped3A_73 : memref<!tpu.dma_semaphore, #tpu.memory_space<semaphore_mem>>)
        %dma_wait3A_86 = arith.constant 0 : i32
        %dma_wait3A_87 = arith.constant 0 : i32
        %dma_wait3A_88 = tpu.memref_slice %arg9[%run_scoped3A, %dma_wait3A_86, %dma_wait3A_87] : memref<4x125x128xbf16, #tpu.memory_space<vmem>> -> memref<1x64x128xbf16, #tpu.memory_space<vmem>>
        %dma_wait3A_89 = tpu.memref_squeeze %dma_wait3A_88 : memref<1x64x128xbf16, #tpu.memory_space<vmem>> -> memref<64x128xbf16, #tpu.memory_space<vmem>>
        %dma_wait3A_90 = arith.constant 0 : i32
        %dma_wait3A_91 = tpu.memref_slice %arg10[%add3A_71, %dma_wait3A_90] : memref<10240x128xbf16, #tpu.memory_space<vmem_shared>> -> memref<64x128xbf16, #tpu.memory_space<vmem_shared>>
        %dma_wait3A_92 = arith.constant 0 : i32
        %dma_wait3A_93 = arith.constant 0 : i32
        %dma_wait3A_94 = tpu.memref_slice %arg9[%run_scoped3A, %dma_wait3A_92, %dma_wait3A_93] : memref<4x125x128xbf16, #tpu.memory_space<vmem>> -> memref<1x64x128xbf16, #tpu.memory_space<vmem>>
        %dma_wait3A_95 = tpu.memref_squeeze %dma_wait3A_94 : memref<1x64x128xbf16, #tpu.memory_space<vmem>> -> memref<64x128xbf16, #tpu.memory_space<vmem>>
        %dma_wait3A_96 = arith.constant 0 : i32
        %dma_wait3A_97 = tpu.memref_slice %arg10[%add3A_71, %dma_wait3A_96] : memref<10240x128xbf16, #tpu.memory_space<vmem_shared>> -> memref<64x128xbf16, #tpu.memory_space<vmem_shared>>
        tpu.wait_dma2 semaphore(%run_scoped3A_73 : memref<!tpu.dma_semaphore, #tpu.memory_space<semaphore_mem>>) src(%dma_wait3A_97 : memref<64x128xbf16, #tpu.memory_space<vmem_shared>>) dst(%dma_wait3A_95 : memref<64x128xbf16, #tpu.memory_space<vmem>>)
        tpu.yield
      }) : () -> ()
      %run_scoped3A_72 = arith.constant 0 : i32
      "tpu.region"() ({
        %run_scoped3A_73 = tpu.sem_alloc : memref<!tpu.dma_semaphore, #tpu.memory_space<semaphore_mem>>
        %dma_start3A_74 = arith.constant 0 : i32
        %dma_start3A_75 = arith.constant 0 : i32
        %dma_start3A_76 = tpu.memref_slice %arg9[%run_scoped3A_72, %dma_start3A_74, %dma_start3A_75] : memref<4x125x128xbf16, #tpu.memory_space<vmem>> -> memref<1x64x128xbf16, #tpu.memory_space<vmem>>
        %dma_start3A_77 = tpu.memref_squeeze %dma_start3A_76 : memref<1x64x128xbf16, #tpu.memory_space<vmem>> -> memref<64x128xbf16, #tpu.memory_space<vmem>>
        %dma_start3A_78 = arith.constant 0 : i32
        %dma_start3A_79 = tpu.memref_slice %arg6[%arg0, %add3A_71, %dma_start3A_78] : memref<2x10240x128xbf16, #tpu.memory_space<hbm>> -> memref<1x64x128xbf16, #tpu.memory_space<hbm>>
        %dma_start3A_80 = tpu.memref_squeeze %dma_start3A_79 : memref<1x64x128xbf16, #tpu.memory_space<hbm>> -> memref<64x128xbf16, #tpu.memory_space<hbm>>
        %dma_start3A_81 = arith.constant 0 : i32
        %dma_start3A_82 = tpu.memref_slice %arg6[%arg0, %add3A_71, %dma_start3A_81] : memref<2x10240x128xbf16, #tpu.memory_space<hbm>> -> memref<1x64x128xbf16, #tpu.memory_space<hbm>>
        %dma_start3A_83 = tpu.memref_squeeze %dma_start3A_82 : memref<1x64x128xbf16, #tpu.memory_space<hbm>> -> memref<64x128xbf16, #tpu.memory_space<hbm>>
        %dma_start3A_84 = arith.constant 0 : i32
        %dma_start3A_85 = arith.constant 0 : i32
        %dma_start3A_86 = tpu.memref_slice %arg9[%run_scoped3A_72, %dma_start3A_84, %dma_start3A_85] : memref<4x125x128xbf16, #tpu.memory_space<vmem>> -> memref<1x64x128xbf16, #tpu.memory_space<vmem>>
        %dma_start3A_87 = tpu.memref_squeeze %dma_start3A_86 : memref<1x64x128xbf16, #tpu.memory_space<vmem>> -> memref<64x128xbf16, #tpu.memory_space<vmem>>
        tpu.enqueue_dma source(%dma_start3A_87 : memref<64x128xbf16, #tpu.memory_space<vmem>>) target(%dma_start3A_83 : memref<64x128xbf16, #tpu.memory_space<hbm>>) target_semaphore(%run_scoped3A_73 : memref<!tpu.dma_semaphore, #tpu.memory_space<semaphore_mem>>)
        %dma_wait3A_88 = arith.constant 0 : i32
        %dma_wait3A_89 = arith.constant 0 : i32
        %dma_wait3A_90 = tpu.memref_slice %arg9[%run_scoped3A_72, %dma_wait3A_88, %dma_wait3A_89] : memref<4x125x128xbf16, #tpu.memory_space<vmem>> -> memref<1x64x128xbf16, #tpu.memory_space<vmem>>
        %dma_wait3A_91 = tpu.memref_squeeze %dma_wait3A_90 : memref<1x64x128xbf16, #tpu.memory_space<vmem>> -> memref<64x128xbf16, #tpu.memory_space<vmem>>
        %dma_wait3A_92 = arith.constant 0 : i32
        %dma_wait3A_93 = tpu.memref_slice %arg6[%arg0, %add3A_71, %dma_wait3A_92] : memref<2x10240x128xbf16, #tpu.memory_space<hbm>> -> memref<1x64x128xbf16, #tpu.memory_space<hbm>>
        %dma_wait3A_94 = tpu.memref_squeeze %dma_wait3A_93 : memref<1x64x128xbf16, #tpu.memory_space<hbm>> -> memref<64x128xbf16, #tpu.memory_space<hbm>>
        %dma_wait3A_95 = arith.constant 0 : i32
        %dma_wait3A_96 = tpu.memref_slice %arg6[%arg0, %add3A_71, %dma_wait3A_95] : memref<2x10240x128xbf16, #tpu.memory_space<hbm>> -> memref<1x64x128xbf16, #tpu.memory_space<hbm>>
        %dma_wait3A_97 = tpu.memref_squeeze %dma_wait3A_96 : memref<1x64x128xbf16, #tpu.memory_space<hbm>> -> memref<64x128xbf16, #tpu.memory_space<hbm>>
        %dma_wait3A_98 = arith.constant 0 : i32
        %dma_wait3A_99 = arith.constant 0 : i32
        %dma_wait3A_100 = tpu.memref_slice %arg9[%run_scoped3A_72, %dma_wait3A_98, %dma_wait3A_99] : memref<4x125x128xbf16, #tpu.memory_space<vmem>> -> memref<1x64x128xbf16, #tpu.memory_space<vmem>>
        %dma_wait3A_101 = tpu.memref_squeeze %dma_wait3A_100 : memref<1x64x128xbf16, #tpu.memory_space<vmem>> -> memref<64x128xbf16, #tpu.memory_space<vmem>>
        tpu.wait_dma2 semaphore(%run_scoped3A_73 : memref<!tpu.dma_semaphore, #tpu.memory_space<semaphore_mem>>) src(%dma_wait3A_101 : memref<64x128xbf16, #tpu.memory_space<vmem>>) dst(%dma_wait3A_97 : memref<64x128xbf16, #tpu.memory_space<hbm>>)
        tpu.yield
      }) : () -> ()
    }
    %scan3A_61 = arith.constant 10 : i32
    return
  }
}

#map = affine_map<(d0, d1) -> (0, 0)>
#map1 = affine_map<(d0, d1) -> (0, 0, 0)>
module attributes {stable_mosaic.version = 14 : i64} {
  func.func @_segsum_body(%arg0: i32, %arg1: i32, %arg2: memref<10000x128xbf16, #tpu.memory_space<hbm>>, %arg3: memref<32x80x125xi32, #tpu.memory_space<hbm>>, %arg4: memref<32x80x125xi32, #tpu.memory_space<hbm>>, %arg5: memref<10240x128xbf16, #tpu.memory_space<hbm>>, %arg6: memref<2x10240x128xbf16, #tpu.memory_space<hbm>>, %arg7: memref<80x125xi32, #tpu.memory_space<vmem>>, %arg8: memref<80x125xi32, #tpu.memory_space<vmem>>, %arg9: memref<4x125x128xbf16, #tpu.memory_space<vmem>>, %arg10: memref<10240x128xbf16, #tpu.memory_space<vmem_shared>>, %arg11: memref<!tpu.dma_semaphore, #tpu.memory_space<semaphore_mem>>, %arg12: memref<!tpu.dma_semaphore, #tpu.memory_space<semaphore_mem>>) attributes {dimension_semantics = [#tpu.dimension_semantics<core_parallel>, #tpu.dimension_semantics<subcore_parallel>], iteration_bounds = array<i64: 2, 16>, scalar_prefetch = 0 : i64, scratch_operands = 6 : i64, tpu.core_type = #tpu.core_type<sc_vector_subcore>, window_params = [{transform_indices = #map}, {transform_indices = #map1}, {transform_indices = #map1}, {transform_indices = #map}, {transform_indices = #map1}]} {
    %mul3A = arith.constant 2 : i32
    %mul3A_0 = arith.muli %arg1, %mul3A : i32
    %add3A = arith.addi %mul3A_0, %arg0 : i32
    "tpu.region"() ({
      %run_scoped3A = tpu.sem_alloc : memref<!tpu.dma_semaphore, #tpu.memory_space<semaphore_mem>>
      %dma_start3A_62 = arith.constant 0 : i32
      %dma_start3A_63 = arith.constant 0 : i32
      %dma_start3A_64 = tpu.memref_slice %arg3[%add3A, %dma_start3A_62, %dma_start3A_63] : memref<32x80x125xi32, #tpu.memory_space<hbm>> -> memref<1x80x125xi32, #tpu.memory_space<hbm>>
      %dma_start3A_65 = tpu.memref_squeeze %dma_start3A_64 : memref<1x80x125xi32, #tpu.memory_space<hbm>> -> memref<80x125xi32, #tpu.memory_space<hbm>>
      %dma_start3A_66 = arith.constant 0 : i32
      %dma_start3A_67 = arith.constant 0 : i32
      %dma_start3A_68 = tpu.memref_slice %arg3[%add3A, %dma_start3A_66, %dma_start3A_67] : memref<32x80x125xi32, #tpu.memory_space<hbm>> -> memref<1x80x125xi32, #tpu.memory_space<hbm>>
      %dma_start3A_69 = tpu.memref_squeeze %dma_start3A_68 : memref<1x80x125xi32, #tpu.memory_space<hbm>> -> memref<80x125xi32, #tpu.memory_space<hbm>>
      tpu.enqueue_dma source(%dma_start3A_69 : memref<80x125xi32, #tpu.memory_space<hbm>>) target(%arg7 : memref<80x125xi32, #tpu.memory_space<vmem>>) target_semaphore(%run_scoped3A : memref<!tpu.dma_semaphore, #tpu.memory_space<semaphore_mem>>)
      %dma_wait3A_70 = arith.constant 0 : i32
      %dma_wait3A_71 = arith.constant 0 : i32
      %dma_wait3A_72 = tpu.memref_slice %arg3[%add3A, %dma_wait3A_70, %dma_wait3A_71] : memref<32x80x125xi32, #tpu.memory_space<hbm>> -> memref<1x80x125xi32, #tpu.memory_space<hbm>>
      %dma_wait3A_73 = tpu.memref_squeeze %dma_wait3A_72 : memref<1x80x125xi32, #tpu.memory_space<hbm>> -> memref<80x125xi32, #tpu.memory_space<hbm>>
      %dma_wait3A_74 = arith.constant 0 : i32
      %dma_wait3A_75 = arith.constant 0 : i32
      %dma_wait3A_76 = tpu.memref_slice %arg3[%add3A, %dma_wait3A_74, %dma_wait3A_75] : memref<32x80x125xi32, #tpu.memory_space<hbm>> -> memref<1x80x125xi32, #tpu.memory_space<hbm>>
      %dma_wait3A_77 = tpu.memref_squeeze %dma_wait3A_76 : memref<1x80x125xi32, #tpu.memory_space<hbm>> -> memref<80x125xi32, #tpu.memory_space<hbm>>
      tpu.wait_dma2 semaphore(%run_scoped3A : memref<!tpu.dma_semaphore, #tpu.memory_space<semaphore_mem>>) src(%dma_wait3A_77 : memref<80x125xi32, #tpu.memory_space<hbm>>) dst(%arg7 : memref<80x125xi32, #tpu.memory_space<vmem>>)
      tpu.yield
    }) : () -> ()
    "tpu.region"() ({
      %run_scoped3A = tpu.sem_alloc : memref<!tpu.dma_semaphore, #tpu.memory_space<semaphore_mem>>
      %dma_start3A_62 = arith.constant 0 : i32
      %dma_start3A_63 = arith.constant 0 : i32
      %dma_start3A_64 = tpu.memref_slice %arg4[%add3A, %dma_start3A_62, %dma_start3A_63] : memref<32x80x125xi32, #tpu.memory_space<hbm>> -> memref<1x80x125xi32, #tpu.memory_space<hbm>>
      %dma_start3A_65 = tpu.memref_squeeze %dma_start3A_64 : memref<1x80x125xi32, #tpu.memory_space<hbm>> -> memref<80x125xi32, #tpu.memory_space<hbm>>
      %dma_start3A_66 = arith.constant 0 : i32
      %dma_start3A_67 = arith.constant 0 : i32
      %dma_start3A_68 = tpu.memref_slice %arg4[%add3A, %dma_start3A_66, %dma_start3A_67] : memref<32x80x125xi32, #tpu.memory_space<hbm>> -> memref<1x80x125xi32, #tpu.memory_space<hbm>>
      %dma_start3A_69 = tpu.memref_squeeze %dma_start3A_68 : memref<1x80x125xi32, #tpu.memory_space<hbm>> -> memref<80x125xi32, #tpu.memory_space<hbm>>
      tpu.enqueue_dma source(%dma_start3A_69 : memref<80x125xi32, #tpu.memory_space<hbm>>) target(%arg8 : memref<80x125xi32, #tpu.memory_space<vmem>>) target_semaphore(%run_scoped3A : memref<!tpu.dma_semaphore, #tpu.memory_space<semaphore_mem>>)
      %dma_wait3A_70 = arith.constant 0 : i32
      %dma_wait3A_71 = arith.constant 0 : i32
      %dma_wait3A_72 = tpu.memref_slice %arg4[%add3A, %dma_wait3A_70, %dma_wait3A_71] : memref<32x80x125xi32, #tpu.memory_space<hbm>> -> memref<1x80x125xi32, #tpu.memory_space<hbm>>
      %dma_wait3A_73 = tpu.memref_squeeze %dma_wait3A_72 : memref<1x80x125xi32, #tpu.memory_space<hbm>> -> memref<80x125xi32, #tpu.memory_space<hbm>>
      %dma_wait3A_74 = arith.constant 0 : i32
      %dma_wait3A_75 = arith.constant 0 : i32
      %dma_wait3A_76 = tpu.memref_slice %arg4[%add3A, %dma_wait3A_74, %dma_wait3A_75] : memref<32x80x125xi32, #tpu.memory_space<hbm>> -> memref<1x80x125xi32, #tpu.memory_space<hbm>>
      %dma_wait3A_77 = tpu.memref_squeeze %dma_wait3A_76 : memref<1x80x125xi32, #tpu.memory_space<hbm>> -> memref<80x125xi32, #tpu.memory_space<hbm>>
      tpu.wait_dma2 semaphore(%run_scoped3A : memref<!tpu.dma_semaphore, #tpu.memory_space<semaphore_mem>>) src(%dma_wait3A_77 : memref<80x125xi32, #tpu.memory_space<hbm>>) dst(%arg8 : memref<80x125xi32, #tpu.memory_space<vmem>>)
      tpu.yield
    }) : () -> ()
    %mul3A_1 = arith.constant 640 : i32
    %mul3A_2 = arith.muli %arg1, %mul3A_1 : i32
    %mul3A_3 = arith.constant 640 : i32
    %mul3A_4 = arith.muli %arg1, %mul3A_3 : i32
    "tpu.region"() ({
      %run_scoped3A = tpu.sem_alloc : memref<!tpu.dma_semaphore, #tpu.memory_space<semaphore_mem>>
      %dma_start3A_62 = arith.constant 0 : i32
      %dma_start3A_63 = tpu.memref_slice %arg10[%mul3A_4, %dma_start3A_62] : memref<10240x128xbf16, #tpu.memory_space<vmem_shared>> -> memref<640x128xbf16, #tpu.memory_space<vmem_shared>>
      %dma_start3A_64 = arith.constant 0 : i32
      %dma_start3A_65 = tpu.memref_slice %arg5[%mul3A_2, %dma_start3A_64] : memref<10240x128xbf16, #tpu.memory_space<hbm>> -> memref<640x128xbf16, #tpu.memory_space<hbm>>
      tpu.enqueue_dma source(%dma_start3A_65 : memref<640x128xbf16, #tpu.memory_space<hbm>>) target(%dma_start3A_63 : memref<640x128xbf16, #tpu.memory_space<vmem_shared>>) target_semaphore(%run_scoped3A : memref<!tpu.dma_semaphore, #tpu.memory_space<semaphore_mem>>)
      %dma_wait3A_66 = arith.constant 0 : i32
      %dma_wait3A_67 = tpu.memref_slice %arg10[%mul3A_4, %dma_wait3A_66] : memref<10240x128xbf16, #tpu.memory_space<vmem_shared>> -> memref<640x128xbf16, #tpu.memory_space<vmem_shared>>
      %dma_wait3A_68 = arith.constant 0 : i32
      %dma_wait3A_69 = tpu.memref_slice %arg5[%mul3A_2, %dma_wait3A_68] : memref<10240x128xbf16, #tpu.memory_space<hbm>> -> memref<640x128xbf16, #tpu.memory_space<hbm>>
      tpu.wait_dma2 semaphore(%run_scoped3A : memref<!tpu.dma_semaphore, #tpu.memory_space<semaphore_mem>>) src(%dma_wait3A_69 : memref<640x128xbf16, #tpu.memory_space<hbm>>) dst(%dma_wait3A_67 : memref<640x128xbf16, #tpu.memory_space<vmem_shared>>)
      tpu.yield
    }) : () -> ()
    %barrier3A = arith.constant 0 : index
    tpu.barrier barrier_id(%barrier3A)
    %dma_start3A = arith.constant 0 : i32
    %dma_start3A_5 = arith.constant 0 : i32
    %dma_start3A_6 = arith.constant 0 : i32
    %dma_start3A_7 = arith.constant 0 : i32
    %dma_start3A_8 = tpu.memref_slice %arg9[%dma_start3A_5, %dma_start3A_6, %dma_start3A_7] : memref<4x125x128xbf16, #tpu.memory_space<vmem>> -> memref<1x125x128xbf16, #tpu.memory_space<vmem>>
    %dma_start3A_9 = tpu.memref_squeeze %dma_start3A_8 : memref<1x125x128xbf16, #tpu.memory_space<vmem>> -> memref<125x128xbf16, #tpu.memory_space<vmem>>
    %dma_start3A_10 = arith.constant 0 : i32
    %dma_start3A_11 = tpu.memref_slice %arg7[%dma_start3A, %dma_start3A_10] : memref<80x125xi32, #tpu.memory_space<vmem>> -> memref<1x125xi32, #tpu.memory_space<vmem>>
    %dma_start3A_12 = tpu.memref_squeeze %dma_start3A_11 : memref<1x125xi32, #tpu.memory_space<vmem>> -> memref<125xi32, #tpu.memory_space<vmem>>
    %dma_start3A_13 = arith.constant 0 : i32
    %dma_start3A_14 = arith.constant 0 : i32
    %dma_start3A_15 = tpu.memref_slice %arg2[%dma_start3A_13, %dma_start3A_14] : memref<10000x128xbf16, #tpu.memory_space<hbm>> -> memref<10000x128xbf16, #tpu.memory_space<hbm>>
    tpu.enqueue_indirect_dma source(%dma_start3A_15 : memref<10000x128xbf16, #tpu.memory_space<hbm>>) target(%dma_start3A_9 : memref<125x128xbf16, #tpu.memory_space<vmem>>) offsets(%dma_start3A_12 : memref<125xi32, #tpu.memory_space<vmem>>) semaphore(%arg11 : memref<!tpu.dma_semaphore, #tpu.memory_space<semaphore_mem>>)
    %dma_start3A_16 = arith.constant 1 : i32
    %dma_start3A_17 = arith.constant 1 : i32
    %dma_start3A_18 = arith.constant 0 : i32
    %dma_start3A_19 = arith.constant 0 : i32
    %dma_start3A_20 = tpu.memref_slice %arg9[%dma_start3A_17, %dma_start3A_18, %dma_start3A_19] : memref<4x125x128xbf16, #tpu.memory_space<vmem>> -> memref<1x125x128xbf16, #tpu.memory_space<vmem>>
    %dma_start3A_21 = tpu.memref_squeeze %dma_start3A_20 : memref<1x125x128xbf16, #tpu.memory_space<vmem>> -> memref<125x128xbf16, #tpu.memory_space<vmem>>
    %dma_start3A_22 = arith.constant 0 : i32
    %dma_start3A_23 = tpu.memref_slice %arg7[%dma_start3A_16, %dma_start3A_22] : memref<80x125xi32, #tpu.memory_space<vmem>> -> memref<1x125xi32, #tpu.memory_space<vmem>>
    %dma_start3A_24 = tpu.memref_squeeze %dma_start3A_23 : memref<1x125xi32, #tpu.memory_space<vmem>> -> memref<125xi32, #tpu.memory_space<vmem>>
    %dma_start3A_25 = arith.constant 0 : i32
    %dma_start3A_26 = arith.constant 0 : i32
    %dma_start3A_27 = tpu.memref_slice %arg2[%dma_start3A_25, %dma_start3A_26] : memref<10000x128xbf16, #tpu.memory_space<hbm>> -> memref<10000x128xbf16, #tpu.memory_space<hbm>>
    tpu.enqueue_indirect_dma source(%dma_start3A_27 : memref<10000x128xbf16, #tpu.memory_space<hbm>>) target(%dma_start3A_21 : memref<125x128xbf16, #tpu.memory_space<vmem>>) offsets(%dma_start3A_24 : memref<125xi32, #tpu.memory_space<vmem>>) semaphore(%arg11 : memref<!tpu.dma_semaphore, #tpu.memory_space<semaphore_mem>>)
    %dma_start3A_28 = arith.constant 2 : i32
    %dma_start3A_29 = arith.constant 2 : i32
    %dma_start3A_30 = arith.constant 0 : i32
    %dma_start3A_31 = arith.constant 0 : i32
    %dma_start3A_32 = tpu.memref_slice %arg9[%dma_start3A_29, %dma_start3A_30, %dma_start3A_31] : memref<4x125x128xbf16, #tpu.memory_space<vmem>> -> memref<1x125x128xbf16, #tpu.memory_space<vmem>>
    %dma_start3A_33 = tpu.memref_squeeze %dma_start3A_32 : memref<1x125x128xbf16, #tpu.memory_space<vmem>> -> memref<125x128xbf16, #tpu.memory_space<vmem>>
    %dma_start3A_34 = arith.constant 0 : i32
    %dma_start3A_35 = tpu.memref_slice %arg7[%dma_start3A_28, %dma_start3A_34] : memref<80x125xi32, #tpu.memory_space<vmem>> -> memref<1x125xi32, #tpu.memory_space<vmem>>
    %dma_start3A_36 = tpu.memref_squeeze %dma_start3A_35 : memref<1x125xi32, #tpu.memory_space<vmem>> -> memref<125xi32, #tpu.memory_space<vmem>>
    %dma_start3A_37 = arith.constant 0 : i32
    %dma_start3A_38 = arith.constant 0 : i32
    %dma_start3A_39 = tpu.memref_slice %arg2[%dma_start3A_37, %dma_start3A_38] : memref<10000x128xbf16, #tpu.memory_space<hbm>> -> memref<10000x128xbf16, #tpu.memory_space<hbm>>
    tpu.enqueue_indirect_dma source(%dma_start3A_39 : memref<10000x128xbf16, #tpu.memory_space<hbm>>) target(%dma_start3A_33 : memref<125x128xbf16, #tpu.memory_space<vmem>>) offsets(%dma_start3A_36 : memref<125xi32, #tpu.memory_space<vmem>>) semaphore(%arg11 : memref<!tpu.dma_semaphore, #tpu.memory_space<semaphore_mem>>)
    %scan3A = arith.constant 0 : i32
    %scan3A_40 = arith.constant 80 : i32
    %scan3A_41 = arith.addi %scan3A, %scan3A_40 : i32
    %scan3A_42 = arith.constant 1 : i32
    scf.for %scan3A_62 = %scan3A to %scan3A_41 step %scan3A_42  : i32 {
      %mul3A_63 = arith.constant 1 : i32
      %mul3A_64 = arith.muli %scan3A_62, %mul3A_63 : i32
      %add3A_65 = arith.constant 0 : i32
      %add3A_66 = arith.addi %add3A_65, %mul3A_64 : i32
      %rem3A_67 = arith.constant 4 : i32
      %rem3A_68 = arith.remsi %add3A_66, %rem3A_67 : i32
      %dma_wait3A_69 = arith.constant 0 : i32
      %dma_wait3A_70 = arith.constant 0 : i32
      %dma_wait3A_71 = tpu.memref_slice %arg9[%rem3A_68, %dma_wait3A_69, %dma_wait3A_70] : memref<4x125x128xbf16, #tpu.memory_space<vmem>> -> memref<1x125x128xbf16, #tpu.memory_space<vmem>>
      %dma_wait3A_72 = tpu.memref_squeeze %dma_wait3A_71 : memref<1x125x128xbf16, #tpu.memory_space<vmem>> -> memref<125x128xbf16, #tpu.memory_space<vmem>>
      %dma_wait3A_73 = arith.constant 0 : i32
      %dma_wait3A_74 = tpu.memref_slice %arg7[%add3A_66, %dma_wait3A_73] : memref<80x125xi32, #tpu.memory_space<vmem>> -> memref<1x125xi32, #tpu.memory_space<vmem>>
      %dma_wait3A_75 = tpu.memref_squeeze %dma_wait3A_74 : memref<1x125xi32, #tpu.memory_space<vmem>> -> memref<125xi32, #tpu.memory_space<vmem>>
      %dma_wait3A_76 = arith.constant 0 : i32
      %dma_wait3A_77 = arith.constant 0 : i32
      %dma_wait3A_78 = tpu.memref_slice %arg2[%dma_wait3A_76, %dma_wait3A_77] : memref<10000x128xbf16, #tpu.memory_space<hbm>> -> memref<10000x128xbf16, #tpu.memory_space<hbm>>
      tpu.wait_indirect_dma semaphore(%arg11 : memref<!tpu.dma_semaphore, #tpu.memory_space<semaphore_mem>>) src(%dma_wait3A_78 : memref<10000x128xbf16, #tpu.memory_space<hbm>>) dst(%dma_wait3A_72 : memref<125x128xbf16, #tpu.memory_space<vmem>>)
      %ge3A = arith.constant 1 : i32
      %ge3A_79 = arith.cmpi sge, %add3A_66, %ge3A : i32
      %convert_element_type3A = arith.extui %ge3A_79 : i1 to i32
      %cond3A = arith.constant 0 : i32
      %cond3A_80 = arith.cmpi ne, %convert_element_type3A, %cond3A : i32
      scf.if %cond3A_80 {
        %sub3A = arith.constant 1 : i32
        %sub3A_97 = arith.subi %add3A_66, %sub3A : i32
        %sub3A_98 = arith.constant 1 : i32
        %sub3A_99 = arith.subi %add3A_66, %sub3A_98 : i32
        %rem3A_100 = arith.constant 4 : i32
        %rem3A_101 = arith.remsi %sub3A_99, %rem3A_100 : i32
        %dma_wait3A_102 = arith.constant 0 : i32
        %dma_wait3A_103 = arith.constant 0 : i32
        %dma_wait3A_104 = tpu.memref_slice %arg9[%rem3A_101, %dma_wait3A_102, %dma_wait3A_103] : memref<4x125x128xbf16, #tpu.memory_space<vmem>> -> memref<1x125x128xbf16, #tpu.memory_space<vmem>>
        %dma_wait3A_105 = tpu.memref_squeeze %dma_wait3A_104 : memref<1x125x128xbf16, #tpu.memory_space<vmem>> -> memref<125x128xbf16, #tpu.memory_space<vmem>>
        %dma_wait3A_106 = arith.constant 0 : i32
        %dma_wait3A_107 = tpu.memref_slice %arg8[%sub3A_97, %dma_wait3A_106] : memref<80x125xi32, #tpu.memory_space<vmem>> -> memref<1x125xi32, #tpu.memory_space<vmem>>
        %dma_wait3A_108 = tpu.memref_squeeze %dma_wait3A_107 : memref<1x125xi32, #tpu.memory_space<vmem>> -> memref<125xi32, #tpu.memory_space<vmem>>
        %dma_wait3A_109 = arith.constant 0 : i32
        %dma_wait3A_110 = arith.constant 0 : i32
        %dma_wait3A_111 = tpu.memref_slice %arg10[%dma_wait3A_109, %dma_wait3A_110] : memref<10240x128xbf16, #tpu.memory_space<vmem_shared>> -> memref<10240x128xbf16, #tpu.memory_space<vmem_shared>>
        tpu.wait_indirect_dma semaphore(%arg12 : memref<!tpu.dma_semaphore, #tpu.memory_space<semaphore_mem>>) src(%dma_wait3A_105 : memref<125x128xbf16, #tpu.memory_space<vmem>>) dst(%dma_wait3A_111 : memref<10240x128xbf16, #tpu.memory_space<vmem_shared>>)
      } else {
      }
      %add3A_81 = arith.constant 3 : i32
      %add3A_82 = arith.addi %add3A_66, %add3A_81 : i32
      %lt3A = arith.constant 80 : i32
      %lt3A_83 = arith.cmpi slt, %add3A_82, %lt3A : i32
      %convert_element_type3A_84 = arith.extui %lt3A_83 : i1 to i32
      %cond3A_85 = arith.constant 0 : i32
      %cond3A_86 = arith.cmpi ne, %convert_element_type3A_84, %cond3A_85 : i32
      scf.if %cond3A_86 {
        %add3A_97 = arith.constant 3 : i32
        %add3A_98 = arith.addi %add3A_66, %add3A_97 : i32
        %add3A_99 = arith.constant 3 : i32
        %add3A_100 = arith.addi %add3A_66, %add3A_99 : i32
        %rem3A_101 = arith.constant 4 : i32
        %rem3A_102 = arith.remsi %add3A_100, %rem3A_101 : i32
        %dma_start3A_103 = arith.constant 0 : i32
        %dma_start3A_104 = arith.constant 0 : i32
        %dma_start3A_105 = tpu.memref_slice %arg9[%rem3A_102, %dma_start3A_103, %dma_start3A_104] : memref<4x125x128xbf16, #tpu.memory_space<vmem>> -> memref<1x125x128xbf16, #tpu.memory_space<vmem>>
        %dma_start3A_106 = tpu.memref_squeeze %dma_start3A_105 : memref<1x125x128xbf16, #tpu.memory_space<vmem>> -> memref<125x128xbf16, #tpu.memory_space<vmem>>
        %dma_start3A_107 = arith.constant 0 : i32
        %dma_start3A_108 = tpu.memref_slice %arg7[%add3A_98, %dma_start3A_107] : memref<80x125xi32, #tpu.memory_space<vmem>> -> memref<1x125xi32, #tpu.memory_space<vmem>>
        %dma_start3A_109 = tpu.memref_squeeze %dma_start3A_108 : memref<1x125xi32, #tpu.memory_space<vmem>> -> memref<125xi32, #tpu.memory_space<vmem>>
        %dma_start3A_110 = arith.constant 0 : i32
        %dma_start3A_111 = arith.constant 0 : i32
        %dma_start3A_112 = tpu.memref_slice %arg2[%dma_start3A_110, %dma_start3A_111] : memref<10000x128xbf16, #tpu.memory_space<hbm>> -> memref<10000x128xbf16, #tpu.memory_space<hbm>>
        tpu.enqueue_indirect_dma source(%dma_start3A_112 : memref<10000x128xbf16, #tpu.memory_space<hbm>>) target(%dma_start3A_106 : memref<125x128xbf16, #tpu.memory_space<vmem>>) offsets(%dma_start3A_109 : memref<125xi32, #tpu.memory_space<vmem>>) semaphore(%arg11 : memref<!tpu.dma_semaphore, #tpu.memory_space<semaphore_mem>>)
      } else {
      }
      %dma_start3A_87 = arith.constant 0 : i32
      %dma_start3A_88 = arith.constant 0 : i32
      %dma_start3A_89 = tpu.memref_slice %arg9[%rem3A_68, %dma_start3A_87, %dma_start3A_88] : memref<4x125x128xbf16, #tpu.memory_space<vmem>> -> memref<1x125x128xbf16, #tpu.memory_space<vmem>>
      %dma_start3A_90 = tpu.memref_squeeze %dma_start3A_89 : memref<1x125x128xbf16, #tpu.memory_space<vmem>> -> memref<125x128xbf16, #tpu.memory_space<vmem>>
      %dma_start3A_91 = arith.constant 0 : i32
      %dma_start3A_92 = tpu.memref_slice %arg8[%add3A_66, %dma_start3A_91] : memref<80x125xi32, #tpu.memory_space<vmem>> -> memref<1x125xi32, #tpu.memory_space<vmem>>
      %dma_start3A_93 = tpu.memref_squeeze %dma_start3A_92 : memref<1x125xi32, #tpu.memory_space<vmem>> -> memref<125xi32, #tpu.memory_space<vmem>>
      %dma_start3A_94 = arith.constant 0 : i32
      %dma_start3A_95 = arith.constant 0 : i32
      %dma_start3A_96 = tpu.memref_slice %arg10[%dma_start3A_94, %dma_start3A_95] : memref<10240x128xbf16, #tpu.memory_space<vmem_shared>> -> memref<10240x128xbf16, #tpu.memory_space<vmem_shared>>
      tpu.enqueue_indirect_dma source(%dma_start3A_90 : memref<125x128xbf16, #tpu.memory_space<vmem>>) target(%dma_start3A_96 : memref<10240x128xbf16, #tpu.memory_space<vmem_shared>>) offsets(%dma_start3A_93 : memref<125xi32, #tpu.memory_space<vmem>>) semaphore(%arg12 : memref<!tpu.dma_semaphore, #tpu.memory_space<semaphore_mem>>) {add = true}
    }
    %scan3A_43 = arith.constant 80 : i32
    %rem3A = arith.constant 79 : i32
    %rem3A_44 = arith.constant 4 : i32
    %rem3A_45 = arith.remsi %rem3A, %rem3A_44 : i32
    %dma_wait3A = arith.constant 79 : i32
    %dma_wait3A_46 = arith.constant 0 : i32
    %dma_wait3A_47 = arith.constant 0 : i32
    %dma_wait3A_48 = tpu.memref_slice %arg9[%rem3A_45, %dma_wait3A_46, %dma_wait3A_47] : memref<4x125x128xbf16, #tpu.memory_space<vmem>> -> memref<1x125x128xbf16, #tpu.memory_space<vmem>>
    %dma_wait3A_49 = tpu.memref_squeeze %dma_wait3A_48 : memref<1x125x128xbf16, #tpu.memory_space<vmem>> -> memref<125x128xbf16, #tpu.memory_space<vmem>>
    %dma_wait3A_50 = arith.constant 0 : i32
    %dma_wait3A_51 = tpu.memref_slice %arg8[%dma_wait3A, %dma_wait3A_50] : memref<80x125xi32, #tpu.memory_space<vmem>> -> memref<1x125xi32, #tpu.memory_space<vmem>>
    %dma_wait3A_52 = tpu.memref_squeeze %dma_wait3A_51 : memref<1x125xi32, #tpu.memory_space<vmem>> -> memref<125xi32, #tpu.memory_space<vmem>>
    %dma_wait3A_53 = arith.constant 0 : i32
    %dma_wait3A_54 = arith.constant 0 : i32
    %dma_wait3A_55 = tpu.memref_slice %arg10[%dma_wait3A_53, %dma_wait3A_54] : memref<10240x128xbf16, #tpu.memory_space<vmem_shared>> -> memref<10240x128xbf16, #tpu.memory_space<vmem_shared>>
    tpu.wait_indirect_dma semaphore(%arg12 : memref<!tpu.dma_semaphore, #tpu.memory_space<semaphore_mem>>) src(%dma_wait3A_49 : memref<125x128xbf16, #tpu.memory_space<vmem>>) dst(%dma_wait3A_55 : memref<10240x128xbf16, #tpu.memory_space<vmem_shared>>)
    %barrier3A_56 = arith.constant 0 : index
    tpu.barrier barrier_id(%barrier3A_56)
    %scan3A_57 = arith.constant 0 : i32
    %scan3A_58 = arith.constant 10 : i32
    %scan3A_59 = arith.addi %scan3A_57, %scan3A_58 : i32
    %scan3A_60 = arith.constant 1 : i32
    scf.for %scan3A_62 = %scan3A_57 to %scan3A_59 step %scan3A_60  : i32 {
      %mul3A_63 = arith.constant 1 : i32
      %mul3A_64 = arith.muli %scan3A_62, %mul3A_63 : i32
      %add3A_65 = arith.constant 0 : i32
      %add3A_66 = arith.addi %add3A_65, %mul3A_64 : i32
      %mul3A_67 = arith.constant 640 : i32
      %mul3A_68 = arith.muli %arg1, %mul3A_67 : i32
      %mul3A_69 = arith.constant 64 : i32
      %mul3A_70 = arith.muli %add3A_66, %mul3A_69 : i32
      %add3A_71 = arith.addi %mul3A_68, %mul3A_70 : i32
      %run_scoped3A = arith.constant 0 : i32
      "tpu.region"() ({
        %run_scoped3A_73 = tpu.sem_alloc : memref<!tpu.dma_semaphore, #tpu.memory_space<semaphore_mem>>
        %dma_start3A_74 = arith.constant 0 : i32
        %dma_start3A_75 = arith.constant 0 : i32
        %dma_start3A_76 = tpu.memref_slice %arg9[%run_scoped3A, %dma_start3A_74, %dma_start3A_75] : memref<4x125x128xbf16, #tpu.memory_space<vmem>> -> memref<1x64x128xbf16, #tpu.memory_space<vmem>>
        %dma_start3A_77 = tpu.memref_squeeze %dma_start3A_76 : memref<1x64x128xbf16, #tpu.memory_space<vmem>> -> memref<64x128xbf16, #tpu.memory_space<vmem>>
        %dma_start3A_78 = arith.constant 0 : i32
        %dma_start3A_79 = tpu.memref_slice %arg10[%add3A_71, %dma_start3A_78] : memref<10240x128xbf16, #tpu.memory_space<vmem_shared>> -> memref<64x128xbf16, #tpu.memory_space<vmem_shared>>
        %dma_start3A_80 = arith.constant 0 : i32
        %dma_start3A_81 = arith.constant 0 : i32
        %dma_start3A_82 = tpu.memref_slice %arg9[%run_scoped3A, %dma_start3A_80, %dma_start3A_81] : memref<4x125x128xbf16, #tpu.memory_space<vmem>> -> memref<1x64x128xbf16, #tpu.memory_space<vmem>>
        %dma_start3A_83 = tpu.memref_squeeze %dma_start3A_82 : memref<1x64x128xbf16, #tpu.memory_space<vmem>> -> memref<64x128xbf16, #tpu.memory_space<vmem>>
        %dma_start3A_84 = arith.constant 0 : i32
        %dma_start3A_85 = tpu.memref_slice %arg10[%add3A_71, %dma_start3A_84] : memref<10240x128xbf16, #tpu.memory_space<vmem_shared>> -> memref<64x128xbf16, #tpu.memory_space<vmem_shared>>
        tpu.enqueue_dma source(%dma_start3A_85 : memref<64x128xbf16, #tpu.memory_space<vmem_shared>>) target(%dma_start3A_83 : memref<64x128xbf16, #tpu.memory_space<vmem>>) target_semaphore(%run_scoped3A_73 : memref<!tpu.dma_semaphore, #tpu.memory_space<semaphore_mem>>)
        %dma_wait3A_86 = arith.constant 0 : i32
        %dma_wait3A_87 = arith.constant 0 : i32
        %dma_wait3A_88 = tpu.memref_slice %arg9[%run_scoped3A, %dma_wait3A_86, %dma_wait3A_87] : memref<4x125x128xbf16, #tpu.memory_space<vmem>> -> memref<1x64x128xbf16, #tpu.memory_space<vmem>>
        %dma_wait3A_89 = tpu.memref_squeeze %dma_wait3A_88 : memref<1x64x128xbf16, #tpu.memory_space<vmem>> -> memref<64x128xbf16, #tpu.memory_space<vmem>>
        %dma_wait3A_90 = arith.constant 0 : i32
        %dma_wait3A_91 = tpu.memref_slice %arg10[%add3A_71, %dma_wait3A_90] : memref<10240x128xbf16, #tpu.memory_space<vmem_shared>> -> memref<64x128xbf16, #tpu.memory_space<vmem_shared>>
        %dma_wait3A_92 = arith.constant 0 : i32
        %dma_wait3A_93 = arith.constant 0 : i32
        %dma_wait3A_94 = tpu.memref_slice %arg9[%run_scoped3A, %dma_wait3A_92, %dma_wait3A_93] : memref<4x125x128xbf16, #tpu.memory_space<vmem>> -> memref<1x64x128xbf16, #tpu.memory_space<vmem>>
        %dma_wait3A_95 = tpu.memref_squeeze %dma_wait3A_94 : memref<1x64x128xbf16, #tpu.memory_space<vmem>> -> memref<64x128xbf16, #tpu.memory_space<vmem>>
        %dma_wait3A_96 = arith.constant 0 : i32
        %dma_wait3A_97 = tpu.memref_slice %arg10[%add3A_71, %dma_wait3A_96] : memref<10240x128xbf16, #tpu.memory_space<vmem_shared>> -> memref<64x128xbf16, #tpu.memory_space<vmem_shared>>
        tpu.wait_dma2 semaphore(%run_scoped3A_73 : memref<!tpu.dma_semaphore, #tpu.memory_space<semaphore_mem>>) src(%dma_wait3A_97 : memref<64x128xbf16, #tpu.memory_space<vmem_shared>>) dst(%dma_wait3A_95 : memref<64x128xbf16, #tpu.memory_space<vmem>>)
        tpu.yield
      }) : () -> ()
      %run_scoped3A_72 = arith.constant 0 : i32
      "tpu.region"() ({
        %run_scoped3A_73 = tpu.sem_alloc : memref<!tpu.dma_semaphore, #tpu.memory_space<semaphore_mem>>
        %dma_start3A_74 = arith.constant 0 : i32
        %dma_start3A_75 = arith.constant 0 : i32
        %dma_start3A_76 = tpu.memref_slice %arg9[%run_scoped3A_72, %dma_start3A_74, %dma_start3A_75] : memref<4x125x128xbf16, #tpu.memory_space<vmem>> -> memref<1x64x128xbf16, #tpu.memory_space<vmem>>
        %dma_start3A_77 = tpu.memref_squeeze %dma_start3A_76 : memref<1x64x128xbf16, #tpu.memory_space<vmem>> -> memref<64x128xbf16, #tpu.memory_space<vmem>>
        %dma_start3A_78 = arith.constant 0 : i32
        %dma_start3A_79 = tpu.memref_slice %arg6[%arg0, %add3A_71, %dma_start3A_78] : memref<2x10240x128xbf16, #tpu.memory_space<hbm>> -> memref<1x64x128xbf16, #tpu.memory_space<hbm>>
        %dma_start3A_80 = tpu.memref_squeeze %dma_start3A_79 : memref<1x64x128xbf16, #tpu.memory_space<hbm>> -> memref<64x128xbf16, #tpu.memory_space<hbm>>
        %dma_start3A_81 = arith.constant 0 : i32
        %dma_start3A_82 = tpu.memref_slice %arg6[%arg0, %add3A_71, %dma_start3A_81] : memref<2x10240x128xbf16, #tpu.memory_space<hbm>> -> memref<1x64x128xbf16, #tpu.memory_space<hbm>>
        %dma_start3A_83 = tpu.memref_squeeze %dma_start3A_82 : memref<1x64x128xbf16, #tpu.memory_space<hbm>> -> memref<64x128xbf16, #tpu.memory_space<hbm>>
        %dma_start3A_84 = arith.constant 0 : i32
        %dma_start3A_85 = arith.constant 0 : i32
        %dma_start3A_86 = tpu.memref_slice %arg9[%run_scoped3A_72, %dma_start3A_84, %dma_start3A_85] : memref<4x125x128xbf16, #tpu.memory_space<vmem>> -> memref<1x64x128xbf16, #tpu.memory_space<vmem>>
        %dma_start3A_87 = tpu.memref_squeeze %dma_start3A_86 : memref<1x64x128xbf16, #tpu.memory_space<vmem>> -> memref<64x128xbf16, #tpu.memory_space<vmem>>
        tpu.enqueue_dma source(%dma_start3A_87 : memref<64x128xbf16, #tpu.memory_space<vmem>>) target(%dma_start3A_83 : memref<64x128xbf16, #tpu.memory_space<hbm>>) target_semaphore(%run_scoped3A_73 : memref<!tpu.dma_semaphore, #tpu.memory_space<semaphore_mem>>)
        %dma_wait3A_88 = arith.constant 0 : i32
        %dma_wait3A_89 = arith.constant 0 : i32
        %dma_wait3A_90 = tpu.memref_slice %arg9[%run_scoped3A_72, %dma_wait3A_88, %dma_wait3A_89] : memref<4x125x128xbf16, #tpu.memory_space<vmem>> -> memref<1x64x128xbf16, #tpu.memory_space<vmem>>
        %dma_wait3A_91 = tpu.memref_squeeze %dma_wait3A_90 : memref<1x64x128xbf16, #tpu.memory_space<vmem>> -> memref<64x128xbf16, #tpu.memory_space<vmem>>
        %dma_wait3A_92 = arith.constant 0 : i32
        %dma_wait3A_93 = tpu.memref_slice %arg6[%arg0, %add3A_71, %dma_wait3A_92] : memref<2x10240x128xbf16, #tpu.memory_space<hbm>> -> memref<1x64x128xbf16, #tpu.memory_space<hbm>>
        %dma_wait3A_94 = tpu.memref_squeeze %dma_wait3A_93 : memref<1x64x128xbf16, #tpu.memory_space<hbm>> -> memref<64x128xbf16, #tpu.memory_space<hbm>>
        %dma_wait3A_95 = arith.constant 0 : i32
        %dma_wait3A_96 = tpu.memref_slice %arg6[%arg0, %add3A_71, %dma_wait3A_95] : memref<2x10240x128xbf16, #tpu.memory_space<hbm>> -> memref<1x64x128xbf16, #tpu.memory_space<hbm>>
        %dma_wait3A_97 = tpu.memref_squeeze %dma_wait3A_96 : memref<1x64x128xbf16, #tpu.memory_space<hbm>> -> memref<64x128xbf16, #tpu.memory_space<hbm>>
        %dma_wait3A_98 = arith.constant 0 : i32
        %dma_wait3A_99 = arith.constant 0 : i32
        %dma_wait3A_100 = tpu.memref_slice %arg9[%run_scoped3A_72, %dma_wait3A_98, %dma_wait3A_99] : memref<4x125x128xbf16, #tpu.memory_space<vmem>> -> memref<1x64x128xbf16, #tpu.memory_space<vmem>>
        %dma_wait3A_101 = tpu.memref_squeeze %dma_wait3A_100 : memref<1x64x128xbf16, #tpu.memory_space<vmem>> -> memref<64x128xbf16, #tpu.memory_space<vmem>>
        tpu.wait_dma2 semaphore(%run_scoped3A_73 : memref<!tpu.dma_semaphore, #tpu.memory_space<semaphore_mem>>) src(%dma_wait3A_101 : memref<64x128xbf16, #tpu.memory_space<vmem>>) dst(%dma_wait3A_97 : memref<64x128xbf16, #tpu.memory_space<hbm>>)
        tpu.yield
      }) : () -> ()
    }
    %scan3A_61 = arith.constant 10 : i32
    return
  }
}

module attributes {stable_mosaic.version = 14 : i64} {
  func.func @_tc_first_body(%arg0: i32, %arg1: memref<1000x128xf32, #tpu.memory_space<vmem>>, %arg2: memref<128x128xf32, #tpu.memory_space<vmem>>, %arg3: memref<1000x2xf32, #tpu.memory_space<vmem>>, %arg4: memref<1000x128xbf16, #tpu.memory_space<vmem>>) attributes {dimension_semantics = [#tpu.dimension_semantics<arbitrary>], iteration_bounds = array<i64: 10>, scalar_prefetch = 0 : i64, scratch_operands = 0 : i64, tpu.core_type = #tpu.core_type<tc>, window_params = [{transform_indices = @transform_0, window_bounds = array<i64: 1000, 128>}, {pipeline_mode = #tpu.pipeline_mode<synchronous>, transform_indices = @transform_1, window_bounds = array<i64: 128, 128>}, {transform_indices = @transform_2, window_bounds = array<i64: 1000, 2>}, {transform_indices = @transform_3, window_bounds = array<i64: 1000, 128>}]} {
    %get3A = arith.constant 0 : index
    %get3A_0 = arith.constant 0 : index
    %get3A_1 = vector.load %arg3[%get3A, %get3A_0] : memref<1000x2xf32, #tpu.memory_space<vmem>>, vector<1000x2xf32>
    %slice3A = vector.extract_strided_slice %get3A_1 {offsets = [0, 0], sizes = [1000, 1], strides = [1, 1]} : vector<1000x2xf32> to vector<1000x1xf32>
    %slice3A_2 = vector.extract_strided_slice %get3A_1 {offsets = [0, 1], sizes = [1000, 1], strides = [1, 1]} : vector<1000x2xf32> to vector<1000x1xf32>
    %add3A = arith.addf %slice3A, %slice3A_2 : vector<1000x1xf32>
    %add3A_3 = arith.constant 1.000000e+00 : f32
    %add3A_4 = vector.broadcast %add3A_3 : f32 to vector<1000x1xf32>
    %add3A_5 = arith.addf %add3A, %add3A_4 : vector<1000x1xf32>
    %rsqrt3A = math.rsqrt %add3A_5 : vector<1000x1xf32>
    %get3A_6 = arith.constant 0 : index
    %get3A_7 = arith.constant 0 : index
    %get3A_8 = vector.load %arg1[%get3A_6, %get3A_7] : memref<1000x128xf32, #tpu.memory_space<vmem>>, vector<1000x128xf32>
    %get3A_9 = arith.constant 0 : index
    %get3A_10 = arith.constant 0 : index
    %get3A_11 = vector.load %arg2[%get3A_9, %get3A_10] : memref<128x128xf32, #tpu.memory_space<vmem>>, vector<128x128xf32>
    %dot_general3A = arith.constant dense<0.000000e+00> : vector<1000x128xf32>
    %dot_general3A_12 = tpu.matmul %get3A_8, %get3A_11, %dot_general3A {dimension_numbers = #tpu.dot_dimension_numbers<[1], [0], [0], [1], [0, 0, 1, 1], [], []>, transpose_lhs_hint = false} : vector<1000x128xf32>, vector<128x128xf32>, vector<1000x128xf32> -> vector<1000x128xf32>
    %mul3A = vector.broadcast %rsqrt3A : vector<1000x1xf32> to vector<1000x128xf32>
    %mul3A_13 = arith.mulf %dot_general3A_12, %mul3A : vector<1000x128xf32>
    %convert_element_type3A = arith.truncf %mul3A_13 : vector<1000x128xf32> to vector<1000x128xbf16>
    %swap3A = arith.constant 0 : index
    %swap3A_14 = arith.constant 0 : index
    %swap3A_15 = vector.load %arg4[%swap3A, %swap3A_14] : memref<1000x128xbf16, #tpu.memory_space<vmem>>, vector<1000x128xbf16>
    tpu.vector_store %arg4[%swap3A, %swap3A_14], %convert_element_type3A {strides = array<i32>} : memref<1000x128xbf16, #tpu.memory_space<vmem>>, vector<1000x128xbf16>,
    return
  }
  func.func @transform_0(%arg0: i32) -> (i32, i32) {
    %c0_i32 = arith.constant 0 : i32
    %c0_i32_0 = arith.constant 0 : i32
    return %arg0, %c0_i32 : i32, i32
  }
  func.func @transform_1(%arg0: i32) -> (i32, i32) {
    %c0_i32 = arith.constant 0 : i32
    %c0_i32_0 = arith.constant 0 : i32
    %c0_i32_1 = arith.constant 0 : i32
    return %c0_i32, %c0_i32_0 : i32, i32
  }
  func.func @transform_2(%arg0: i32) -> (i32, i32) {
    %c0_i32 = arith.constant 0 : i32
    %c0_i32_0 = arith.constant 0 : i32
    return %arg0, %c0_i32 : i32, i32
  }
  func.func @transform_3(%arg0: i32) -> (i32, i32) {
    %c0_i32 = arith.constant 0 : i32
    %c0_i32_0 = arith.constant 0 : i32
    return %arg0, %c0_i32 : i32, i32
  }
}

module attributes {stable_mosaic.version = 14 : i64} {
  func.func @_tc_mid_body(%arg0: i32, %arg1: memref<2x1000x128xbf16, #tpu.memory_space<vmem>>, %arg2: memref<1000x128xbf16, #tpu.memory_space<vmem>>, %arg3: memref<1000x2xf32, #tpu.memory_space<vmem>>, %arg4: memref<128xf32, #tpu.memory_space<vmem>>, %arg5: memref<128x128xf32, #tpu.memory_space<vmem>>, %arg6: memref<1000x128xbf16, #tpu.memory_space<vmem>>) attributes {dimension_semantics = [#tpu.dimension_semantics<arbitrary>], iteration_bounds = array<i64: 10>, scalar_prefetch = 0 : i64, scratch_operands = 0 : i64, tpu.core_type = #tpu.core_type<tc>, window_params = [{transform_indices = @transform_0, window_bounds = array<i64: 2, 1000, 128>}, {transform_indices = @transform_1, window_bounds = array<i64: 1000, 128>}, {transform_indices = @transform_2, window_bounds = array<i64: 1000, 2>}, {pipeline_mode = #tpu.pipeline_mode<synchronous>, transform_indices = @transform_3, window_bounds = array<i64: 128>}, {pipeline_mode = #tpu.pipeline_mode<synchronous>, transform_indices = @transform_4, window_bounds = array<i64: 128, 128>}, {transform_indices = @transform_5, window_bounds = array<i64: 1000, 128>}]} {
    %get3A = arith.constant 0 : index
    %get3A_0 = arith.constant 0 : index
    %get3A_1 = vector.load %arg3[%get3A, %get3A_0] : memref<1000x2xf32, #tpu.memory_space<vmem>>, vector<1000x2xf32>
    %slice3A = vector.extract_strided_slice %get3A_1 {offsets = [0, 0], sizes = [1000, 1], strides = [1, 1]} : vector<1000x2xf32> to vector<1000x1xf32>
    %slice3A_2 = vector.extract_strided_slice %get3A_1 {offsets = [0, 1], sizes = [1000, 1], strides = [1, 1]} : vector<1000x2xf32> to vector<1000x1xf32>
    %add3A = arith.addf %slice3A, %slice3A_2 : vector<1000x1xf32>
    %add3A_3 = arith.constant 1.000000e+00 : f32
    %add3A_4 = vector.broadcast %add3A_3 : f32 to vector<1000x1xf32>
    %add3A_5 = arith.addf %add3A, %add3A_4 : vector<1000x1xf32>
    %rsqrt3A = math.rsqrt %add3A_5 : vector<1000x1xf32>
    %get3A_6 = arith.constant 0 : index
    %get3A_7 = arith.constant 0 : index
    %get3A_8 = arith.constant 0 : index
    %get3A_9 = vector.load %arg1[%get3A_6, %get3A_7, %get3A_8] : memref<2x1000x128xbf16, #tpu.memory_space<vmem>>, vector<1x1000x128xbf16>
    %get3A_10 = vector.shape_cast %get3A_9 : vector<1x1000x128xbf16> to vector<1000x128xbf16>
    %convert_element_type3A = arith.extf %get3A_10 : vector<1000x128xbf16> to vector<1000x128xf32>
    %get3A_11 = arith.constant 1 : index
    %get3A_12 = arith.constant 0 : index
    %get3A_13 = arith.constant 0 : index
    %get3A_14 = vector.load %arg1[%get3A_11, %get3A_12, %get3A_13] : memref<2x1000x128xbf16, #tpu.memory_space<vmem>>, vector<1x1000x128xbf16>
    %get3A_15 = vector.shape_cast %get3A_14 : vector<1x1000x128xbf16> to vector<1000x128xbf16>
    %convert_element_type3A_16 = arith.extf %get3A_15 : vector<1000x128xbf16> to vector<1000x128xf32>
    %add3A_17 = arith.addf %convert_element_type3A, %convert_element_type3A_16 : vector<1000x128xf32>
    %get3A_18 = arith.constant 0 : index
    %get3A_19 = arith.constant 0 : index
    %get3A_20 = vector.load %arg2[%get3A_18, %get3A_19] : memref<1000x128xbf16, #tpu.memory_space<vmem>>, vector<1000x128xbf16>
    %convert_element_type3A_21 = arith.extf %get3A_20 : vector<1000x128xbf16> to vector<1000x128xf32>
    %add3A_22 = arith.addf %add3A_17, %convert_element_type3A_21 : vector<1000x128xf32>
    %mul3A = vector.broadcast %rsqrt3A : vector<1000x1xf32> to vector<1000x128xf32>
    %mul3A_23 = arith.mulf %mul3A, %add3A_22 : vector<1000x128xf32>
    %get3A_24 = arith.constant 0 : index
    %get3A_25 = vector.load %arg4[%get3A_24] : memref<128xf32, #tpu.memory_space<vmem>>, vector<128xf32>
    %broadcast_in_dim3A = vector.shape_cast %get3A_25 : vector<128xf32> to vector<1x128xf32>
    %add3A_26 = vector.broadcast %broadcast_in_dim3A : vector<1x128xf32> to vector<1000x128xf32>
    %add3A_27 = arith.addf %mul3A_23, %add3A_26 : vector<1000x128xf32>
    %max3A = arith.constant 0.000000e+00 : f32
    %max3A_28 = vector.broadcast %max3A : f32 to vector<1000x128xf32>
    %max3A_29 = arith.maximumf %add3A_27, %max3A_28 : vector<1000x128xf32>
    %get3A_30 = arith.constant 0 : index
    %get3A_31 = arith.constant 0 : index
    %get3A_32 = vector.load %arg5[%get3A_30, %get3A_31] : memref<128x128xf32, #tpu.memory_space<vmem>>, vector<128x128xf32>
    %dot_general3A = arith.constant dense<0.000000e+00> : vector<1000x128xf32>
    %dot_general3A_33 = tpu.matmul %max3A_29, %get3A_32, %dot_general3A {dimension_numbers = #tpu.dot_dimension_numbers<[1], [0], [0], [1], [0, 0, 1, 1], [], []>, transpose_lhs_hint = false} : vector<1000x128xf32>, vector<128x128xf32>, vector<1000x128xf32> -> vector<1000x128xf32>
    %mul3A_34 = vector.broadcast %rsqrt3A : vector<1000x1xf32> to vector<1000x128xf32>
    %mul3A_35 = arith.mulf %dot_general3A_33, %mul3A_34 : vector<1000x128xf32>
    %convert_element_type3A_36 = arith.truncf %mul3A_35 : vector<1000x128xf32> to vector<1000x128xbf16>
    %swap3A = arith.constant 0 : index
    %swap3A_37 = arith.constant 0 : index
    %swap3A_38 = vector.load %arg6[%swap3A, %swap3A_37] : memref<1000x128xbf16, #tpu.memory_space<vmem>>, vector<1000x128xbf16>
    tpu.vector_store %arg6[%swap3A, %swap3A_37], %convert_element_type3A_36 {strides = array<i32>} : memref<1000x128xbf16, #tpu.memory_space<vmem>>, vector<1000x128xbf16>,
    return
  }
  func.func @transform_0(%arg0: i32) -> (i32, i32, i32) {
    %c0_i32 = arith.constant 0 : i32
    %c0_i32_0 = arith.constant 0 : i32
    %c0_i32_1 = arith.constant 0 : i32
    return %c0_i32, %arg0, %c0_i32_0 : i32, i32, i32
  }
  func.func @transform_1(%arg0: i32) -> (i32, i32) {
    %c0_i32 = arith.constant 0 : i32
    %c0_i32_0 = arith.constant 0 : i32
    return %arg0, %c0_i32 : i32, i32
  }
  func.func @transform_2(%arg0: i32) -> (i32, i32) {
    %c0_i32 = arith.constant 0 : i32
    %c0_i32_0 = arith.constant 0 : i32
    return %arg0, %c0_i32 : i32, i32
  }
  func.func @transform_3(%arg0: i32) -> i32 {
    %c0_i32 = arith.constant 0 : i32
    %c0_i32_0 = arith.constant 0 : i32
    return %c0_i32 : i32
  }
  func.func @transform_4(%arg0: i32) -> (i32, i32) {
    %c0_i32 = arith.constant 0 : i32
    %c0_i32_0 = arith.constant 0 : i32
    %c0_i32_1 = arith.constant 0 : i32
    return %c0_i32, %c0_i32_0 : i32, i32
  }
  func.func @transform_5(%arg0: i32) -> (i32, i32) {
    %c0_i32 = arith.constant 0 : i32
    %c0_i32_0 = arith.constant 0 : i32
    return %arg0, %c0_i32 : i32, i32
  }
}

module attributes {stable_mosaic.version = 14 : i64} {
  func.func @_tc_final_body(%arg0: i32, %arg1: memref<2x1000x128xbf16, #tpu.memory_space<vmem>>, %arg2: memref<1000x128xbf16, #tpu.memory_space<vmem>>, %arg3: memref<1000x2xf32, #tpu.memory_space<vmem>>, %arg4: memref<128xf32, #tpu.memory_space<vmem>>, %arg5: memref<1000x1xi32, #tpu.memory_space<vmem>>, %arg6: memref<128x128xf32, #tpu.memory_space<vmem>>, %arg7: memref<128xf32, #tpu.memory_space<vmem>>, %arg8: memref<128x1xf32, #tpu.memory_space<vmem>>, %arg9: memref<1xf32, #tpu.memory_space<vmem>>, %arg10: memref<64x1xf32, #tpu.memory_space<vmem>>, %arg11: memref<64x128xf32, #tpu.memory_space<vmem>>, %arg12: memref<64x1xf32, #tpu.memory_space<vmem>>) attributes {dimension_semantics = [#tpu.dimension_semantics<arbitrary>], iteration_bounds = array<i64: 10>, scalar_prefetch = 0 : i64, scratch_operands = 2 : i64, tpu.core_type = #tpu.core_type<tc>, window_params = [{transform_indices = @transform_0, window_bounds = array<i64: 2, 1000, 128>}, {transform_indices = @transform_1, window_bounds = array<i64: 1000, 128>}, {transform_indices = @transform_2, window_bounds = array<i64: 1000, 2>}, {pipeline_mode = #tpu.pipeline_mode<synchronous>, transform_indices = @transform_3, window_bounds = array<i64: 128>}, {transform_indices = @transform_4, window_bounds = array<i64: 1000, 1>}, {pipeline_mode = #tpu.pipeline_mode<synchronous>, transform_indices = @transform_5, window_bounds = array<i64: 128, 128>}, {pipeline_mode = #tpu.pipeline_mode<synchronous>, transform_indices = @transform_6, window_bounds = array<i64: 128>}, {pipeline_mode = #tpu.pipeline_mode<synchronous>, transform_indices = @transform_7, window_bounds = array<i64: 128, 1>}, {pipeline_mode = #tpu.pipeline_mode<synchronous>, transform_indices = @transform_8, window_bounds = array<i64: 1>}, {pipeline_mode = #tpu.pipeline_mode<synchronous>, transform_indices = @transform_9, window_bounds = array<i64: 64, 1>}]} {
    %eq3A = arith.constant 0 : i32
    %eq3A_0 = arith.cmpi eq, %arg0, %eq3A : i32
    %convert_element_type3A = arith.extui %eq3A_0 : i1 to i32
    %cond3A = arith.constant 0 : i32
    %cond3A_1 = arith.cmpi ne, %convert_element_type3A, %cond3A : i32
    scf.if %cond3A_1 {
      %broadcast_in_dim3A_61 = arith.constant 0.000000e+00 : f32
      %broadcast_in_dim3A_62 = vector.broadcast %broadcast_in_dim3A_61 : f32 to vector<64x128xf32>
      %swap3A_63 = arith.constant 0 : index
      %swap3A_64 = arith.constant 0 : index
      %swap3A_65 = vector.load %arg11[%swap3A_63, %swap3A_64] : memref<64x128xf32, #tpu.memory_space<vmem>>, vector<64x128xf32>
      tpu.vector_store %arg11[%swap3A_63, %swap3A_64], %broadcast_in_dim3A_62 {strides = array<i32>} : memref<64x128xf32, #tpu.memory_space<vmem>>, vector<64x128xf32>,
      %broadcast_in_dim3A_66 = arith.constant 0.000000e+00 : f32
      %broadcast_in_dim3A_67 = vector.broadcast %broadcast_in_dim3A_66 : f32 to vector<64x1xf32>
      %swap3A_68 = arith.constant 0 : index
      %swap3A_69 = arith.constant 0 : index
      %swap3A_70 = vector.load %arg12[%swap3A_68, %swap3A_69] : memref<64x1xf32, #tpu.memory_space<vmem>>, vector<64x1xf32>
      tpu.vector_store %arg12[%swap3A_68, %swap3A_69], %broadcast_in_dim3A_67 {strides = array<i32>} : memref<64x1xf32, #tpu.memory_space<vmem>>, vector<64x1xf32>,
    } else {
    }
    %get3A = arith.constant 0 : index
    %get3A_2 = arith.constant 0 : index
    %get3A_3 = vector.load %arg3[%get3A, %get3A_2] : memref<1000x2xf32, #tpu.memory_space<vmem>>, vector<1000x2xf32>
    %slice3A = vector.extract_strided_slice %get3A_3 {offsets = [0, 0], sizes = [1000, 1], strides = [1, 1]} : vector<1000x2xf32> to vector<1000x1xf32>
    %slice3A_4 = vector.extract_strided_slice %get3A_3 {offsets = [0, 1], sizes = [1000, 1], strides = [1, 1]} : vector<1000x2xf32> to vector<1000x1xf32>
    %add3A = arith.addf %slice3A, %slice3A_4 : vector<1000x1xf32>
    %add3A_5 = arith.constant 1.000000e+00 : f32
    %add3A_6 = vector.broadcast %add3A_5 : f32 to vector<1000x1xf32>
    %add3A_7 = arith.addf %add3A, %add3A_6 : vector<1000x1xf32>
    %rsqrt3A = math.rsqrt %add3A_7 : vector<1000x1xf32>
    %get3A_8 = arith.constant 0 : index
    %get3A_9 = arith.constant 0 : index
    %get3A_10 = arith.constant 0 : index
    %get3A_11 = vector.load %arg1[%get3A_8, %get3A_9, %get3A_10] : memref<2x1000x128xbf16, #tpu.memory_space<vmem>>, vector<1x1000x128xbf16>
    %get3A_12 = vector.shape_cast %get3A_11 : vector<1x1000x128xbf16> to vector<1000x128xbf16>
    %convert_element_type3A_13 = arith.extf %get3A_12 : vector<1000x128xbf16> to vector<1000x128xf32>
    %get3A_14 = arith.constant 1 : index
    %get3A_15 = arith.constant 0 : index
    %get3A_16 = arith.constant 0 : index
    %get3A_17 = vector.load %arg1[%get3A_14, %get3A_15, %get3A_16] : memref<2x1000x128xbf16, #tpu.memory_space<vmem>>, vector<1x1000x128xbf16>
    %get3A_18 = vector.shape_cast %get3A_17 : vector<1x1000x128xbf16> to vector<1000x128xbf16>
    %convert_element_type3A_19 = arith.extf %get3A_18 : vector<1000x128xbf16> to vector<1000x128xf32>
    %add3A_20 = arith.addf %convert_element_type3A_13, %convert_element_type3A_19 : vector<1000x128xf32>
    %get3A_21 = arith.constant 0 : index
    %get3A_22 = arith.constant 0 : index
    %get3A_23 = vector.load %arg2[%get3A_21, %get3A_22] : memref<1000x128xbf16, #tpu.memory_space<vmem>>, vector<1000x128xbf16>
    %convert_element_type3A_24 = arith.extf %get3A_23 : vector<1000x128xbf16> to vector<1000x128xf32>
    %add3A_25 = arith.addf %add3A_20, %convert_element_type3A_24 : vector<1000x128xf32>
    %mul3A = vector.broadcast %rsqrt3A : vector<1000x1xf32> to vector<1000x128xf32>
    %mul3A_26 = arith.mulf %mul3A, %add3A_25 : vector<1000x128xf32>
    %get3A_27 = arith.constant 0 : index
    %get3A_28 = vector.load %arg4[%get3A_27] : memref<128xf32, #tpu.memory_space<vmem>>, vector<128xf32>
    %broadcast_in_dim3A = vector.shape_cast %get3A_28 : vector<128xf32> to vector<1x128xf32>
    %add3A_29 = vector.broadcast %broadcast_in_dim3A : vector<1x128xf32> to vector<1000x128xf32>
    %add3A_30 = arith.addf %mul3A_26, %add3A_29 : vector<1000x128xf32>
    %iota3A = tpu.iota {dimensions = array<i32: 1>} : vector<1000x64xi32>
    %get3A_31 = arith.constant 0 : index
    %get3A_32 = arith.constant 0 : index
    %get3A_33 = vector.load %arg5[%get3A_31, %get3A_32] : memref<1000x1xi32, #tpu.memory_space<vmem>>, vector<1000x1xi32>
    %eq3A_34 = vector.broadcast %get3A_33 : vector<1000x1xi32> to vector<1000x64xi32>
    %eq3A_35 = arith.cmpi eq, %eq3A_34, %iota3A : vector<1000x64xi32>
    %convert_element_type3A_36 = arith.extui %eq3A_35 : vector<1000x64xi1> to vector<1000x64xi32>
    %convert_element_type3A_37 = arith.sitofp %convert_element_type3A_36 : vector<1000x64xi32> to vector<1000x64xf32>
    %get3A_38 = arith.constant 0 : index
    %get3A_39 = arith.constant 0 : index
    %get3A_40 = vector.load %arg11[%get3A_38, %get3A_39] : memref<64x128xf32, #tpu.memory_space<vmem>>, vector<64x128xf32>
    %dot_general3A = arith.constant dense<0.000000e+00> : vector<64x128xf32>
    %dot_general3A_41 = tpu.matmul %convert_element_type3A_37, %add3A_30, %dot_general3A {dimension_numbers = #tpu.dot_dimension_numbers<[0], [0], [1], [1], [0, 1, 1, 1], [], []>, transpose_lhs_hint = false} : vector<1000x64xf32>, vector<1000x128xf32>, vector<64x128xf32> -> vector<64x128xf32>
    %add3A_42 = arith.addf %get3A_40, %dot_general3A_41 : vector<64x128xf32>
    %swap3A = arith.constant 0 : index
    %swap3A_43 = arith.constant 0 : index
    %swap3A_44 = vector.load %arg11[%swap3A, %swap3A_43] : memref<64x128xf32, #tpu.memory_space<vmem>>, vector<64x128xf32>
    tpu.vector_store %arg11[%swap3A, %swap3A_43], %add3A_42 {strides = array<i32>} : memref<64x128xf32, #tpu.memory_space<vmem>>, vector<64x128xf32>,
    %get3A_45 = arith.constant 0 : index
    %get3A_46 = arith.constant 0 : index
    %get3A_47 = vector.load %arg12[%get3A_45, %get3A_46] : memref<64x1xf32, #tpu.memory_space<vmem>>, vector<64x1xf32>
    %broadcast_in_dim3A_48 = arith.constant 1.000000e+00 : f32
    %broadcast_in_dim3A_49 = vector.broadcast %broadcast_in_dim3A_48 : f32 to vector<1000x1xf32>
    %dot_general3A_50 = arith.constant dense<0.000000e+00> : vector<64x1xf32>
    %dot_general3A_51 = tpu.matmul %convert_element_type3A_37, %broadcast_in_dim3A_49, %dot_general3A_50 {dimension_numbers = #tpu.dot_dimension_numbers<[0], [0], [1], [1], [0, 1, 1, 1], [], []>, transpose_lhs_hint = false} : vector<1000x64xf32>, vector<1000x1xf32>, vector<64x1xf32> -> vector<64x1xf32>
    %add3A_52 = arith.addf %get3A_47, %dot_general3A_51 : vector<64x1xf32>
    %swap3A_53 = arith.constant 0 : index
    %swap3A_54 = arith.constant 0 : index
    %swap3A_55 = vector.load %arg12[%swap3A_53, %swap3A_54] : memref<64x1xf32, #tpu.memory_space<vmem>>, vector<64x1xf32>
    tpu.vector_store %arg12[%swap3A_53, %swap3A_54], %add3A_52 {strides = array<i32>} : memref<64x1xf32, #tpu.memory_space<vmem>>, vector<64x1xf32>,
    %eq3A_56 = arith.constant 9 : i32
    %eq3A_57 = arith.cmpi eq, %arg0, %eq3A_56 : i32
    %convert_element_type3A_58 = arith.extui %eq3A_57 : i1 to i32
    %cond3A_59 = arith.constant 0 : i32
    %cond3A_60 = arith.cmpi ne, %convert_element_type3A_58, %cond3A_59 : i32
    scf.if %cond3A_60 {
      %get3A_61 = arith.constant 0 : index
      %get3A_62 = arith.constant 0 : index
      %get3A_63 = vector.load %arg11[%get3A_61, %get3A_62] : memref<64x128xf32, #tpu.memory_space<vmem>>, vector<64x128xf32>
      %get3A_64 = arith.constant 0 : index
      %get3A_65 = arith.constant 0 : index
      %get3A_66 = vector.load %arg12[%get3A_64, %get3A_65] : memref<64x1xf32, #tpu.memory_space<vmem>>, vector<64x1xf32>
      %max3A = arith.constant 1.000000e+00 : f32
      %max3A_67 = vector.broadcast %max3A : f32 to vector<64x1xf32>
      %max3A_68 = arith.maximumf %get3A_66, %max3A_67 : vector<64x1xf32>
      %div3A = vector.broadcast %max3A_68 : vector<64x1xf32> to vector<64x128xf32>
      %div3A_69 = arith.divf %get3A_63, %div3A : vector<64x128xf32>
      %get3A_70 = arith.constant 0 : index
      %get3A_71 = arith.constant 0 : index
      %get3A_72 = vector.load %arg6[%get3A_70, %get3A_71] : memref<128x128xf32, #tpu.memory_space<vmem>>, vector<128x128xf32>
      %dot_general3A_73 = arith.constant dense<0.000000e+00> : vector<64x128xf32>
      %dot_general3A_74 = tpu.matmul %div3A_69, %get3A_72, %dot_general3A_73 {dimension_numbers = #tpu.dot_dimension_numbers<[1], [0], [0], [1], [0, 0, 1, 1], [], []>, transpose_lhs_hint = false} : vector<64x128xf32>, vector<128x128xf32>, vector<64x128xf32> -> vector<64x128xf32>
      %get3A_75 = arith.constant 0 : index
      %get3A_76 = vector.load %arg7[%get3A_75] : memref<128xf32, #tpu.memory_space<vmem>>, vector<128xf32>
      %broadcast_in_dim3A_77 = vector.shape_cast %get3A_76 : vector<128xf32> to vector<1x128xf32>
      %add3A_78 = vector.broadcast %broadcast_in_dim3A_77 : vector<1x128xf32> to vector<64x128xf32>
      %add3A_79 = arith.addf %dot_general3A_74, %add3A_78 : vector<64x128xf32>
      %max3A_80 = arith.constant 0.000000e+00 : f32
      %max3A_81 = vector.broadcast %max3A_80 : f32 to vector<64x128xf32>
      %max3A_82 = arith.maximumf %add3A_79, %max3A_81 : vector<64x128xf32>
      %get3A_83 = arith.constant 0 : index
      %get3A_84 = arith.constant 0 : index
      %get3A_85 = vector.load %arg8[%get3A_83, %get3A_84] : memref<128x1xf32, #tpu.memory_space<vmem>>, vector<128x1xf32>
      %dot_general3A_86 = arith.constant dense<0.000000e+00> : vector<64x1xf32>
      %dot_general3A_87 = tpu.matmul %max3A_82, %get3A_85, %dot_general3A_86 {dimension_numbers = #tpu.dot_dimension_numbers<[1], [0], [0], [1], [0, 0, 1, 1], [], []>, transpose_lhs_hint = false} : vector<64x128xf32>, vector<128x1xf32>, vector<64x1xf32> -> vector<64x1xf32>
      %get3A_88 = arith.constant 0 : index
      %get3A_89 = vector.load %arg9[%get3A_88] : memref<1xf32, #tpu.memory_space<vmem>>, vector<1xf32>
      %broadcast_in_dim3A_90 = vector.shape_cast %get3A_89 : vector<1xf32> to vector<1x1xf32>
      %add3A_91 = vector.broadcast %broadcast_in_dim3A_90 : vector<1x1xf32> to vector<64x1xf32>
      %add3A_92 = arith.addf %dot_general3A_87, %add3A_91 : vector<64x1xf32>
      %logistic3A = arith.negf %add3A_92 : vector<64x1xf32>
      %logistic3A_93 = math.exp %logistic3A : vector<64x1xf32>
      %logistic3A_94 = arith.constant 1.000000e+00 : f32
      %logistic3A_95 = vector.broadcast %logistic3A_94 : f32 to vector<64x1xf32>
      %logistic3A_96 = arith.addf %logistic3A_95, %logistic3A_93 : vector<64x1xf32>
      %logistic3A_97 = arith.divf %logistic3A_95, %logistic3A_96 : vector<64x1xf32>
      %swap3A_98 = arith.constant 0 : index
      %swap3A_99 = arith.constant 0 : index
      %swap3A_100 = vector.load %arg10[%swap3A_98, %swap3A_99] : memref<64x1xf32, #tpu.memory_space<vmem>>, vector<64x1xf32>
      tpu.vector_store %arg10[%swap3A_98, %swap3A_99], %logistic3A_97 {strides = array<i32>} : memref<64x1xf32, #tpu.memory_space<vmem>>, vector<64x1xf32>,
    } else {
    }
    return
  }
  func.func @transform_0(%arg0: i32) -> (i32, i32, i32) {
    %c0_i32 = arith.constant 0 : i32
    %c0_i32_0 = arith.constant 0 : i32
    %c0_i32_1 = arith.constant 0 : i32
    return %c0_i32, %arg0, %c0_i32_0 : i32, i32, i32
  }
  func.func @transform_1(%arg0: i32) -> (i32, i32) {
    %c0_i32 = arith.constant 0 : i32
    %c0_i32_0 = arith.constant 0 : i32
    return %arg0, %c0_i32 : i32, i32
  }
  func.func @transform_2(%arg0: i32) -> (i32, i32) {
    %c0_i32 = arith.constant 0 : i32
    %c0_i32_0 = arith.constant 0 : i32
    return %arg0, %c0_i32 : i32, i32
  }
  func.func @transform_3(%arg0: i32) -> i32 {
    %c0_i32 = arith.constant 0 : i32
    %c0_i32_0 = arith.constant 0 : i32
    return %c0_i32 : i32
  }
  func.func @transform_4(%arg0: i32) -> (i32, i32) {
    %c0_i32 = arith.constant 0 : i32
    %c0_i32_0 = arith.constant 0 : i32
    return %arg0, %c0_i32 : i32, i32
  }
  func.func @transform_5(%arg0: i32) -> (i32, i32) {
    %c0_i32 = arith.constant 0 : i32
    %c0_i32_0 = arith.constant 0 : i32
    %c0_i32_1 = arith.constant 0 : i32
    return %c0_i32, %c0_i32_0 : i32, i32
  }
  func.func @transform_6(%arg0: i32) -> i32 {
    %c0_i32 = arith.constant 0 : i32
    %c0_i32_0 = arith.constant 0 : i32
    return %c0_i32 : i32
  }
  func.func @transform_7(%arg0: i32) -> (i32, i32) {
    %c0_i32 = arith.constant 0 : i32
    %c0_i32_0 = arith.constant 0 : i32
    %c0_i32_1 = arith.constant 0 : i32
    return %c0_i32, %c0_i32_0 : i32, i32
  }
  func.func @transform_8(%arg0: i32) -> i32 {
    %c0_i32 = arith.constant 0 : i32
    %c0_i32_0 = arith.constant 0 : i32
    return %c0_i32 : i32
  }
  func.func @transform_9(%arg0: i32) -> (i32, i32) {
    %c0_i32 = arith.constant 0 : i32
    %c0_i32_0 = arith.constant 0 : i32
    %c0_i32_1 = arith.constant 0 : i32
    return %c0_i32, %c0_i32_0 : i32, i32
  }
}

</mosaic_0001>

<sc_bundles>
// kernel: kernel.10.cloned.1.call-start
scs
__scs_entry_jumppad:
0x0: {  	(pc) =	sbr.rel $0x88, $3  }
0x1: {  	(tag) =	ssettag $0x0;
	lr =	simm.s32 $0x1  }
0x2: {  	[smem:$0x3F94] =	sst lr;
	_ =	strace $0xD0000000  }
0x3: {  	_ = 	snop  }
0x4: {  	_ = 	snop  }
0x5: {  	_ = 	snop  }
0x6: {  	_ = 	snop  }
0x7: {  	_ = 	snop  }
__scs_overlays_trampoline_lowered:
0x8: {  	[smem:$0x3FA3] =	sst s0  }
0x9: {  	[smem:$0x3FA4] =	sst s1  }
0xa: {  	[smem:$0x3FA5] =	sst s2  }
0xb: {  	[smem:$0x3FA6] =	sst s3  }
0xc: {  	[smem:$0x3FA7] =	sst s4  }
0xd: {  	[smem:$0x3FA8] =	sst s5  }
0xe: {  	[smem:$0x3FA9] =	sst s6  }
0xf: {  	[smem:$0x3FAA] =	sst s7  }
0x10: {  	[smem:$0x3FAB] =	sst s8  }
0x11: {  	[smem:$0x3FAC] =	sst s9;
	s0 =	simm.s32 @!p0 $0x0  }
0x12: {  	s1 =	sld [smem:$0x3F92];
	s0 =	simm.s32 @p0 $0x1  }
0x13: {  	[smem:$0x3FAD] =	sst s0;
	s0 =	simm.s32 @!p1 $0x0  }
0x14: {  	s2 =	sld [smem:$0x3F91];
	s0 =	simm.s32 @p1 $0x1  }
0x15: {  	[smem:$0x3FAE] =	sst s0;
	s0 =	simm.s32 @!p2 $0x0  }
0x16: {  	s3 =	sld [smem:$0x3FDB];
	s0 =	simm.s32 @p2 $0x1  }
0x17: {  	s4 =	simm.s32 $0x1BF5;
	[smem:$0x3FB0] =	sst s0  }
0x18: {  	s0 =	sld [smem:$0x3F93];
	_ =	swait.ge [sflag:s4], $0x0  }
0x19: {  	s7 =	sld [smem:$0x3F94]  }
0x1a: {  	s8 =	sadd.s32 $0xFFFFE003, lr  }
0x1b: {  	s9 =	sadd.s32 $0xFFFFFEF7, lr;
	s5 =	simm.s32 $0xFFFFFFFF;
	p2 =	slt.u32 s8, $0xFFFFF086  }
0x1c: {  	p1 =	slt.u32 s9, $0xF7A;
	s5 =	simm.s32 @!p2 $0x0  }
0x1d: {  	s5 =	simm.s32 @p1 $0x1;
	p0 =	seq.s32 s7, s2  }
0x1e: {  	s7 =	smul.u32 @!p0 $0xF7A, s2;
	p2 =	seq.s32 @!p0 s5, $0x0  }
0x1f: {  	s9 =	smul.u32 $0xF7A, s1;
	s8 =	simm.s32 @!p0 $0x1BF5;
	p2 =	por !p2, p0  }
0x20: {  	[sflag:s8] =	ssyncset.s32 @!p0 $0xFFFFF086;
	s6 =	sadd.s32 @!p0 s3, s7;
	s7 =	simm.s32 @!p0 $0x108  }
0x21: {  	s3 =	sadd.s32 s3, s9;
	s6 =	sadd.s32 @!p0 $0x88, s6;
	s7 =	simm.s32 @p2 $0x1082  }
0x22: {  	[simem:s7], [sflag:s8] =	dma.local @!p0 [hbm:s6], $0xF7A  }
0x23: {  	s9 =	sor.u32 $0xD0000000, s2;
	s6 =	simm.s32 $0x108;
	_ =	swait.ge @!p0 [sflag:s8], $0x0  }
0x24: {  	s3 =	sadd.s32 $0x88, s3;
	s6 =	simm.s32 @!p1 $0x1082;
	[sflag:s4] =	ssyncset.s32 $0xFFFFF086  }
0x25: {  	[simem:s6], [sflag:s4] =	dma.local [hbm:s3], $0xF7A  }
0x26: {  	[smem:$0x3F94] =	sst s1;
	(tag) =	ssettag s2;
	_ =	strace s9  }
0x27: {  	s1 =	sld [smem:$0x3FA4]  }
0x28: {  	s2 =	sld [smem:$0x3FA5]  }
0x29: {  	s4 =	sld [smem:$0x3FA7]  }
0x2a: {  	p0 =	seq.s32 s5, $0x0;
	s5 =	sld [smem:$0x3FA8]  }
0x2b: {  	s6 =	sld [smem:$0x3FA9]  }
0x2c: {  	s7 =	sld [smem:$0x3FAA]  }
0x2d: {  	s3 =	simm.s32 $0x108;
	s8 =	sld [smem:$0x3FAB]  }
0x2e: {  	s3 =	simm.s32 @!p0 $0x1082;
	s9 =	sld [smem:$0x3FAC]  }
0x2f: {  	lr =	sadd.s32 s0, s3;
	s0 =	sld [smem:$0x3FA3]  }
0x30: {  	s3 =	sld [smem:$0x3FA6]  }
0x31: {  	[smem:$0x3FAF] =	sst s10  }
0x32: {  	s10 =	sld [smem:$0x3FAD];
	_ =	sdelay $0x3  }
0x33: {  	p0 =	seq.s32 s10, $0x1;
	s10 =	sld [smem:$0x3FAF];
	_ =	sdelay $0x3  }
0x34: {  	[smem:$0x3FAF] =	sst s10  }
0x35: {  	s10 =	sld [smem:$0x3FAE];
	_ =	sdelay $0x3  }
0x36: {  	p1 =	seq.s32 s10, $0x1;
	s10 =	sld [smem:$0x3FAF];
	_ =	sdelay $0x3  }
0x37: {  	[smem:$0x3FAF] =	sst s10  }
0x38: {  	s10 =	sld [smem:$0x3FB0]  }
0x39: {  	_ = 	snop;
	(pc) =	sbr.ind lr, $3  }
0x3a: {  	_ = 	snop  }
0x3b: {  	_ = 	snop  }
0x3c: {  	p2 =	seq.s32 s10, $0x1;
	s10 =	sld [smem:$0x3FAF]  }
0x3d: {  	_ =	shalt  }
0x3e: {  	_ =	shalt  }
0x3f: {  	_ =	shalt  }
0x40: {  	_ =	shalt  }
0x41: {  	_ =	shalt  }
0x42: {  	_ =	shalt  }
0x43: {  	_ =	shalt  }
0x44: {  	_ =	shalt  }
0x45: {  	_ =	shalt  }
0x46: {  	_ =	shalt  }
0x47: {  	_ =	shalt  }
0x48: {  	_ =	shalt  }
0x49: {  	_ =	shalt  }
0x4a: {  	_ =	shalt  }
0x4b: {  	_ =	shalt  }
0x4c: {  	_ =	shalt  }
0x4d: {  	_ =	shalt  }
0x4e: {  	_ =	shalt  }
0x4f: {  	_ =	shalt  }
0x50: {  	_ =	shalt  }
0x51: {  	_ =	shalt  }
0x52: {  	_ =	shalt  }
0x53: {  	_ =	shalt  }
0x54: {  	_ =	shalt  }
0x55: {  	_ =	shalt  }
0x56: {  	_ =	shalt  }
0x57: {  	_ =	shalt  }
0x58: {  	_ =	shalt  }
0x59: {  	_ =	shalt  }
0x5a: {  	_ =	shalt  }
0x5b: {  	_ =	shalt  }
0x5c: {  	_ =	shalt  }
0x5d: {  	_ =	shalt  }
0x5e: {  	_ =	shalt  }
0x5f: {  	_ =	shalt  }
0x60: {  	_ =	shalt  }
0x61: {  	_ =	shalt  }
0x62: {  	_ =	shalt  }
0x63: {  	_ =	shalt  }
0x64: {  	_ =	shalt  }
0x65: {  	_ =	shalt  }
0x66: {  	_ =	shalt  }
0x67: {  	_ =	shalt  }
0x68: {  	_ =	shalt  }
0x69: {  	_ =	shalt  }
0x6a: {  	_ =	shalt  }
0x6b: {  	_ =	shalt  }
0x6c: {  	_ =	shalt  }
0x6d: {  	_ =	shalt  }
0x6e: {  	_ =	shalt  }
0x6f: {  	_ =	shalt  }
0x70: {  	_ =	shalt  }
0x71: {  	_ =	shalt  }
0x72: {  	_ =	shalt  }
0x73: {  	_ =	shalt  }
0x74: {  	_ =	shalt  }
0x75: {  	_ =	shalt  }
0x76: {  	_ =	shalt  }
0x77: {  	_ =	shalt  }
0x78: {  	_ =	shalt  }
0x79: {  	_ =	shalt  }
0x7a: {  	_ =	shalt  }
0x7b: {  	_ =	shalt  }
0x7c: {  	_ =	shalt  }
0x7d: {  	_ =	shalt  }
0x7e: {  	_ =	shalt  }
0x7f: {  	_ =	shalt  }
0x80: {  	_ =	shalt  }
0x81: {  	_ =	shalt  }
0x82: {  	_ =	shalt  }
0x83: {  	_ =	shalt  }
0x84: {  	_ =	shalt  }
0x85: {  	_ =	shalt  }
0x86: {  	_ =	shalt  }
0x87: {  	_ =	shalt  }
.Lfunc_end0:
.L_simem_size_0:
called_computation_lowered:
.L_overlay_start_0:
0x88: {  	s2 =	sld [smem:$0x3FD9]  }
0x89: {  	s3 =	sld [smem:$0x3FFE];
	_ =	sdelay $0x1  }
0x8a: {  	s1 =	srdreg.scid  }
0x8b: {  	s0 =	sand.u32 $0x1, s1  }
0x8c: {  	s16 =	sshll.u32 s0, $0xA;
	s2 =	sadd.s32 s3, s2  }
0x8d: {  	s2 =	sadd.s32 s2, s16  }
0x8e: {  	[smem:$0x3FBB] =	sst s2  }
0x8f: {  	_ = 	snop  }
0x90: {  	(tm) =	ssettm $0x1  }
0x91: {  	s17 =	sld [smem:$0x3FFB];
	_ =	sdelay $0x3  }
0x92: {  	_ =	strace s17  }
0x93: {  	s2 =	sld [smem:$0x3FFC];
	_ =	sdelay $0x3  }
0x94: {  	_ =	strace s2  }
0x95: {  	s2 =	sld [smem:$0x3FFD];
	_ =	sdelay $0x3  }
0x96: {  	_ =	strace s2  }
0x97: {  	_ =	strace $0x8FFFFFFF  }
0x98: {  	s18 =	sld [smem:$0x3FDB];
	_ =	sdelay $0x1  }
0x99: {  	s19 =	simm.s32 $_scs_section_size  }
0x9a: {  	s4 =	simm.s32 $_size__tile_overlayer_lowered;
	s5 =	simm.s32 $_tile_overlayer_lowered  }
0x9b: {  	s22 =	simm.s32 $0x1BFF;
	s21 =	sshll.u32 s5, $0x1;
	s2 =	sadd.s32 s19, s18  }
0x9c: {  	s6 =	simm.s32 $0x0;
	s20 =	sshll.u32 s4, $0x1;
	s4 =	sadd.s32 s21, s2  }
0x9d: {  	[timem:s6], [sflag:s22] =	dma.local [hbm:s4], s20  }
0x9e: {  	_ =	swait.ge [sflag:s22], s20  }
0x9f: {  	s3 =	ssub.s32 $0x0, s20;
	[sflag:s22] =	ssyncset.done $0x0  }
0xa0: {  	[sflag:s22] =	ssyncadd.s32 s3;
	_ =	sdelay $0x1  }
0xa1: {  	s23 =	simm.s32 $0x1B8B  }
0xa2: {  	_ =	swait.ge [sflag:s23], $0x1  }
0xa3: {  	[sflag:s23] =	ssyncset.done $0x0  }
0xa4: {  	s25 =	simm.s32 $0x1B8E;
	s24 =	sld [smem:$0x3FFE];
	[sflag:s23] =	ssyncadd.s32 $0xFFFFFFFF  }
0xa5: {  	s26 =	simm.s32 $execute0_lowered;
	[smem:$0x3FD2] =	sst s25  }
0xa6: {  	s4 =	sshll.u32 s26, $0x1;
	_ =	strace $0x80000046;
	[dreg:$0x1] =	wrdreg $0xFFFFFFFF  }
0xa7: {  	s28 =	simm.s32 $_size_execute0_lowered;
	s2 =	sadd.s32 s2, s4;
	[dreg:$0x0] =	wrdreg $0x0  }
0xa8: {  	s4 =	sshll.u32 s28, $0x1;
	[dreg:$0x2] =	wrdreg s2  }
0xa9: {  	[dreg:$0x3] =	wrdreg s4  }
0xaa: {  	[dreg:$0x4] =	wrdreg $0xC0  }
0xab: {  	_ =	task [dreg:s6], $0x5FFFF  }
0xac: {  	[dreg:$0x1] =	wrdreg $0xFFFFFFFF  }
0xad: {  	[dreg:$0x0] =	wrdreg $0x60  }
0xae: {  	[dreg:$0x2] =	wrdreg s24  }
0xaf: {  	[dreg:$0x3] =	wrdreg $0x50000  }
0xb0: {  	[dreg:$0x4] =	wrdreg $0x9  }
0xb1: {  	_ =	task.clear_ibuf [dreg:s6], $0x5FFFF;
	_ =	strace $0x90000046  }
0xb2: {  	s29 =	simm.s32 $0x9;
	_ =	strace $0x80000048  }
0xb3: {  	_ =	swait.ge [sflag:s29], $0x1  }
0xb4: {  	[sflag:s29] =	ssyncadd.s32 $0xFFFFFFFF  }
0xb5: {  	_ =	strace $0x90000048  }
0xb6: {  	_ =	sfence  }
0xb7: {  	s30 =	sld [smem:$0x0];
	_ =	sdelay $0x2  }
0xb8: {  	s31 =	sshll.u32 s1, $0xD;
	s1 =	sshrl.u32 s1, $0x2  }
0xb9: {  	s3 =	sand.u32 $0x4000, s31;
	s1 =	sadd.s32 s1, s30  }
0xba: {  	s0 =	sor.u32 s3, s0;
	s1 =	sshll.u32 s1, $0x11  }
0xbb: {  	s0 =	sor.u32 s1, s0  }
0xbc: {  	s0 =	sadd.s32 $0x8F2B, s0  }
0xbd: {  	[sflag:s0] =	ssyncadd.remote.s32 $0x1  }
0xbe: {  	_ =	sfence.sel $0xFFFF  }
0xbf: {  	[dreg:$0x0] =	wrdreg $0xFFFFFFFF;
	(pc) =	sbr.abs _section_cstart, $3  }
0xc0: {  	[dreg:$0x1] =	wrdreg $0xFFFFFFFF  }
0xc1: {  	_ =	task.clear_ibuf [dreg:s6], $0x2FFFF;
	_ =	strace $0x9FFFFFFF  }
0xc2: {  	(tm) =	ssettm $0x7FFFFFFF  }
0xc3: {  	_ =	shalt  }
tec
execute0_lowered:
.L_overlay_start_1:
0x0: {  	(tag) =	ssettag $0x1  }
0x1: {  	s0 =	srdreg.scid;
	s4 =	rddreg [dreg:$0x0]  }
0x2: {  	s6 =	stileid.u32;
	s1 =	rddreg [dreg:$0x1]  }
0x3: {  	s2 =	simm.s32 $0x0;
	s10 =	simm.s32 $0x2800;
	s11 =	simm.s32 $0x0  }
0x4: {  	s3 =	sand.u32 $0x1, s0;
	s31 =	sshll.u32 s6, $0x1;
	s0 =	rddreg [dreg:$0x2]  }
0x5: {  	[smem:$0x7FF] =	sst s2;
	p0 =	sne.s32 s6, $0x0;
	s5 =	sor.u32 s3, s31  }
0x6: {  	s7 =	smul.u32 $0x4E2, s3;
	s8 =	ssub.s32 $0x2, s3;
	_ =	strace $0x80000047  }
0x7: {  	s3 =	sadd.s32 $0xC600, s4;
	s5 =	smul.u32 $0x500, s5;
	s9 =	sshrl.u32 s8, $0x1  }
0x8: {  	s7 =	sadd.s32 s7, s4;
	s8 =	ssub.s32 s8, s9;
	s9 =	simm.s32 $0x7D  }
0x9: {  	s5 =	sadd.s32 s5, s4;
	s6 =	smax.u32 s8, $0x1;
	s8 =	sshrl.u32 @!p0 s1, $0x3  }
0xa: {  	v0 =	vimm.f32 $1.000000000e+00;
	s4 =	sadd.s32 $0x2600, s5;
	s5 =	sadd.s32 $0xCC00, s7;
	s7 =	simm.s32 $0x1  }
.LBB2_1:
0xb: {  	[tilespmem:s2], [sflag:$0x1] =	stream.linear.gather [hbm4b:s4+s2], $0x2800, $0x38;
	[tilespmem:$0x5278] =	vst v63  }
0xc: {  	_ =	swait.ge [sflag:s7], $0x2800  }
0xd: {  	[sflag:s7] =	ssyncset.done $0x0  }
0xe: {  	[sflag:s7] =	ssyncadd.s32 $0xFFFFD800  }
0xf: {  	[tilespmem:$0x2800] =	vst v0  }
0x10: {  	[tilespmem:$0x2810] =	vst v0  }
0x11: {  	[tilespmem:$0x2820] =	vst v0  }
0x12: {  	[tilespmem:$0x2830] =	vst v0  }
0x13: {  	[tilespmem:$0x2840] =	vst v0  }
0x14: {  	[tilespmem:$0x2850] =	vst v0  }
0x15: {  	[tilespmem:$0x2860] =	vst v0  }
0x16: {  	s12 =	simm.s32 @!p0 $0x1C01;
	[tilespmem:$0x2870] =	vst v0  }
0x17: {  	[spmem:s8], [sflag:s12] =	dma.local @!p0 [hbm:s3], $0x4F0  }
0x18: {  	s12 =	simm.s32 @!p0 $0x1  }
0x19: {  	_ =	swait.ge @!p0 [sflag:s12], $0x4F0  }
0x1a: {  	[sflag:s12] =	ssyncset.done @!p0 $0x0  }
0x1b: {  	[sflag:s12] =	ssyncadd.s32 @!p0 $0xFFFFFB10  }
0x1c: {  	s31 =	simm.s32 $0x0;
	[bflag:$0x0] =	sbarrier.arrive $0xFFFF  }
0x1d: {  	[spmem:s1] =	stream.indirect.scatter.add.f32 [tilespmem:s10], [sflag:$0x1], $0x1, s31, s9, $0xb8;
	[tilespmem:$0x5278] =	vst v63  }
0x1e: {  	_ =	swait.ge [sflag:s7], $0x7D  }
0x1f: {  	s12 =	simm.s32 $0x200;
	[sflag:s7] =	ssyncset.done $0x0  }
.LBB2_2:
0x20: {  	s13 =	sshra.s32 s12, $0x2;
	[sflag:s7] =	ssyncadd.s32 $0xFFFFFF83;
	p1 =	sne.s32 s12, $0x9E00  }
0x21: {  	[spmem:s1] =	stream.indirect.scatter.add.f32 [tilespmem:s10], [sflag:$0x1], $0x1, s13, s9, $0xb8;
	[tilespmem:$0x5278] =	vst v63  }
.Ltmp0:
0x22: {  	_ = 	snop;
	(pc) =	sbr.rel @p1 .LBB2_2-.Ltmp0, $4  }
0x23: {  	_ = 	snop  }
0x24: {  	s12 =	sadd.s32 $0x200, s12  }
0x25: {  	_ =	swait.ge [sflag:s7], $0x7D  }
0x26: {  	[sflag:s7] =	ssyncset.done $0x0  }
0x27: {  	[sflag:s7] =	ssyncadd.s32 $0xFFFFFF83  }
0x28: {  	s12 =	simm.s32 @!p0 $0x2880;
	s13 =	simm.s32 @!p0 $0x1;
	[bflag:$0x0] =	sbarrier.arrive $0xFFFF  }
0x29: {  	[tilespmem:s12], [sflag:$0x1] =	stream.linear.gather @!p0 [spmem:s1], $0x2780, $0x38;
	[tilespmem:$0x5278] =	vst v63  }
0x2a: {  	s11 =	sadd.s32 $0x1, s11;
	_ =	swait.ge @!p0 [sflag:s13], $0x2780  }
0x2b: {  	p1 =	sne.s32 s11, s6;
	[sflag:s13] =	ssyncset.done @!p0 $0x0  }
.Ltmp1:
0x2c: {  	s14 =	simm.s32 @!p0 $0x0;
	[sflag:s13] =	ssyncadd.s32 @!p0 $0xFFFFD880;
	(pc) =	sbr.rel @p1 .LBB2_1-.Ltmp1, $4  }
0x2d: {  	[hbm4b:s5+s14] =	stream.linear.scatter @!p0 [tilespmem:s12], [sflag:$0x1], $0x2710, $0x38;
	[tilespmem:$0x5278] =	vst v63  }
0x2e: {  	_ =	swait.ge @!p0 [sflag:s13], $0x2710  }
0x2f: {  	[sflag:s13] =	ssyncset.done @!p0 $0x0  }
0x30: {  	[sflag:s13] =	ssyncadd.s32 @!p0 $0xFFFFD8F0  }
0x31: {  	_ =	sfence.sel $0x180000  }
0x32: {  	[bflag:$0x0] =	sbarrier.arrive $0xFFFF  }
0x33: {  	_ =	strace $0x90000047  }
0x34: {  	s0 =	sadd.s32 @!p0 $0x100000, s0;
	[bflag:$0x2] =	sbarrier.arrive $0xFFFF  }
0x35: {  	[sflag:s0] =	ssyncadd.tile.s32 @!p0 $0x1;
	_ =	shalt  }
.Lfunc_end2:
_tile_overlayer_lowered:
.L_overlay_start_2:
0x36: {  	(tag) =	ssettag $0x2  }
0x37: {  	s0 =	rddreg [dreg:$0x0];
	s2 =	stileid.u32  }
0x38: {  	s1 =	rddreg [dreg:$0x1];
	p0 =	sne.s32 s2, $0x0  }
0x39: {  	s3 =	rddreg [dreg:$0x2];
	[bflag:$0x3] =	sbarrier.arrive $0xFFFF;
	s2 =	simm.s32 @!p0 $0x1C01  }
0x3a: {  	[timem:s3], [sflag:s2] =	dma.local @!p0 [hbm:s0], s1  }
0x3b: {  	s0 =	simm.s32 @!p0 $0x1  }
0x3c: {  	_ =	swait.ge @!p0 [sflag:s0], s1  }
0x3d: {  	s1 =	ssub.s32 @!p0 $0x0, s1;
	[sflag:s0] =	ssyncset.done @!p0 $0x0  }
0x3e: {  	[sflag:s0] =	ssyncadd.s32 @!p0 s1  }
0x3f: {  	[bflag:$0x3] =	sbarrier.arrive $0xFFFF  }
0x40: {  	_ =	shalt  }

// kernel: kernel.13.cloned.1.call-start
scs
__scs_entry_jumppad:
0x0: {  	(pc) =	sbr.rel $0x88, $3  }
0x1: {  	(tag) =	ssettag $0x0;
	lr =	simm.s32 $0x1  }
0x2: {  	[smem:$0x3F94] =	sst lr;
	_ =	strace $0xD0000000  }
0x3: {  	_ = 	snop  }
0x4: {  	_ = 	snop  }
0x5: {  	_ = 	snop  }
0x6: {  	_ = 	snop  }
0x7: {  	_ = 	snop  }
__scs_overlays_trampoline_lowered:
0x8: {  	[smem:$0x3FA3] =	sst s0  }
0x9: {  	[smem:$0x3FA4] =	sst s1  }
0xa: {  	[smem:$0x3FA5] =	sst s2  }
0xb: {  	[smem:$0x3FA6] =	sst s3  }
0xc: {  	[smem:$0x3FA7] =	sst s4  }
0xd: {  	[smem:$0x3FA8] =	sst s5  }
0xe: {  	[smem:$0x3FA9] =	sst s6  }
0xf: {  	[smem:$0x3FAA] =	sst s7  }
0x10: {  	[smem:$0x3FAB] =	sst s8  }
0x11: {  	[smem:$0x3FAC] =	sst s9;
	s0 =	simm.s32 @!p0 $0x0  }
0x12: {  	s1 =	sld [smem:$0x3F92];
	s0 =	simm.s32 @p0 $0x1  }
0x13: {  	[smem:$0x3FAD] =	sst s0;
	s0 =	simm.s32 @!p1 $0x0  }
0x14: {  	s2 =	sld [smem:$0x3F91];
	s0 =	simm.s32 @p1 $0x1  }
0x15: {  	[smem:$0x3FAE] =	sst s0;
	s0 =	simm.s32 @!p2 $0x0  }
0x16: {  	s3 =	sld [smem:$0x3FDB];
	s0 =	simm.s32 @p2 $0x1  }
0x17: {  	s4 =	simm.s32 $0x1BF5;
	[smem:$0x3FB0] =	sst s0  }
0x18: {  	s0 =	sld [smem:$0x3F93];
	_ =	swait.ge [sflag:s4], $0x0  }
0x19: {  	s7 =	sld [smem:$0x3F94]  }
0x1a: {  	s8 =	sadd.s32 $0xFFFFE003, lr  }
0x1b: {  	s9 =	sadd.s32 $0xFFFFFEF7, lr;
	s5 =	simm.s32 $0xFFFFFFFF;
	p2 =	slt.u32 s8, $0xFFFFF086  }
0x1c: {  	p1 =	slt.u32 s9, $0xF7A;
	s5 =	simm.s32 @!p2 $0x0  }
0x1d: {  	s5 =	simm.s32 @p1 $0x1;
	p0 =	seq.s32 s7, s2  }
0x1e: {  	s7 =	smul.u32 @!p0 $0xF7A, s2;
	p2 =	seq.s32 @!p0 s5, $0x0  }
0x1f: {  	s9 =	smul.u32 $0xF7A, s1;
	s8 =	simm.s32 @!p0 $0x1BF5;
	p2 =	por !p2, p0  }
0x20: {  	[sflag:s8] =	ssyncset.s32 @!p0 $0xFFFFF086;
	s6 =	sadd.s32 @!p0 s3, s7;
	s7 =	simm.s32 @!p0 $0x108  }
0x21: {  	s3 =	sadd.s32 s3, s9;
	s6 =	sadd.s32 @!p0 $0x88, s6;
	s7 =	simm.s32 @p2 $0x1082  }
0x22: {  	[simem:s7], [sflag:s8] =	dma.local @!p0 [hbm:s6], $0xF7A  }
0x23: {  	s9 =	sor.u32 $0xD0000000, s2;
	s6 =	simm.s32 $0x108;
	_ =	swait.ge @!p0 [sflag:s8], $0x0  }
0x24: {  	s3 =	sadd.s32 $0x88, s3;
	s6 =	simm.s32 @!p1 $0x1082;
	[sflag:s4] =	ssyncset.s32 $0xFFFFF086  }
0x25: {  	[simem:s6], [sflag:s4] =	dma.local [hbm:s3], $0xF7A  }
0x26: {  	[smem:$0x3F94] =	sst s1;
	(tag) =	ssettag s2;
	_ =	strace s9  }
0x27: {  	s1 =	sld [smem:$0x3FA4]  }
0x28: {  	s2 =	sld [smem:$0x3FA5]  }
0x29: {  	s4 =	sld [smem:$0x3FA7]  }
0x2a: {  	p0 =	seq.s32 s5, $0x0;
	s5 =	sld [smem:$0x3FA8]  }
0x2b: {  	s6 =	sld [smem:$0x3FA9]  }
0x2c: {  	s7 =	sld [smem:$0x3FAA]  }
0x2d: {  	s3 =	simm.s32 $0x108;
	s8 =	sld [smem:$0x3FAB]  }
0x2e: {  	s3 =	simm.s32 @!p0 $0x1082;
	s9 =	sld [smem:$0x3FAC]  }
0x2f: {  	lr =	sadd.s32 s0, s3;
	s0 =	sld [smem:$0x3FA3]  }
0x30: {  	s3 =	sld [smem:$0x3FA6]  }
0x31: {  	[smem:$0x3FAF] =	sst s10  }
0x32: {  	s10 =	sld [smem:$0x3FAD];
	_ =	sdelay $0x3  }
0x33: {  	p0 =	seq.s32 s10, $0x1;
	s10 =	sld [smem:$0x3FAF];
	_ =	sdelay $0x3  }
0x34: {  	[smem:$0x3FAF] =	sst s10  }
0x35: {  	s10 =	sld [smem:$0x3FAE];
	_ =	sdelay $0x3  }
0x36: {  	p1 =	seq.s32 s10, $0x1;
	s10 =	sld [smem:$0x3FAF];
	_ =	sdelay $0x3  }
0x37: {  	[smem:$0x3FAF] =	sst s10  }
0x38: {  	s10 =	sld [smem:$0x3FB0]  }
0x39: {  	_ = 	snop;
	(pc) =	sbr.ind lr, $3  }
0x3a: {  	_ = 	snop  }
0x3b: {  	_ = 	snop  }
0x3c: {  	p2 =	seq.s32 s10, $0x1;
	s10 =	sld [smem:$0x3FAF]  }
0x3d: {  	_ =	shalt  }
0x3e: {  	_ =	shalt  }
0x3f: {  	_ =	shalt  }
0x40: {  	_ =	shalt  }
0x41: {  	_ =	shalt  }
0x42: {  	_ =	shalt  }
0x43: {  	_ =	shalt  }
0x44: {  	_ =	shalt  }
0x45: {  	_ =	shalt  }
0x46: {  	_ =	shalt  }
0x47: {  	_ =	shalt  }
0x48: {  	_ =	shalt  }
0x49: {  	_ =	shalt  }
0x4a: {  	_ =	shalt  }
0x4b: {  	_ =	shalt  }
0x4c: {  	_ =	shalt  }
0x4d: {  	_ =	shalt  }
0x4e: {  	_ =	shalt  }
0x4f: {  	_ =	shalt  }
0x50: {  	_ =	shalt  }
0x51: {  	_ =	shalt  }
0x52: {  	_ =	shalt  }
0x53: {  	_ =	shalt  }
0x54: {  	_ =	shalt  }
0x55: {  	_ =	shalt  }
0x56: {  	_ =	shalt  }
0x57: {  	_ =	shalt  }
0x58: {  	_ =	shalt  }
0x59: {  	_ =	shalt  }
0x5a: {  	_ =	shalt  }
0x5b: {  	_ =	shalt  }
0x5c: {  	_ =	shalt  }
0x5d: {  	_ =	shalt  }
0x5e: {  	_ =	shalt  }
0x5f: {  	_ =	shalt  }
0x60: {  	_ =	shalt  }
0x61: {  	_ =	shalt  }
0x62: {  	_ =	shalt  }
0x63: {  	_ =	shalt  }
0x64: {  	_ =	shalt  }
0x65: {  	_ =	shalt  }
0x66: {  	_ =	shalt  }
0x67: {  	_ =	shalt  }
0x68: {  	_ =	shalt  }
0x69: {  	_ =	shalt  }
0x6a: {  	_ =	shalt  }
0x6b: {  	_ =	shalt  }
0x6c: {  	_ =	shalt  }
0x6d: {  	_ =	shalt  }
0x6e: {  	_ =	shalt  }
0x6f: {  	_ =	shalt  }
0x70: {  	_ =	shalt  }
0x71: {  	_ =	shalt  }
0x72: {  	_ =	shalt  }
0x73: {  	_ =	shalt  }
0x74: {  	_ =	shalt  }
0x75: {  	_ =	shalt  }
0x76: {  	_ =	shalt  }
0x77: {  	_ =	shalt  }
0x78: {  	_ =	shalt  }
0x79: {  	_ =	shalt  }
0x7a: {  	_ =	shalt  }
0x7b: {  	_ =	shalt  }
0x7c: {  	_ =	shalt  }
0x7d: {  	_ =	shalt  }
0x7e: {  	_ =	shalt  }
0x7f: {  	_ =	shalt  }
0x80: {  	_ =	shalt  }
0x81: {  	_ =	shalt  }
0x82: {  	_ =	shalt  }
0x83: {  	_ =	shalt  }
0x84: {  	_ =	shalt  }
0x85: {  	_ =	shalt  }
0x86: {  	_ =	shalt  }
0x87: {  	_ =	shalt  }
.Lfunc_end0:
.L_simem_size_0:
called_computation.1_lowered:
.L_overlay_start_0:
0x88: {  	s2 =	sld [smem:$0x3FD9]  }
0x89: {  	s3 =	sld [smem:$0x3FFE];
	_ =	sdelay $0x1  }
0x8a: {  	s1 =	srdreg.scid  }
0x8b: {  	s0 =	sand.u32 $0x1, s1  }
0x8c: {  	s16 =	sshll.u32 s0, $0xA;
	s2 =	sadd.s32 s3, s2  }
0x8d: {  	s2 =	sadd.s32 s2, s16  }
0x8e: {  	[smem:$0x3FBB] =	sst s2  }
0x8f: {  	_ = 	snop  }
0x90: {  	(tm) =	ssettm $0x1  }
0x91: {  	s17 =	sld [smem:$0x3FFB];
	_ =	sdelay $0x3  }
0x92: {  	_ =	strace s17  }
0x93: {  	s2 =	sld [smem:$0x3FFC];
	_ =	sdelay $0x3  }
0x94: {  	_ =	strace s2  }
0x95: {  	s2 =	sld [smem:$0x3FFD];
	_ =	sdelay $0x3  }
0x96: {  	_ =	strace s2  }
0x97: {  	_ =	strace $0x8FFFFFFF  }
0x98: {  	s18 =	sld [smem:$0x3FDB];
	_ =	sdelay $0x1  }
0x99: {  	s19 =	simm.s32 $_scs_section_size  }
0x9a: {  	s4 =	simm.s32 $_size__tile_overlayer_lowered;
	s5 =	simm.s32 $_tile_overlayer_lowered  }
0x9b: {  	s22 =	simm.s32 $0x1BFF;
	s21 =	sshll.u32 s5, $0x1;
	s2 =	sadd.s32 s19, s18  }
0x9c: {  	s6 =	simm.s32 $0x0;
	s20 =	sshll.u32 s4, $0x1;
	s4 =	sadd.s32 s21, s2  }
0x9d: {  	[timem:s6], [sflag:s22] =	dma.local [hbm:s4], s20  }
0x9e: {  	_ =	swait.ge [sflag:s22], s20  }
0x9f: {  	s3 =	ssub.s32 $0x0, s20;
	[sflag:s22] =	ssyncset.done $0x0  }
0xa0: {  	[sflag:s22] =	ssyncadd.s32 s3;
	_ =	sdelay $0x1  }
0xa1: {  	s23 =	simm.s32 $0x1B8B  }
0xa2: {  	_ =	swait.ge [sflag:s23], $0x1  }
0xa3: {  	[sflag:s23] =	ssyncset.done $0x0  }
0xa4: {  	s25 =	simm.s32 $0x1B8E;
	s24 =	sld [smem:$0x3FFE];
	[sflag:s23] =	ssyncadd.s32 $0xFFFFFFFF  }
0xa5: {  	s26 =	simm.s32 $execute0_lowered;
	[smem:$0x3FD2] =	sst s25  }
0xa6: {  	s4 =	sshll.u32 s26, $0x1;
	_ =	strace $0x80000049;
	[dreg:$0x1] =	wrdreg $0xFFFFFFFF  }
0xa7: {  	s28 =	simm.s32 $_size_execute0_lowered;
	s2 =	sadd.s32 s2, s4;
	[dreg:$0x0] =	wrdreg $0x0  }
0xa8: {  	s4 =	sshll.u32 s28, $0x1;
	[dreg:$0x2] =	wrdreg s2  }
0xa9: {  	[dreg:$0x3] =	wrdreg s4  }
0xaa: {  	[dreg:$0x4] =	wrdreg $0xC0  }
0xab: {  	_ =	task [dreg:s6], $0x5FFFF  }
0xac: {  	[dreg:$0x1] =	wrdreg $0xFFFFFFFF  }
0xad: {  	[dreg:$0x0] =	wrdreg $0x60  }
0xae: {  	[dreg:$0x2] =	wrdreg s24  }
0xaf: {  	[dreg:$0x3] =	wrdreg $0xCD000  }
0xb0: {  	[dreg:$0x4] =	wrdreg $0x9  }
0xb1: {  	_ =	task.clear_ibuf [dreg:s6], $0x5FFFF;
	_ =	strace $0x90000049  }
0xb2: {  	s29 =	simm.s32 $0x9;
	_ =	strace $0x8000004B  }
0xb3: {  	_ =	swait.ge [sflag:s29], $0x1  }
0xb4: {  	[sflag:s29] =	ssyncadd.s32 $0xFFFFFFFF  }
0xb5: {  	_ =	strace $0x9000004B  }
0xb6: {  	_ =	sfence  }
0xb7: {  	s30 =	sld [smem:$0x0];
	_ =	sdelay $0x2  }
0xb8: {  	s31 =	sshll.u32 s1, $0xD;
	s1 =	sshrl.u32 s1, $0x2  }
0xb9: {  	s3 =	sand.u32 $0x4000, s31;
	s1 =	sadd.s32 s1, s30  }
0xba: {  	s0 =	sor.u32 s3, s0;
	s1 =	sshll.u32 s1, $0x11  }
0xbb: {  	s0 =	sor.u32 s1, s0  }
0xbc: {  	s0 =	sadd.s32 $0x8F2B, s0  }
0xbd: {  	[sflag:s0] =	ssyncadd.remote.s32 $0x1  }
0xbe: {  	_ =	sfence.sel $0xFFFF  }
0xbf: {  	[dreg:$0x0] =	wrdreg $0xFFFFFFFF;
	(pc) =	sbr.abs _section_cstart, $3  }
0xc0: {  	[dreg:$0x1] =	wrdreg $0xFFFFFFFF  }
0xc1: {  	_ =	task.clear_ibuf [dreg:s6], $0x2FFFF;
	_ =	strace $0x9FFFFFFF  }
0xc2: {  	(tm) =	ssettm $0x7FFFFFFF  }
0xc3: {  	_ =	shalt  }
tec
execute0_lowered:
.L_overlay_start_1:
0x0: {  	(tag) =	ssettag $0x1  }
0x1: {  	s0 =	rddreg [dreg:$0x0];
	s1 =	srdreg.scid  }
0x2: {  	s4 =	stileid.u32;
	s30 =	simm.s32 $0x3;
	s31 =	simm.s32 $0x2800  }
0x3: {  	s2 =	sand.u32 $0x1, s1;
	s3 =	sshll.u32 s4, $0x1;
	s4 =	smul.u32 $0x14000, s4  }
0x4: {  	s1 =	simm.s32 $0x0;
	s6 =	sadd.s32 $0x49000, s0;
	s3 =	sor.u32 s2, s3  }
0x5: {  	s5 =	smul.u32 $0x140000, s2;
	[smem:$0x7FF] =	sst s1;
	s2 =	ssub.s32 $0x2, s2  }
0x6: {  	s3 =	smul.u32 $0x500, s3;
	s8 =	sshrl.u32 s2, $0x1;
	s9 =	sor.u32 $0x2000, s4  }
0x7: {  	s12 =	sadd.s32 $0x4000, s4;
	s10 =	sadd.s32 $0x6000, s4;
	s23 =	sadd.s32 $0x8000, s4  }
0x8: {  	s24 =	sadd.s32 $0xA000, s4;
	s25 =	sadd.s32 $0xC000, s4;
	s26 =	sadd.s32 $0xE000, s4  }
0x9: {  	s28 =	sadd.s32 $0x10000, s4;
	s29 =	sadd.s32 $0x12000, s4;
	s21 =	sshrl.u32 s4, $0x4  }
0xa: {  	s22 =	sshrl.u32 s4, $0x1;
	s7 =	sadd.s32 s5, s4;
	s2 =	ssub.s32 s2, s8  }
0xb: {  	s11 =	sadd.s32 s5, s9;
	s13 =	sadd.s32 s5, s12;
	s15 =	sadd.s32 s5, s23  }
0xc: {  	s16 =	sadd.s32 s5, s24;
	s17 =	sadd.s32 s5, s25;
	s19 =	sadd.s32 s5, s26  }
0xd: {  	s20 =	sadd.s32 s5, s28;
	s4 =	sshrl.u32 s9, $0x1;
	s7 =	sshrl.u32 s7, $0x4  }
0xe: {  	s8 =	sshrl.u32 s24, $0x1;
	s9 =	sshrl.u32 s25, $0x1;
	s7 =	sadd.s32 s6, s7  }
0xf: {  	s3 =	sadd.s32 s3, s0;
	[dreg:$0x3] =	wrdreg s7;
	s7 =	sshrl.u32 s11, $0x4  }
0x10: {  	s11 =	sadd.s32 s5, s10;
	s5 =	sadd.s32 s5, s29;
	s7 =	sadd.s32 s6, s7  }
0x11: {  	s11 =	sshrl.u32 s11, $0x4;
	s5 =	sshrl.u32 s5, $0x4;
	[dreg:$0x4] =	wrdreg s7  }
0x12: {  	s7 =	sshrl.u32 s13, $0x4;
	s14 =	sadd.s32 s6, s11;
	s11 =	sshrl.u32 s17, $0x4  }
0x13: {  	s5 =	sadd.s32 s6, s5;
	s13 =	sshrl.u32 s29, $0x1;
	[dreg:$0x6] =	wrdreg s14  }
0x14: {  	s7 =	sadd.s32 s6, s7;
	s18 =	sadd.s32 s6, s11;
	s11 =	rddreg [dreg:$0x1]  }
0x15: {  	[dreg:$0xc] =	wrdreg s5;
	s5 =	sadd.s32 s21, s0;
	s14 =	sadd.s32 $0x35600, s0  }
0x16: {  	s0 =	simm.s32 $0x5000;
	[dreg:$0x5] =	wrdreg s7;
	s7 =	sshrl.u32 s15, $0x4  }
0x17: {  	[dreg:$0x9] =	wrdreg s18;
	s15 =	sadd.s32 $0x17600, s3;
	s17 =	sadd.s32 s22, s11  }
0x18: {  	s18 =	sadd.s32 $0x21600, s5;
	s5 =	sshrl.u32 s12, $0x1;
	s24 =	sadd.s32 s8, s11  }
0x19: {  	s25 =	sadd.s32 s9, s11;
	s12 =	sshrl.u32 s28, $0x1;
	s7 =	sadd.s32 s6, s7  }
0x1a: {  	s29 =	sadd.s32 s13, s11;
	[dreg:$0x7] =	wrdreg s7;
	s7 =	sshrl.u32 s16, $0x4  }
0x1b: {  	s21 =	sadd.s32 s5, s11;
	s28 =	sadd.s32 s12, s11;
	s7 =	sadd.s32 s6, s7  }
0x1c: {  	s16 =	sadd.s32 $0xD600, s3;
	[dreg:$0x8] =	wrdreg s7;
	s7 =	sshrl.u32 s19, $0x4  }
0x1d: {  	s3 =	simm.s32 $0x2;
	s19 =	smax.u32 s2, $0x1;
	s7 =	sadd.s32 s6, s7  }
0x1e: {  	s2 =	simm.s32 $0x1;
	[dreg:$0xa] =	wrdreg s7;
	s7 =	sshrl.u32 s20, $0x4  }
0x1f: {  	s20 =	sadd.s32 s4, s11;
	s4 =	simm.s32 $0x0;
	s7 =	sadd.s32 s6, s7  }
0x20: {  	s6 =	sshrl.u32 s10, $0x1;
	s10 =	sshrl.u32 s26, $0x1;
	[dreg:$0xb] =	wrdreg s7  }
0x21: {  	s22 =	sadd.s32 s6, s11;
	s7 =	sshrl.u32 s23, $0x1;
	s26 =	sadd.s32 s10, s11  }
0x22: {  	s10 =	simm.s32 $0x7D;
	_ =	strace $0x8000004A;
	s23 =	sadd.s32 s7, s11  }
.LBB2_1:
0x23: {  	[tilespmem:s1], [sflag:$0x3] =	stream.linear.gather [hbm4b:s15+s1], $0x2800, $0x38;
	[tilespmem:$0x16D00] =	vst v63  }
0x24: {  	_ =	swait.ge [sflag:s30], $0x2800  }
0x25: {  	[sflag:s30] =	ssyncset.done $0x0  }
0x26: {  	[sflag:s30] =	ssyncadd.s32 $0xFFFFD800  }
0x27: {  	[tilespmem:s31], [sflag:$0x3] =	stream.linear.gather [hbm4b:s16+s1], $0x2800, $0x38;
	[tilespmem:$0x16D00] =	vst v63  }
0x28: {  	s5 =	stileid.u32;
	_ =	swait.ge [sflag:s30], $0x2800  }
0x29: {  	s5 =	sshll.u32 s5, $0x6;
	[sflag:s30] =	ssyncset.done $0x0  }
0x2a: {  	s6 =	sshrl.u32 s17, $0x3;
	s5 =	sor.u32 $0x1C03, s5;
	[sflag:s30] =	ssyncadd.s32 $0xFFFFD800  }
0x2b: {  	[spmem:s6], [sflag:s5] =	dma.local [hbm:s18], $0x1400  }
0x2c: {  	_ =	swait.ge [sflag:s30], $0x1400  }
0x2d: {  	[sflag:s30] =	ssyncset.done $0x0  }
0x2e: {  	[sflag:s30] =	ssyncadd.s32 $0xFFFFEC00  }
0x2f: {  	[bflag:$0x0] =	sbarrier.arrive $0xFFFF  }
0x30: {  	[tilespmem:s0], [sflag:$0x1] =	stream.indirect.gather [hbm4b:s14+s10], $0x40, s1, s10, $0xb8;
	[tilespmem:$0x16D00] =	vst v63  }
0x31: {  	s12 =	simm.s32 $0x80;
	s13 =	simm.s32 $0x6F40  }
0x32: {  	[tilespmem:s13], [sflag:$0x1] =	stream.indirect.gather [hbm4b:s14+s10], $0x40, s12, s10, $0xb8;
	[tilespmem:$0x16D00] =	vst v63  }
0x33: {  	s7 =	simm.s32 $0x8E80;
	s6 =	simm.s32 $0x100  }
0x34: {  	[tilespmem:s7], [sflag:$0x1] =	stream.indirect.gather [hbm4b:s14+s10], $0x40, s6, s10, $0xb8;
	[tilespmem:$0x16D00] =	vst v63  }
0x35: {  	_ =	swait.ge [sflag:s2], $0x1F40  }
0x36: {  	s8 =	simm.s32 $0x180;
	s9 =	simm.s32 $0xADC0;
	[sflag:s2] =	ssyncset.done $0x0  }
0x37: {  	p0 =	por $0x0, $0x0;
	s5 =	simm.s32 $0x4;
	[sflag:s2] =	ssyncadd.s32 $0xFFFFE0C0  }
0x38: {  	[tilespmem:s9], [sflag:$0x1] =	stream.indirect.gather [hbm4b:s14+s10], $0x40, s8, s10, $0xb8;
	[tilespmem:$0x16D00] =	vst v63  }
0x39: {  	s5 =	sand.u32 @!p0 $0x3, s5  }
0x3a: {  	[spmem:s11] =	stream.indirect.scatter.add.bf16 [tilespmem:s0], [sflag:$0x2], $0x40, s31, s10, $0xb8;
	[tilespmem:$0x16D00] =	vst v63  }
0x3b: {  	s5 =	smul.u32 @!p0 $0x7D00, s5;
	s12 =	simm.s32 $0x1;
	_ =	swait.ge [sflag:s2], $0x1F40  }
0x3c: {  	s6 =	sand.u32 $0x3, s12;
	[sflag:s2] =	ssyncset.done $0x0  }
0x3d: {  	s5 =	sshrl.u32 @!p0 s5, $0x2;
	s8 =	smul.u32 $0x7D00, s6;
	[sflag:s2] =	ssyncadd.s32 $0xFFFFE0C0  }
0x3e: {  	s5 =	sadd.s32 @!p0 $0x5000, s5;
	s7 =	simm.s32 $0x200;
	_ =	swait.ge [sflag:s3], $0x1F40  }
0x3f: {  	s6 =	simm.s32 @!p0 $0x7D;
	s13 =	sshrl.u32 s8, $0x2;
	[sflag:s3] =	ssyncset.done $0x0  }
0x40: {  	s8 =	simm.s32 $0x280;
	s9 =	sadd.s32 $0x5000, s13;
	[sflag:s3] =	ssyncadd.s32 $0xFFFFE0C0  }
0x41: {  	[tilespmem:s5], [sflag:$0x1] =	stream.indirect.gather @!p0 [hbm4b:s14+s6], $0x40, s7, s6, $0xb8;
	[tilespmem:$0x16D00] =	vst v63  }
0x42: {  	s5 =	simm.s32 $0x2880;
	s6 =	simm.s32 $0x5;
	s7 =	simm.s32 $0x2900  }
.LBB2_2:
0x43: {  	[spmem:s11] =	stream.indirect.scatter.add.bf16 [tilespmem:s9], [sflag:$0x2], $0x40, s5, s10, $0xb8;
	[tilespmem:$0x16D00] =	vst v63  }
0x44: {  	s9 =	smov.u32 s6;
	s5 =	smov.u32 s7  }
0x45: {  	s6 =	sadd.s32 $0x1, s6;
	s12 =	sadd.s32 $0xFFFFFFFD, s9;
	_ =	swait.ge [sflag:s2], $0x1F40  }
0x46: {  	s13 =	sand.u32 $0x3, s12;
	[sflag:s2] =	ssyncset.done $0x0;
	p0 =	sgt.u32 s12, $0x4C  }
0x47: {  	s12 =	smul.u32 $0x7D00, s13;
	[sflag:s2] =	ssyncadd.s32 $0xFFFFE0C0;
	s9 =	sand.u32 @!p0 $0x3, s9  }
0x48: {  	p1 =	sne.s32 s6, $0x53;
	_ =	swait.ge [sflag:s3], $0x1F40;
	s9 =	smul.u32 @!p0 $0x7D00, s9  }
.Ltmp0:
0x49: {  	s12 =	sshrl.u32 s12, $0x2;
	[sflag:s3] =	ssyncset.done $0x0;
	(pc) =	sbr.rel @p1 .LBB2_2-.Ltmp0, $4  }
0x4a: {  	[sflag:s3] =	ssyncadd.s32 $0xFFFFE0C0;
	s9 =	sshrl.u32 @!p0 s9, $0x2  }
0x4b: {  	s13 =	simm.s32 @!p0 $0x7D;
	s9 =	sadd.s32 @!p0 $0x5000, s9  }
0x4c: {  	[tilespmem:s9], [sflag:$0x1] =	stream.indirect.gather @!p0 [hbm4b:s14+s13], $0x40, s8, s13, $0xb8;
	[tilespmem:$0x16D00] =	vst v63  }
0x4d: {  	s7 =	sadd.s32 $0x80, s7;
	s9 =	sadd.s32 $0x5000, s12;
	s8 =	sadd.s32 $0x80, s8  }
0x4e: {  	[spmem:s11] =	stream.indirect.scatter.add.bf16 [tilespmem:s9], [sflag:$0x2], $0x40, s5, s10, $0xb8;
	[tilespmem:$0x16D00] =	vst v63  }
0x4f: {  	_ =	swait.ge [sflag:s3], $0x1F40  }
0x50: {  	[sflag:s3] =	ssyncset.done $0x0  }
0x51: {  	[sflag:s3] =	ssyncadd.s32 $0xFFFFE0C0  }
0x52: {  	[bflag:$0x0] =	sbarrier.arrive $0xFFFF  }
0x53: {  	[tilespmem:s0], [sflag:$0x3] =	stream.linear.gather [spmem:s17], $0x1000, $0x38;
	[tilespmem:$0x16D00] =	vst v63  }
0x54: {  	_ =	swait.ge [sflag:s30], $0x1000  }
0x55: {  	[sflag:s30] =	ssyncset.done $0x0  }
0x56: {  	s8 =	rddreg [dreg:$0x3];
	[sflag:s30] =	ssyncadd.s32 $0xFFFFF000  }
0x57: {  	[hbm4b:s8+s1] =	stream.linear.scatter [tilespmem:s0], [sflag:$0x3], $0x1000, $0x38;
	[tilespmem:$0x16D00] =	vst v63  }
0x58: {  	_ =	swait.ge [sflag:s30], $0x1000  }
0x59: {  	[sflag:s30] =	ssyncset.done $0x0  }
0x5a: {  	[sflag:s30] =	ssyncadd.s32 $0xFFFFF000  }
0x5b: {  	[tilespmem:s0], [sflag:$0x3] =	stream.linear.gather [spmem:s20], $0x1000, $0x38;
	[tilespmem:$0x16D00] =	vst v63  }
0x5c: {  	_ =	swait.ge [sflag:s30], $0x1000  }
0x5d: {  	[sflag:s30] =	ssyncset.done $0x0  }
0x5e: {  	s9 =	rddreg [dreg:$0x4];
	[sflag:s30] =	ssyncadd.s32 $0xFFFFF000  }
0x5f: {  	[hbm4b:s9+s1] =	stream.linear.scatter [tilespmem:s0], [sflag:$0x3], $0x1000, $0x38;
	[tilespmem:$0x16D00] =	vst v63  }
0x60: {  	_ =	swait.ge [sflag:s30], $0x1000  }
0x61: {  	[sflag:s30] =	ssyncset.done $0x0  }
0x62: {  	[sflag:s30] =	ssyncadd.s32 $0xFFFFF000  }
0x63: {  	[tilespmem:s0], [sflag:$0x3] =	stream.linear.gather [spmem:s21], $0x1000, $0x38;
	[tilespmem:$0x16D00] =	vst v63  }
0x64: {  	_ =	swait.ge [sflag:s30], $0x1000  }
0x65: {  	[sflag:s30] =	ssyncset.done $0x0  }
0x66: {  	s12 =	rddreg [dreg:$0x5];
	[sflag:s30] =	ssyncadd.s32 $0xFFFFF000  }
0x67: {  	[hbm4b:s12+s1] =	stream.linear.scatter [tilespmem:s0], [sflag:$0x3], $0x1000, $0x38;
	[tilespmem:$0x16D00] =	vst v63  }
0x68: {  	_ =	swait.ge [sflag:s30], $0x1000  }
0x69: {  	[sflag:s30] =	ssyncset.done $0x0  }
0x6a: {  	[sflag:s30] =	ssyncadd.s32 $0xFFFFF000  }
0x6b: {  	[tilespmem:s0], [sflag:$0x3] =	stream.linear.gather [spmem:s22], $0x1000, $0x38;
	[tilespmem:$0x16D00] =	vst v63  }
0x6c: {  	_ =	swait.ge [sflag:s30], $0x1000  }
0x6d: {  	[sflag:s30] =	ssyncset.done $0x0  }
0x6e: {  	s13 =	rddreg [dreg:$0x6];
	[sflag:s30] =	ssyncadd.s32 $0xFFFFF000  }
0x6f: {  	[hbm4b:s13+s1] =	stream.linear.scatter [tilespmem:s0], [sflag:$0x3], $0x1000, $0x38;
	[tilespmem:$0x16D00] =	vst v63  }
0x70: {  	_ =	swait.ge [sflag:s30], $0x1000  }
0x71: {  	[sflag:s30] =	ssyncset.done $0x0  }
0x72: {  	[sflag:s30] =	ssyncadd.s32 $0xFFFFF000  }
0x73: {  	[tilespmem:s0], [sflag:$0x3] =	stream.linear.gather [spmem:s23], $0x1000, $0x38;
	[tilespmem:$0x16D00] =	vst v63  }
0x74: {  	_ =	swait.ge [sflag:s30], $0x1000  }
0x75: {  	[sflag:s30] =	ssyncset.done $0x0  }
0x76: {  	s6 =	rddreg [dreg:$0x7];
	[sflag:s30] =	ssyncadd.s32 $0xFFFFF000  }
0x77: {  	[hbm4b:s6+s1] =	stream.linear.scatter [tilespmem:s0], [sflag:$0x3], $0x1000, $0x38;
	[tilespmem:$0x16D00] =	vst v63  }
0x78: {  	_ =	swait.ge [sflag:s30], $0x1000  }
0x79: {  	[sflag:s30] =	ssyncset.done $0x0  }
0x7a: {  	[sflag:s30] =	ssyncadd.s32 $0xFFFFF000  }
0x7b: {  	[tilespmem:s0], [sflag:$0x3] =	stream.linear.gather [spmem:s24], $0x1000, $0x38;
	[tilespmem:$0x16D00] =	vst v63  }
0x7c: {  	_ =	swait.ge [sflag:s30], $0x1000  }
0x7d: {  	[sflag:s30] =	ssyncset.done $0x0  }
0x7e: {  	s7 =	rddreg [dreg:$0x8];
	[sflag:s30] =	ssyncadd.s32 $0xFFFFF000  }
0x7f: {  	[hbm4b:s7+s1] =	stream.linear.scatter [tilespmem:s0], [sflag:$0x3], $0x1000, $0x38;
	[tilespmem:$0x16D00] =	vst v63  }
0x80: {  	_ =	swait.ge [sflag:s30], $0x1000  }
0x81: {  	[sflag:s30] =	ssyncset.done $0x0  }
0x82: {  	[sflag:s30] =	ssyncadd.s32 $0xFFFFF000  }
0x83: {  	[tilespmem:s0], [sflag:$0x3] =	stream.linear.gather [spmem:s25], $0x1000, $0x38;
	[tilespmem:$0x16D00] =	vst v63  }
0x84: {  	_ =	swait.ge [sflag:s30], $0x1000  }
0x85: {  	[sflag:s30] =	ssyncset.done $0x0  }
0x86: {  	s8 =	rddreg [dreg:$0x9];
	[sflag:s30] =	ssyncadd.s32 $0xFFFFF000  }
0x87: {  	[hbm4b:s8+s1] =	stream.linear.scatter [tilespmem:s0], [sflag:$0x3], $0x1000, $0x38;
	[tilespmem:$0x16D00] =	vst v63  }
0x88: {  	_ =	swait.ge [sflag:s30], $0x1000  }
0x89: {  	[sflag:s30] =	ssyncset.done $0x0  }
0x8a: {  	[sflag:s30] =	ssyncadd.s32 $0xFFFFF000  }
0x8b: {  	[tilespmem:s0], [sflag:$0x3] =	stream.linear.gather [spmem:s26], $0x1000, $0x38;
	[tilespmem:$0x16D00] =	vst v63  }
0x8c: {  	_ =	swait.ge [sflag:s30], $0x1000  }
0x8d: {  	[sflag:s30] =	ssyncset.done $0x0  }
0x8e: {  	s9 =	rddreg [dreg:$0xa];
	[sflag:s30] =	ssyncadd.s32 $0xFFFFF000  }
0x8f: {  	[hbm4b:s9+s1] =	stream.linear.scatter [tilespmem:s0], [sflag:$0x3], $0x1000, $0x38;
	[tilespmem:$0x16D00] =	vst v63  }
0x90: {  	_ =	swait.ge [sflag:s30], $0x1000  }
0x91: {  	[sflag:s30] =	ssyncset.done $0x0  }
0x92: {  	[sflag:s30] =	ssyncadd.s32 $0xFFFFF000  }
0x93: {  	[tilespmem:s0], [sflag:$0x3] =	stream.linear.gather [spmem:s28], $0x1000, $0x38;
	[tilespmem:$0x16D00] =	vst v63  }
0x94: {  	_ =	swait.ge [sflag:s30], $0x1000  }
0x95: {  	[sflag:s30] =	ssyncset.done $0x0  }
0x96: {  	s12 =	rddreg [dreg:$0xb];
	[sflag:s30] =	ssyncadd.s32 $0xFFFFF000  }
0x97: {  	[hbm4b:s12+s1] =	stream.linear.scatter [tilespmem:s0], [sflag:$0x3], $0x1000, $0x38;
	[tilespmem:$0x16D00] =	vst v63  }
0x98: {  	_ =	swait.ge [sflag:s30], $0x1000  }
0x99: {  	[sflag:s30] =	ssyncset.done $0x0  }
0x9a: {  	[sflag:s30] =	ssyncadd.s32 $0xFFFFF000  }
0x9b: {  	[tilespmem:s0], [sflag:$0x3] =	stream.linear.gather [spmem:s29], $0x1000, $0x38;
	[tilespmem:$0x16D00] =	vst v63  }
0x9c: {  	s4 =	sadd.s32 $0x1, s4;
	_ =	swait.ge [sflag:s30], $0x1000  }
0x9d: {  	p0 =	sne.s32 s4, s19;
	[sflag:s30] =	ssyncset.done $0x0  }
.Ltmp1:
0x9e: {  	s13 =	rddreg [dreg:$0xc];
	[sflag:s30] =	ssyncadd.s32 $0xFFFFF000;
	(pc) =	sbr.rel @p0 .LBB2_1-.Ltmp1, $4  }
0x9f: {  	[hbm4b:s13+s1] =	stream.linear.scatter [tilespmem:s0], [sflag:$0x3], $0x1000, $0x38;
	[tilespmem:$0x16D00] =	vst v63  }
0xa0: {  	_ =	swait.ge [sflag:s30], $0x1000  }
0xa1: {  	[sflag:s30] =	ssyncset.done $0x0  }
0xa2: {  	[sflag:s30] =	ssyncadd.s32 $0xFFFFF000  }
0xa3: {  	_ =	sfence.sel $0x180000  }
0xa4: {  	[bflag:$0x0] =	sbarrier.arrive $0xFFFF  }
0xa5: {  	_ =	strace $0x9000004A  }
0xa6: {  	s0 =	stileid.u32;
	[bflag:$0x2] =	sbarrier.arrive $0xFFFF  }
0xa7: {  	p0 =	sne.s32 s0, $0x0;
	s0 =	rddreg [dreg:$0x2]  }
0xa8: {  	s0 =	sadd.s32 @!p0 $0x100000, s0  }
0xa9: {  	[sflag:s0] =	ssyncadd.tile.s32 @!p0 $0x1;
	_ =	shalt  }
.Lfunc_end2:
_tile_overlayer_lowered:
.L_overlay_start_2:
0xaa: {  	(tag) =	ssettag $0x2  }
0xab: {  	s0 =	rddreg [dreg:$0x0];
	s2 =	stileid.u32  }
0xac: {  	s1 =	rddreg [dreg:$0x1];
	p0 =	sne.s32 s2, $0x0  }
0xad: {  	s3 =	rddreg [dreg:$0x2];
	[bflag:$0x3] =	sbarrier.arrive $0xFFFF;
	s2 =	simm.s32 @!p0 $0x1C03  }
0xae: {  	[timem:s3], [sflag:s2] =	dma.local @!p0 [hbm:s0], s1  }
0xaf: {  	s0 =	simm.s32 @!p0 $0x3  }
0xb0: {  	_ =	swait.ge @!p0 [sflag:s0], s1  }
0xb1: {  	s1 =	ssub.s32 @!p0 $0x0, s1;
	[sflag:s0] =	ssyncset.done @!p0 $0x0  }
0xb2: {  	[sflag:s0] =	ssyncadd.s32 @!p0 s1  }
0xb3: {  	[bflag:$0x3] =	sbarrier.arrive $0xFFFF  }
0xb4: {  	_ =	shalt  }

// kernel: kernel.16.cloned.1.call-start
scs
__scs_entry_jumppad:
0x0: {  	(pc) =	sbr.rel $0x88, $3  }
0x1: {  	(tag) =	ssettag $0x0;
	lr =	simm.s32 $0x1  }
0x2: {  	[smem:$0x3F94] =	sst lr;
	_ =	strace $0xD0000000  }
0x3: {  	_ = 	snop  }
0x4: {  	_ = 	snop  }
0x5: {  	_ = 	snop  }
0x6: {  	_ = 	snop  }
0x7: {  	_ = 	snop  }
__scs_overlays_trampoline_lowered:
0x8: {  	[smem:$0x3FA3] =	sst s0  }
0x9: {  	[smem:$0x3FA4] =	sst s1  }
0xa: {  	[smem:$0x3FA5] =	sst s2  }
0xb: {  	[smem:$0x3FA6] =	sst s3  }
0xc: {  	[smem:$0x3FA7] =	sst s4  }
0xd: {  	[smem:$0x3FA8] =	sst s5  }
0xe: {  	[smem:$0x3FA9] =	sst s6  }
0xf: {  	[smem:$0x3FAA] =	sst s7  }
0x10: {  	[smem:$0x3FAB] =	sst s8  }
0x11: {  	[smem:$0x3FAC] =	sst s9;
	s0 =	simm.s32 @!p0 $0x0  }
0x12: {  	s1 =	sld [smem:$0x3F92];
	s0 =	simm.s32 @p0 $0x1  }
0x13: {  	[smem:$0x3FAD] =	sst s0;
	s0 =	simm.s32 @!p1 $0x0  }
0x14: {  	s2 =	sld [smem:$0x3F91];
	s0 =	simm.s32 @p1 $0x1  }
0x15: {  	[smem:$0x3FAE] =	sst s0;
	s0 =	simm.s32 @!p2 $0x0  }
0x16: {  	s3 =	sld [smem:$0x3FDB];
	s0 =	simm.s32 @p2 $0x1  }
0x17: {  	s4 =	simm.s32 $0x1BF5;
	[smem:$0x3FB0] =	sst s0  }
0x18: {  	s0 =	sld [smem:$0x3F93];
	_ =	swait.ge [sflag:s4], $0x0  }
0x19: {  	s7 =	sld [smem:$0x3F94]  }
0x1a: {  	s8 =	sadd.s32 $0xFFFFE003, lr  }
0x1b: {  	s9 =	sadd.s32 $0xFFFFFEF7, lr;
	s5 =	simm.s32 $0xFFFFFFFF;
	p2 =	slt.u32 s8, $0xFFFFF086  }
0x1c: {  	p1 =	slt.u32 s9, $0xF7A;
	s5 =	simm.s32 @!p2 $0x0  }
0x1d: {  	s5 =	simm.s32 @p1 $0x1;
	p0 =	seq.s32 s7, s2  }
0x1e: {  	s7 =	smul.u32 @!p0 $0xF7A, s2;
	p2 =	seq.s32 @!p0 s5, $0x0  }
0x1f: {  	s9 =	smul.u32 $0xF7A, s1;
	s8 =	simm.s32 @!p0 $0x1BF5;
	p2 =	por !p2, p0  }
0x20: {  	[sflag:s8] =	ssyncset.s32 @!p0 $0xFFFFF086;
	s6 =	sadd.s32 @!p0 s3, s7;
	s7 =	simm.s32 @!p0 $0x108  }
0x21: {  	s3 =	sadd.s32 s3, s9;
	s6 =	sadd.s32 @!p0 $0x88, s6;
	s7 =	simm.s32 @p2 $0x1082  }
0x22: {  	[simem:s7], [sflag:s8] =	dma.local @!p0 [hbm:s6], $0xF7A  }
0x23: {  	s9 =	sor.u32 $0xD0000000, s2;
	s6 =	simm.s32 $0x108;
	_ =	swait.ge @!p0 [sflag:s8], $0x0  }
0x24: {  	s3 =	sadd.s32 $0x88, s3;
	s6 =	simm.s32 @!p1 $0x1082;
	[sflag:s4] =	ssyncset.s32 $0xFFFFF086  }
0x25: {  	[simem:s6], [sflag:s4] =	dma.local [hbm:s3], $0xF7A  }
0x26: {  	[smem:$0x3F94] =	sst s1;
	(tag) =	ssettag s2;
	_ =	strace s9  }
0x27: {  	s1 =	sld [smem:$0x3FA4]  }
0x28: {  	s2 =	sld [smem:$0x3FA5]  }
0x29: {  	s4 =	sld [smem:$0x3FA7]  }
0x2a: {  	p0 =	seq.s32 s5, $0x0;
	s5 =	sld [smem:$0x3FA8]  }
0x2b: {  	s6 =	sld [smem:$0x3FA9]  }
0x2c: {  	s7 =	sld [smem:$0x3FAA]  }
0x2d: {  	s3 =	simm.s32 $0x108;
	s8 =	sld [smem:$0x3FAB]  }
0x2e: {  	s3 =	simm.s32 @!p0 $0x1082;
	s9 =	sld [smem:$0x3FAC]  }
0x2f: {  	lr =	sadd.s32 s0, s3;
	s0 =	sld [smem:$0x3FA3]  }
0x30: {  	s3 =	sld [smem:$0x3FA6]  }
0x31: {  	[smem:$0x3FAF] =	sst s10  }
0x32: {  	s10 =	sld [smem:$0x3FAD];
	_ =	sdelay $0x3  }
0x33: {  	p0 =	seq.s32 s10, $0x1;
	s10 =	sld [smem:$0x3FAF];
	_ =	sdelay $0x3  }
0x34: {  	[smem:$0x3FAF] =	sst s10  }
0x35: {  	s10 =	sld [smem:$0x3FAE];
	_ =	sdelay $0x3  }
0x36: {  	p1 =	seq.s32 s10, $0x1;
	s10 =	sld [smem:$0x3FAF];
	_ =	sdelay $0x3  }
0x37: {  	[smem:$0x3FAF] =	sst s10  }
0x38: {  	s10 =	sld [smem:$0x3FB0]  }
0x39: {  	_ = 	snop;
	(pc) =	sbr.ind lr, $3  }
0x3a: {  	_ = 	snop  }
0x3b: {  	_ = 	snop  }
0x3c: {  	p2 =	seq.s32 s10, $0x1;
	s10 =	sld [smem:$0x3FAF]  }
0x3d: {  	_ =	shalt  }
0x3e: {  	_ =	shalt  }
0x3f: {  	_ =	shalt  }
0x40: {  	_ =	shalt  }
0x41: {  	_ =	shalt  }
0x42: {  	_ =	shalt  }
0x43: {  	_ =	shalt  }
0x44: {  	_ =	shalt  }
0x45: {  	_ =	shalt  }
0x46: {  	_ =	shalt  }
0x47: {  	_ =	shalt  }
0x48: {  	_ =	shalt  }
0x49: {  	_ =	shalt  }
0x4a: {  	_ =	shalt  }
0x4b: {  	_ =	shalt  }
0x4c: {  	_ =	shalt  }
0x4d: {  	_ =	shalt  }
0x4e: {  	_ =	shalt  }
0x4f: {  	_ =	shalt  }
0x50: {  	_ =	shalt  }
0x51: {  	_ =	shalt  }
0x52: {  	_ =	shalt  }
0x53: {  	_ =	shalt  }
0x54: {  	_ =	shalt  }
0x55: {  	_ =	shalt  }
0x56: {  	_ =	shalt  }
0x57: {  	_ =	shalt  }
0x58: {  	_ =	shalt  }
0x59: {  	_ =	shalt  }
0x5a: {  	_ =	shalt  }
0x5b: {  	_ =	shalt  }
0x5c: {  	_ =	shalt  }
0x5d: {  	_ =	shalt  }
0x5e: {  	_ =	shalt  }
0x5f: {  	_ =	shalt  }
0x60: {  	_ =	shalt  }
0x61: {  	_ =	shalt  }
0x62: {  	_ =	shalt  }
0x63: {  	_ =	shalt  }
0x64: {  	_ =	shalt  }
0x65: {  	_ =	shalt  }
0x66: {  	_ =	shalt  }
0x67: {  	_ =	shalt  }
0x68: {  	_ =	shalt  }
0x69: {  	_ =	shalt  }
0x6a: {  	_ =	shalt  }
0x6b: {  	_ =	shalt  }
0x6c: {  	_ =	shalt  }
0x6d: {  	_ =	shalt  }
0x6e: {  	_ =	shalt  }
0x6f: {  	_ =	shalt  }
0x70: {  	_ =	shalt  }
0x71: {  	_ =	shalt  }
0x72: {  	_ =	shalt  }
0x73: {  	_ =	shalt  }
0x74: {  	_ =	shalt  }
0x75: {  	_ =	shalt  }
0x76: {  	_ =	shalt  }
0x77: {  	_ =	shalt  }
0x78: {  	_ =	shalt  }
0x79: {  	_ =	shalt  }
0x7a: {  	_ =	shalt  }
0x7b: {  	_ =	shalt  }
0x7c: {  	_ =	shalt  }
0x7d: {  	_ =	shalt  }
0x7e: {  	_ =	shalt  }
0x7f: {  	_ =	shalt  }
0x80: {  	_ =	shalt  }
0x81: {  	_ =	shalt  }
0x82: {  	_ =	shalt  }
0x83: {  	_ =	shalt  }
0x84: {  	_ =	shalt  }
0x85: {  	_ =	shalt  }
0x86: {  	_ =	shalt  }
0x87: {  	_ =	shalt  }
.Lfunc_end0:
.L_simem_size_0:
called_computation.2_lowered:
.L_overlay_start_0:
0x88: {  	s2 =	sld [smem:$0x3FD9]  }
0x89: {  	s3 =	sld [smem:$0x3FFE];
	_ =	sdelay $0x1  }
0x8a: {  	s1 =	srdreg.scid  }
0x8b: {  	s0 =	sand.u32 $0x1, s1  }
0x8c: {  	s16 =	sshll.u32 s0, $0xA;
	s2 =	sadd.s32 s3, s2  }
0x8d: {  	s2 =	sadd.s32 s2, s16  }
0x8e: {  	[smem:$0x3FBB] =	sst s2  }
0x8f: {  	_ = 	snop  }
0x90: {  	(tm) =	ssettm $0x1  }
0x91: {  	s17 =	sld [smem:$0x3FFB];
	_ =	sdelay $0x3  }
0x92: {  	_ =	strace s17  }
0x93: {  	s2 =	sld [smem:$0x3FFC];
	_ =	sdelay $0x3  }
0x94: {  	_ =	strace s2  }
0x95: {  	s2 =	sld [smem:$0x3FFD];
	_ =	sdelay $0x3  }
0x96: {  	_ =	strace s2  }
0x97: {  	_ =	strace $0x8FFFFFFF  }
0x98: {  	s18 =	sld [smem:$0x3FDB];
	_ =	sdelay $0x1  }
0x99: {  	s19 =	simm.s32 $_scs_section_size  }
0x9a: {  	s4 =	simm.s32 $_size__tile_overlayer_lowered;
	s5 =	simm.s32 $_tile_overlayer_lowered  }
0x9b: {  	s22 =	simm.s32 $0x1BFF;
	s21 =	sshll.u32 s5, $0x1;
	s2 =	sadd.s32 s19, s18  }
0x9c: {  	s6 =	simm.s32 $0x0;
	s20 =	sshll.u32 s4, $0x1;
	s4 =	sadd.s32 s21, s2  }
0x9d: {  	[timem:s6], [sflag:s22] =	dma.local [hbm:s4], s20  }
0x9e: {  	_ =	swait.ge [sflag:s22], s20  }
0x9f: {  	s3 =	ssub.s32 $0x0, s20;
	[sflag:s22] =	ssyncset.done $0x0  }
0xa0: {  	[sflag:s22] =	ssyncadd.s32 s3;
	_ =	sdelay $0x1  }
0xa1: {  	s23 =	simm.s32 $0x1B8B  }
0xa2: {  	_ =	swait.ge [sflag:s23], $0x1  }
0xa3: {  	[sflag:s23] =	ssyncset.done $0x0  }
0xa4: {  	s25 =	simm.s32 $0x1B8E;
	s24 =	sld [smem:$0x3FFE];
	[sflag:s23] =	ssyncadd.s32 $0xFFFFFFFF  }
0xa5: {  	s26 =	simm.s32 $execute0_lowered;
	[smem:$0x3FD2] =	sst s25  }
0xa6: {  	s4 =	sshll.u32 s26, $0x1;
	_ =	strace $0x8000004C;
	[dreg:$0x1] =	wrdreg $0xFFFFFFFF  }
0xa7: {  	s28 =	simm.s32 $_size_execute0_lowered;
	s2 =	sadd.s32 s2, s4;
	[dreg:$0x0] =	wrdreg $0x0  }
0xa8: {  	s4 =	sshll.u32 s28, $0x1;
	[dreg:$0x2] =	wrdreg s2  }
0xa9: {  	[dreg:$0x3] =	wrdreg s4  }
0xaa: {  	[dreg:$0x4] =	wrdreg $0xC0  }
0xab: {  	_ =	task [dreg:s6], $0x5FFFF  }
0xac: {  	[dreg:$0x1] =	wrdreg $0xFFFFFFFF  }
0xad: {  	[dreg:$0x0] =	wrdreg $0x60  }
0xae: {  	[dreg:$0x2] =	wrdreg s24  }
0xaf: {  	[dreg:$0x3] =	wrdreg $0xCD000  }
0xb0: {  	[dreg:$0x4] =	wrdreg $0x9  }
0xb1: {  	_ =	task.clear_ibuf [dreg:s6], $0x5FFFF;
	_ =	strace $0x9000004C  }
0xb2: {  	s29 =	simm.s32 $0x9;
	_ =	strace $0x8000004E  }
0xb3: {  	_ =	swait.ge [sflag:s29], $0x1  }
0xb4: {  	[sflag:s29] =	ssyncadd.s32 $0xFFFFFFFF  }
0xb5: {  	_ =	strace $0x9000004E  }
0xb6: {  	_ =	sfence  }
0xb7: {  	s30 =	sld [smem:$0x0];
	_ =	sdelay $0x2  }
0xb8: {  	s31 =	sshll.u32 s1, $0xD;
	s1 =	sshrl.u32 s1, $0x2  }
0xb9: {  	s3 =	sand.u32 $0x4000, s31;
	s1 =	sadd.s32 s1, s30  }
0xba: {  	s0 =	sor.u32 s3, s0;
	s1 =	sshll.u32 s1, $0x11  }
0xbb: {  	s0 =	sor.u32 s1, s0  }
0xbc: {  	s0 =	sadd.s32 $0x8F2B, s0  }
0xbd: {  	[sflag:s0] =	ssyncadd.remote.s32 $0x1  }
0xbe: {  	_ =	sfence.sel $0xFFFF  }
0xbf: {  	[dreg:$0x0] =	wrdreg $0xFFFFFFFF;
	(pc) =	sbr.abs _section_cstart, $3  }
0xc0: {  	[dreg:$0x1] =	wrdreg $0xFFFFFFFF  }
0xc1: {  	_ =	task.clear_ibuf [dreg:s6], $0x2FFFF;
	_ =	strace $0x9FFFFFFF  }
0xc2: {  	(tm) =	ssettm $0x7FFFFFFF  }
0xc3: {  	_ =	shalt  }
tec
execute0_lowered:
.L_overlay_start_1:
0x0: {  	(tag) =	ssettag $0x1  }
0x1: {  	s0 =	rddreg [dreg:$0x0];
	s1 =	srdreg.scid  }
0x2: {  	s4 =	stileid.u32;
	s30 =	simm.s32 $0x3;
	s31 =	simm.s32 $0x2800  }
0x3: {  	s2 =	sand.u32 $0x1, s1;
	s3 =	sshll.u32 s4, $0x1;
	s4 =	smul.u32 $0x14000, s4  }
0x4: {  	s1 =	simm.s32 $0x0;
	s6 =	sadd.s32 $0x49000, s0;
	s3 =	sor.u32 s2, s3  }
0x5: {  	s5 =	smul.u32 $0x140000, s2;
	[smem:$0x7FF] =	sst s1;
	s2 =	ssub.s32 $0x2, s2  }
0x6: {  	s3 =	smul.u32 $0x500, s3;
	s8 =	sshrl.u32 s2, $0x1;
	s9 =	sor.u32 $0x2000, s4  }
0x7: {  	s12 =	sadd.s32 $0x4000, s4;
	s10 =	sadd.s32 $0x6000, s4;
	s23 =	sadd.s32 $0x8000, s4  }
0x8: {  	s24 =	sadd.s32 $0xA000, s4;
	s25 =	sadd.s32 $0xC000, s4;
	s26 =	sadd.s32 $0xE000, s4  }
0x9: {  	s28 =	sadd.s32 $0x10000, s4;
	s29 =	sadd.s32 $0x12000, s4;
	s21 =	sshrl.u32 s4, $0x4  }
0xa: {  	s22 =	sshrl.u32 s4, $0x1;
	s7 =	sadd.s32 s5, s4;
	s2 =	ssub.s32 s2, s8  }
0xb: {  	s11 =	sadd.s32 s5, s9;
	s13 =	sadd.s32 s5, s12;
	s15 =	sadd.s32 s5, s23  }
0xc: {  	s16 =	sadd.s32 s5, s24;
	s17 =	sadd.s32 s5, s25;
	s19 =	sadd.s32 s5, s26  }
0xd: {  	s20 =	sadd.s32 s5, s28;
	s4 =	sshrl.u32 s9, $0x1;
	s7 =	sshrl.u32 s7, $0x4  }
0xe: {  	s8 =	sshrl.u32 s24, $0x1;
	s9 =	sshrl.u32 s25, $0x1;
	s7 =	sadd.s32 s6, s7  }
0xf: {  	s3 =	sadd.s32 s3, s0;
	[dreg:$0x3] =	wrdreg s7;
	s7 =	sshrl.u32 s11, $0x4  }
0x10: {  	s11 =	sadd.s32 s5, s10;
	s5 =	sadd.s32 s5, s29;
	s7 =	sadd.s32 s6, s7  }
0x11: {  	s11 =	sshrl.u32 s11, $0x4;
	s5 =	sshrl.u32 s5, $0x4;
	[dreg:$0x4] =	wrdreg s7  }
0x12: {  	s7 =	sshrl.u32 s13, $0x4;
	s14 =	sadd.s32 s6, s11;
	s11 =	sshrl.u32 s17, $0x4  }
0x13: {  	s5 =	sadd.s32 s6, s5;
	s13 =	sshrl.u32 s29, $0x1;
	[dreg:$0x6] =	wrdreg s14  }
0x14: {  	s7 =	sadd.s32 s6, s7;
	s18 =	sadd.s32 s6, s11;
	s11 =	rddreg [dreg:$0x1]  }
0x15: {  	[dreg:$0xc] =	wrdreg s5;
	s5 =	sadd.s32 s21, s0;
	s14 =	sadd.s32 $0x35600, s0  }
0x16: {  	s0 =	simm.s32 $0x5000;
	[dreg:$0x5] =	wrdreg s7;
	s7 =	sshrl.u32 s15, $0x4  }
0x17: {  	[dreg:$0x9] =	wrdreg s18;
	s15 =	sadd.s32 $0x17600, s3;
	s17 =	sadd.s32 s22, s11  }
0x18: {  	s18 =	sadd.s32 $0x21600, s5;
	s5 =	sshrl.u32 s12, $0x1;
	s24 =	sadd.s32 s8, s11  }
0x19: {  	s25 =	sadd.s32 s9, s11;
	s12 =	sshrl.u32 s28, $0x1;
	s7 =	sadd.s32 s6, s7  }
0x1a: {  	s29 =	sadd.s32 s13, s11;
	[dreg:$0x7] =	wrdreg s7;
	s7 =	sshrl.u32 s16, $0x4  }
0x1b: {  	s21 =	sadd.s32 s5, s11;
	s28 =	sadd.s32 s12, s11;
	s7 =	sadd.s32 s6, s7  }
0x1c: {  	s16 =	sadd.s32 $0xD600, s3;
	[dreg:$0x8] =	wrdreg s7;
	s7 =	sshrl.u32 s19, $0x4  }
0x1d: {  	s3 =	simm.s32 $0x2;
	s19 =	smax.u32 s2, $0x1;
	s7 =	sadd.s32 s6, s7  }
0x1e: {  	s2 =	simm.s32 $0x1;
	[dreg:$0xa] =	wrdreg s7;
	s7 =	sshrl.u32 s20, $0x4  }
0x1f: {  	s20 =	sadd.s32 s4, s11;
	s4 =	simm.s32 $0x0;
	s7 =	sadd.s32 s6, s7  }
0x20: {  	s6 =	sshrl.u32 s10, $0x1;
	s10 =	sshrl.u32 s26, $0x1;
	[dreg:$0xb] =	wrdreg s7  }
0x21: {  	s22 =	sadd.s32 s6, s11;
	s7 =	sshrl.u32 s23, $0x1;
	s26 =	sadd.s32 s10, s11  }
0x22: {  	s10 =	simm.s32 $0x7D;
	_ =	strace $0x8000004D;
	s23 =	sadd.s32 s7, s11  }
.LBB2_1:
0x23: {  	[tilespmem:s1], [sflag:$0x3] =	stream.linear.gather [hbm4b:s15+s1], $0x2800, $0x38;
	[tilespmem:$0x16D00] =	vst v63  }
0x24: {  	_ =	swait.ge [sflag:s30], $0x2800  }
0x25: {  	[sflag:s30] =	ssyncset.done $0x0  }
0x26: {  	[sflag:s30] =	ssyncadd.s32 $0xFFFFD800  }
0x27: {  	[tilespmem:s31], [sflag:$0x3] =	stream.linear.gather [hbm4b:s16+s1], $0x2800, $0x38;
	[tilespmem:$0x16D00] =	vst v63  }
0x28: {  	s5 =	stileid.u32;
	_ =	swait.ge [sflag:s30], $0x2800  }
0x29: {  	s5 =	sshll.u32 s5, $0x6;
	[sflag:s30] =	ssyncset.done $0x0  }
0x2a: {  	s6 =	sshrl.u32 s17, $0x3;
	s5 =	sor.u32 $0x1C03, s5;
	[sflag:s30] =	ssyncadd.s32 $0xFFFFD800  }
0x2b: {  	[spmem:s6], [sflag:s5] =	dma.local [hbm:s18], $0x1400  }
0x2c: {  	_ =	swait.ge [sflag:s30], $0x1400  }
0x2d: {  	[sflag:s30] =	ssyncset.done $0x0  }
0x2e: {  	[sflag:s30] =	ssyncadd.s32 $0xFFFFEC00  }
0x2f: {  	[bflag:$0x0] =	sbarrier.arrive $0xFFFF  }
0x30: {  	[tilespmem:s0], [sflag:$0x1] =	stream.indirect.gather [hbm4b:s14+s10], $0x40, s1, s10, $0xb8;
	[tilespmem:$0x16D00] =	vst v63  }
0x31: {  	s12 =	simm.s32 $0x80;
	s13 =	simm.s32 $0x6F40  }
0x32: {  	[tilespmem:s13], [sflag:$0x1] =	stream.indirect.gather [hbm4b:s14+s10], $0x40, s12, s10, $0xb8;
	[tilespmem:$0x16D00] =	vst v63  }
0x33: {  	s7 =	simm.s32 $0x8E80;
	s6 =	simm.s32 $0x100  }
0x34: {  	[tilespmem:s7], [sflag:$0x1] =	stream.indirect.gather [hbm4b:s14+s10], $0x40, s6, s10, $0xb8;
	[tilespmem:$0x16D00] =	vst v63  }
0x35: {  	_ =	swait.ge [sflag:s2], $0x1F40  }
0x36: {  	s8 =	simm.s32 $0x180;
	s9 =	simm.s32 $0xADC0;
	[sflag:s2] =	ssyncset.done $0x0  }
0x37: {  	p0 =	por $0x0, $0x0;
	s5 =	simm.s32 $0x4;
	[sflag:s2] =	ssyncadd.s32 $0xFFFFE0C0  }
0x38: {  	[tilespmem:s9], [sflag:$0x1] =	stream.indirect.gather [hbm4b:s14+s10], $0x40, s8, s10, $0xb8;
	[tilespmem:$0x16D00] =	vst v63  }
0x39: {  	s5 =	sand.u32 @!p0 $0x3, s5  }
0x3a: {  	[spmem:s11] =	stream.indirect.scatter.add.bf16 [tilespmem:s0], [sflag:$0x2], $0x40, s31, s10, $0xb8;
	[tilespmem:$0x16D00] =	vst v63  }
0x3b: {  	s5 =	smul.u32 @!p0 $0x7D00, s5;
	s12 =	simm.s32 $0x1;
	_ =	swait.ge [sflag:s2], $0x1F40  }
0x3c: {  	s6 =	sand.u32 $0x3, s12;
	[sflag:s2] =	ssyncset.done $0x0  }
0x3d: {  	s5 =	sshrl.u32 @!p0 s5, $0x2;
	s8 =	smul.u32 $0x7D00, s6;
	[sflag:s2] =	ssyncadd.s32 $0xFFFFE0C0  }
0x3e: {  	s5 =	sadd.s32 @!p0 $0x5000, s5;
	s7 =	simm.s32 $0x200;
	_ =	swait.ge [sflag:s3], $0x1F40  }
0x3f: {  	s6 =	simm.s32 @!p0 $0x7D;
	s13 =	sshrl.u32 s8, $0x2;
	[sflag:s3] =	ssyncset.done $0x0  }
0x40: {  	s8 =	simm.s32 $0x280;
	s9 =	sadd.s32 $0x5000, s13;
	[sflag:s3] =	ssyncadd.s32 $0xFFFFE0C0  }
0x41: {  	[tilespmem:s5], [sflag:$0x1] =	stream.indirect.gather @!p0 [hbm4b:s14+s6], $0x40, s7, s6, $0xb8;
	[tilespmem:$0x16D00] =	vst v63  }
0x42: {  	s5 =	simm.s32 $0x2880;
	s6 =	simm.s32 $0x5;
	s7 =	simm.s32 $0x2900  }
.LBB2_2:
0x43: {  	[spmem:s11] =	stream.indirect.scatter.add.bf16 [tilespmem:s9], [sflag:$0x2], $0x40, s5, s10, $0xb8;
	[tilespmem:$0x16D00] =	vst v63  }
0x44: {  	s9 =	smov.u32 s6;
	s5 =	smov.u32 s7  }
0x45: {  	s6 =	sadd.s32 $0x1, s6;
	s12 =	sadd.s32 $0xFFFFFFFD, s9;
	_ =	swait.ge [sflag:s2], $0x1F40  }
0x46: {  	s13 =	sand.u32 $0x3, s12;
	[sflag:s2] =	ssyncset.done $0x0;
	p0 =	sgt.u32 s12, $0x4C  }
0x47: {  	s12 =	smul.u32 $0x7D00, s13;
	[sflag:s2] =	ssyncadd.s32 $0xFFFFE0C0;
	s9 =	sand.u32 @!p0 $0x3, s9  }
0x48: {  	p1 =	sne.s32 s6, $0x53;
	_ =	swait.ge [sflag:s3], $0x1F40;
	s9 =	smul.u32 @!p0 $0x7D00, s9  }
.Ltmp0:
0x49: {  	s12 =	sshrl.u32 s12, $0x2;
	[sflag:s3] =	ssyncset.done $0x0;
	(pc) =	sbr.rel @p1 .LBB2_2-.Ltmp0, $4  }
0x4a: {  	[sflag:s3] =	ssyncadd.s32 $0xFFFFE0C0;
	s9 =	sshrl.u32 @!p0 s9, $0x2  }
0x4b: {  	s13 =	simm.s32 @!p0 $0x7D;
	s9 =	sadd.s32 @!p0 $0x5000, s9  }
0x4c: {  	[tilespmem:s9], [sflag:$0x1] =	stream.indirect.gather @!p0 [hbm4b:s14+s13], $0x40, s8, s13, $0xb8;
	[tilespmem:$0x16D00] =	vst v63  }
0x4d: {  	s7 =	sadd.s32 $0x80, s7;
	s9 =	sadd.s32 $0x5000, s12;
	s8 =	sadd.s32 $0x80, s8  }
0x4e: {  	[spmem:s11] =	stream.indirect.scatter.add.bf16 [tilespmem:s9], [sflag:$0x2], $0x40, s5, s10, $0xb8;
	[tilespmem:$0x16D00] =	vst v63  }
0x4f: {  	_ =	swait.ge [sflag:s3], $0x1F40  }
0x50: {  	[sflag:s3] =	ssyncset.done $0x0  }
0x51: {  	[sflag:s3] =	ssyncadd.s32 $0xFFFFE0C0  }
0x52: {  	[bflag:$0x0] =	sbarrier.arrive $0xFFFF  }
0x53: {  	[tilespmem:s0], [sflag:$0x3] =	stream.linear.gather [spmem:s17], $0x1000, $0x38;
	[tilespmem:$0x16D00] =	vst v63  }
0x54: {  	_ =	swait.ge [sflag:s30], $0x1000  }
0x55: {  	[sflag:s30] =	ssyncset.done $0x0  }
0x56: {  	s8 =	rddreg [dreg:$0x3];
	[sflag:s30] =	ssyncadd.s32 $0xFFFFF000  }
0x57: {  	[hbm4b:s8+s1] =	stream.linear.scatter [tilespmem:s0], [sflag:$0x3], $0x1000, $0x38;
	[tilespmem:$0x16D00] =	vst v63  }
0x58: {  	_ =	swait.ge [sflag:s30], $0x1000  }
0x59: {  	[sflag:s30] =	ssyncset.done $0x0  }
0x5a: {  	[sflag:s30] =	ssyncadd.s32 $0xFFFFF000  }
0x5b: {  	[tilespmem:s0], [sflag:$0x3] =	stream.linear.gather [spmem:s20], $0x1000, $0x38;
	[tilespmem:$0x16D00] =	vst v63  }
0x5c: {  	_ =	swait.ge [sflag:s30], $0x1000  }
0x5d: {  	[sflag:s30] =	ssyncset.done $0x0  }
0x5e: {  	s9 =	rddreg [dreg:$0x4];
	[sflag:s30] =	ssyncadd.s32 $0xFFFFF000  }
0x5f: {  	[hbm4b:s9+s1] =	stream.linear.scatter [tilespmem:s0], [sflag:$0x3], $0x1000, $0x38;
	[tilespmem:$0x16D00] =	vst v63  }
0x60: {  	_ =	swait.ge [sflag:s30], $0x1000  }
0x61: {  	[sflag:s30] =	ssyncset.done $0x0  }
0x62: {  	[sflag:s30] =	ssyncadd.s32 $0xFFFFF000  }
0x63: {  	[tilespmem:s0], [sflag:$0x3] =	stream.linear.gather [spmem:s21], $0x1000, $0x38;
	[tilespmem:$0x16D00] =	vst v63  }
0x64: {  	_ =	swait.ge [sflag:s30], $0x1000  }
0x65: {  	[sflag:s30] =	ssyncset.done $0x0  }
0x66: {  	s12 =	rddreg [dreg:$0x5];
	[sflag:s30] =	ssyncadd.s32 $0xFFFFF000  }
0x67: {  	[hbm4b:s12+s1] =	stream.linear.scatter [tilespmem:s0], [sflag:$0x3], $0x1000, $0x38;
	[tilespmem:$0x16D00] =	vst v63  }
0x68: {  	_ =	swait.ge [sflag:s30], $0x1000  }
0x69: {  	[sflag:s30] =	ssyncset.done $0x0  }
0x6a: {  	[sflag:s30] =	ssyncadd.s32 $0xFFFFF000  }
0x6b: {  	[tilespmem:s0], [sflag:$0x3] =	stream.linear.gather [spmem:s22], $0x1000, $0x38;
	[tilespmem:$0x16D00] =	vst v63  }
0x6c: {  	_ =	swait.ge [sflag:s30], $0x1000  }
0x6d: {  	[sflag:s30] =	ssyncset.done $0x0  }
0x6e: {  	s13 =	rddreg [dreg:$0x6];
	[sflag:s30] =	ssyncadd.s32 $0xFFFFF000  }
0x6f: {  	[hbm4b:s13+s1] =	stream.linear.scatter [tilespmem:s0], [sflag:$0x3], $0x1000, $0x38;
	[tilespmem:$0x16D00] =	vst v63  }
0x70: {  	_ =	swait.ge [sflag:s30], $0x1000  }
0x71: {  	[sflag:s30] =	ssyncset.done $0x0  }
0x72: {  	[sflag:s30] =	ssyncadd.s32 $0xFFFFF000  }
0x73: {  	[tilespmem:s0], [sflag:$0x3] =	stream.linear.gather [spmem:s23], $0x1000, $0x38;
	[tilespmem:$0x16D00] =	vst v63  }
0x74: {  	_ =	swait.ge [sflag:s30], $0x1000  }
0x75: {  	[sflag:s30] =	ssyncset.done $0x0  }
0x76: {  	s6 =	rddreg [dreg:$0x7];
	[sflag:s30] =	ssyncadd.s32 $0xFFFFF000  }
0x77: {  	[hbm4b:s6+s1] =	stream.linear.scatter [tilespmem:s0], [sflag:$0x3], $0x1000, $0x38;
	[tilespmem:$0x16D00] =	vst v63  }
0x78: {  	_ =	swait.ge [sflag:s30], $0x1000  }
0x79: {  	[sflag:s30] =	ssyncset.done $0x0  }
0x7a: {  	[sflag:s30] =	ssyncadd.s32 $0xFFFFF000  }
0x7b: {  	[tilespmem:s0], [sflag:$0x3] =	stream.linear.gather [spmem:s24], $0x1000, $0x38;
	[tilespmem:$0x16D00] =	vst v63  }
0x7c: {  	_ =	swait.ge [sflag:s30], $0x1000  }
0x7d: {  	[sflag:s30] =	ssyncset.done $0x0  }
0x7e: {  	s7 =	rddreg [dreg:$0x8];
	[sflag:s30] =	ssyncadd.s32 $0xFFFFF000  }
0x7f: {  	[hbm4b:s7+s1] =	stream.linear.scatter [tilespmem:s0], [sflag:$0x3], $0x1000, $0x38;
	[tilespmem:$0x16D00] =	vst v63  }
0x80: {  	_ =	swait.ge [sflag:s30], $0x1000  }
0x81: {  	[sflag:s30] =	ssyncset.done $0x0  }
0x82: {  	[sflag:s30] =	ssyncadd.s32 $0xFFFFF000  }
0x83: {  	[tilespmem:s0], [sflag:$0x3] =	stream.linear.gather [spmem:s25], $0x1000, $0x38;
	[tilespmem:$0x16D00] =	vst v63  }
0x84: {  	_ =	swait.ge [sflag:s30], $0x1000  }
0x85: {  	[sflag:s30] =	ssyncset.done $0x0  }
0x86: {  	s8 =	rddreg [dreg:$0x9];
	[sflag:s30] =	ssyncadd.s32 $0xFFFFF000  }
0x87: {  	[hbm4b:s8+s1] =	stream.linear.scatter [tilespmem:s0], [sflag:$0x3], $0x1000, $0x38;
	[tilespmem:$0x16D00] =	vst v63  }
0x88: {  	_ =	swait.ge [sflag:s30], $0x1000  }
0x89: {  	[sflag:s30] =	ssyncset.done $0x0  }
0x8a: {  	[sflag:s30] =	ssyncadd.s32 $0xFFFFF000  }
0x8b: {  	[tilespmem:s0], [sflag:$0x3] =	stream.linear.gather [spmem:s26], $0x1000, $0x38;
	[tilespmem:$0x16D00] =	vst v63  }
0x8c: {  	_ =	swait.ge [sflag:s30], $0x1000  }
0x8d: {  	[sflag:s30] =	ssyncset.done $0x0  }
0x8e: {  	s9 =	rddreg [dreg:$0xa];
	[sflag:s30] =	ssyncadd.s32 $0xFFFFF000  }
0x8f: {  	[hbm4b:s9+s1] =	stream.linear.scatter [tilespmem:s0], [sflag:$0x3], $0x1000, $0x38;
	[tilespmem:$0x16D00] =	vst v63  }
0x90: {  	_ =	swait.ge [sflag:s30], $0x1000  }
0x91: {  	[sflag:s30] =	ssyncset.done $0x0  }
0x92: {  	[sflag:s30] =	ssyncadd.s32 $0xFFFFF000  }
0x93: {  	[tilespmem:s0], [sflag:$0x3] =	stream.linear.gather [spmem:s28], $0x1000, $0x38;
	[tilespmem:$0x16D00] =	vst v63  }
0x94: {  	_ =	swait.ge [sflag:s30], $0x1000  }
0x95: {  	[sflag:s30] =	ssyncset.done $0x0  }
0x96: {  	s12 =	rddreg [dreg:$0xb];
	[sflag:s30] =	ssyncadd.s32 $0xFFFFF000  }
0x97: {  	[hbm4b:s12+s1] =	stream.linear.scatter [tilespmem:s0], [sflag:$0x3], $0x1000, $0x38;
	[tilespmem:$0x16D00] =	vst v63  }
0x98: {  	_ =	swait.ge [sflag:s30], $0x1000  }
0x99: {  	[sflag:s30] =	ssyncset.done $0x0  }
0x9a: {  	[sflag:s30] =	ssyncadd.s32 $0xFFFFF000  }
0x9b: {  	[tilespmem:s0], [sflag:$0x3] =	stream.linear.gather [spmem:s29], $0x1000, $0x38;
	[tilespmem:$0x16D00] =	vst v63  }
0x9c: {  	s4 =	sadd.s32 $0x1, s4;
	_ =	swait.ge [sflag:s30], $0x1000  }
0x9d: {  	p0 =	sne.s32 s4, s19;
	[sflag:s30] =	ssyncset.done $0x0  }
.Ltmp1:
0x9e: {  	s13 =	rddreg [dreg:$0xc];
	[sflag:s30] =	ssyncadd.s32 $0xFFFFF000;
	(pc) =	sbr.rel @p0 .LBB2_1-.Ltmp1, $4  }
0x9f: {  	[hbm4b:s13+s1] =	stream.linear.scatter [tilespmem:s0], [sflag:$0x3], $0x1000, $0x38;
	[tilespmem:$0x16D00] =	vst v63  }
0xa0: {  	_ =	swait.ge [sflag:s30], $0x1000  }
0xa1: {  	[sflag:s30] =	ssyncset.done $0x0  }
0xa2: {  	[sflag:s30] =	ssyncadd.s32 $0xFFFFF000  }
0xa3: {  	_ =	sfence.sel $0x180000  }
0xa4: {  	[bflag:$0x0] =	sbarrier.arrive $0xFFFF  }
0xa5: {  	_ =	strace $0x9000004D  }
0xa6: {  	s0 =	stileid.u32;
	[bflag:$0x2] =	sbarrier.arrive $0xFFFF  }
0xa7: {  	p0 =	sne.s32 s0, $0x0;
	s0 =	rddreg [dreg:$0x2]  }
0xa8: {  	s0 =	sadd.s32 @!p0 $0x100000, s0  }
0xa9: {  	[sflag:s0] =	ssyncadd.tile.s32 @!p0 $0x1;
	_ =	shalt  }
.Lfunc_end2:
_tile_overlayer_lowered:
.L_overlay_start_2:
0xaa: {  	(tag) =	ssettag $0x2  }
0xab: {  	s0 =	rddreg [dreg:$0x0];
	s2 =	stileid.u32  }
0xac: {  	s1 =	rddreg [dreg:$0x1];
	p0 =	sne.s32 s2, $0x0  }
0xad: {  	s3 =	rddreg [dreg:$0x2];
	[bflag:$0x3] =	sbarrier.arrive $0xFFFF;
	s2 =	simm.s32 @!p0 $0x1C03  }
0xae: {  	[timem:s3], [sflag:s2] =	dma.local @!p0 [hbm:s0], s1  }
0xaf: {  	s0 =	simm.s32 @!p0 $0x3  }
0xb0: {  	_ =	swait.ge @!p0 [sflag:s0], s1  }
0xb1: {  	s1 =	ssub.s32 @!p0 $0x0, s1;
	[sflag:s0] =	ssyncset.done @!p0 $0x0  }
0xb2: {  	[sflag:s0] =	ssyncadd.s32 @!p0 s1  }
0xb3: {  	[bflag:$0x3] =	sbarrier.arrive $0xFFFF  }
0xb4: {  	_ =	shalt  }

// kernel: kernel.19.cloned.1.call-start
scs
__scs_entry_jumppad:
0x0: {  	(pc) =	sbr.rel $0x88, $3  }
0x1: {  	(tag) =	ssettag $0x0;
	lr =	simm.s32 $0x1  }
0x2: {  	[smem:$0x3F94] =	sst lr;
	_ =	strace $0xD0000000  }
0x3: {  	_ = 	snop  }
0x4: {  	_ = 	snop  }
0x5: {  	_ = 	snop  }
0x6: {  	_ = 	snop  }
0x7: {  	_ = 	snop  }
__scs_overlays_trampoline_lowered:
0x8: {  	[smem:$0x3FA3] =	sst s0  }
0x9: {  	[smem:$0x3FA4] =	sst s1  }
0xa: {  	[smem:$0x3FA5] =	sst s2  }
0xb: {  	[smem:$0x3FA6] =	sst s3  }
0xc: {  	[smem:$0x3FA7] =	sst s4  }
0xd: {  	[smem:$0x3FA8] =	sst s5  }
0xe: {  	[smem:$0x3FA9] =	sst s6  }
0xf: {  	[smem:$0x3FAA] =	sst s7  }
0x10: {  	[smem:$0x3FAB] =	sst s8  }
0x11: {  	[smem:$0x3FAC] =	sst s9;
	s0 =	simm.s32 @!p0 $0x0  }
0x12: {  	s1 =	sld [smem:$0x3F92];
	s0 =	simm.s32 @p0 $0x1  }
0x13: {  	[smem:$0x3FAD] =	sst s0;
	s0 =	simm.s32 @!p1 $0x0  }
0x14: {  	s2 =	sld [smem:$0x3F91];
	s0 =	simm.s32 @p1 $0x1  }
0x15: {  	[smem:$0x3FAE] =	sst s0;
	s0 =	simm.s32 @!p2 $0x0  }
0x16: {  	s3 =	sld [smem:$0x3FDB];
	s0 =	simm.s32 @p2 $0x1  }
0x17: {  	s4 =	simm.s32 $0x1BF5;
	[smem:$0x3FB0] =	sst s0  }
0x18: {  	s0 =	sld [smem:$0x3F93];
	_ =	swait.ge [sflag:s4], $0x0  }
0x19: {  	s7 =	sld [smem:$0x3F94]  }
0x1a: {  	s8 =	sadd.s32 $0xFFFFE003, lr  }
0x1b: {  	s9 =	sadd.s32 $0xFFFFFEF7, lr;
	s5 =	simm.s32 $0xFFFFFFFF;
	p2 =	slt.u32 s8, $0xFFFFF086  }
0x1c: {  	p1 =	slt.u32 s9, $0xF7A;
	s5 =	simm.s32 @!p2 $0x0  }
0x1d: {  	s5 =	simm.s32 @p1 $0x1;
	p0 =	seq.s32 s7, s2  }
0x1e: {  	s7 =	smul.u32 @!p0 $0xF7A, s2;
	p2 =	seq.s32 @!p0 s5, $0x0  }
0x1f: {  	s9 =	smul.u32 $0xF7A, s1;
	s8 =	simm.s32 @!p0 $0x1BF5;
	p2 =	por !p2, p0  }
0x20: {  	[sflag:s8] =	ssyncset.s32 @!p0 $0xFFFFF086;
	s6 =	sadd.s32 @!p0 s3, s7;
	s7 =	simm.s32 @!p0 $0x108  }
0x21: {  	s3 =	sadd.s32 s3, s9;
	s6 =	sadd.s32 @!p0 $0x88, s6;
	s7 =	simm.s32 @p2 $0x1082  }
0x22: {  	[simem:s7], [sflag:s8] =	dma.local @!p0 [hbm:s6], $0xF7A  }
0x23: {  	s9 =	sor.u32 $0xD0000000, s2;
	s6 =	simm.s32 $0x108;
	_ =	swait.ge @!p0 [sflag:s8], $0x0  }
0x24: {  	s3 =	sadd.s32 $0x88, s3;
	s6 =	simm.s32 @!p1 $0x1082;
	[sflag:s4] =	ssyncset.s32 $0xFFFFF086  }
0x25: {  	[simem:s6], [sflag:s4] =	dma.local [hbm:s3], $0xF7A  }
0x26: {  	[smem:$0x3F94] =	sst s1;
	(tag) =	ssettag s2;
	_ =	strace s9  }
0x27: {  	s1 =	sld [smem:$0x3FA4]  }
0x28: {  	s2 =	sld [smem:$0x3FA5]  }
0x29: {  	s4 =	sld [smem:$0x3FA7]  }
0x2a: {  	p0 =	seq.s32 s5, $0x0;
	s5 =	sld [smem:$0x3FA8]  }
0x2b: {  	s6 =	sld [smem:$0x3FA9]  }
0x2c: {  	s7 =	sld [smem:$0x3FAA]  }
0x2d: {  	s3 =	simm.s32 $0x108;
	s8 =	sld [smem:$0x3FAB]  }
0x2e: {  	s3 =	simm.s32 @!p0 $0x1082;
	s9 =	sld [smem:$0x3FAC]  }
0x2f: {  	lr =	sadd.s32 s0, s3;
	s0 =	sld [smem:$0x3FA3]  }
0x30: {  	s3 =	sld [smem:$0x3FA6]  }
0x31: {  	[smem:$0x3FAF] =	sst s10  }
0x32: {  	s10 =	sld [smem:$0x3FAD];
	_ =	sdelay $0x3  }
0x33: {  	p0 =	seq.s32 s10, $0x1;
	s10 =	sld [smem:$0x3FAF];
	_ =	sdelay $0x3  }
0x34: {  	[smem:$0x3FAF] =	sst s10  }
0x35: {  	s10 =	sld [smem:$0x3FAE];
	_ =	sdelay $0x3  }
0x36: {  	p1 =	seq.s32 s10, $0x1;
	s10 =	sld [smem:$0x3FAF];
	_ =	sdelay $0x3  }
0x37: {  	[smem:$0x3FAF] =	sst s10  }
0x38: {  	s10 =	sld [smem:$0x3FB0]  }
0x39: {  	_ = 	snop;
	(pc) =	sbr.ind lr, $3  }
0x3a: {  	_ = 	snop  }
0x3b: {  	_ = 	snop  }
0x3c: {  	p2 =	seq.s32 s10, $0x1;
	s10 =	sld [smem:$0x3FAF]  }
0x3d: {  	_ =	shalt  }
0x3e: {  	_ =	shalt  }
0x3f: {  	_ =	shalt  }
0x40: {  	_ =	shalt  }
0x41: {  	_ =	shalt  }
0x42: {  	_ =	shalt  }
0x43: {  	_ =	shalt  }
0x44: {  	_ =	shalt  }
0x45: {  	_ =	shalt  }
0x46: {  	_ =	shalt  }
0x47: {  	_ =	shalt  }
0x48: {  	_ =	shalt  }
0x49: {  	_ =	shalt  }
0x4a: {  	_ =	shalt  }
0x4b: {  	_ =	shalt  }
0x4c: {  	_ =	shalt  }
0x4d: {  	_ =	shalt  }
0x4e: {  	_ =	shalt  }
0x4f: {  	_ =	shalt  }
0x50: {  	_ =	shalt  }
0x51: {  	_ =	shalt  }
0x52: {  	_ =	shalt  }
0x53: {  	_ =	shalt  }
0x54: {  	_ =	shalt  }
0x55: {  	_ =	shalt  }
0x56: {  	_ =	shalt  }
0x57: {  	_ =	shalt  }
0x58: {  	_ =	shalt  }
0x59: {  	_ =	shalt  }
0x5a: {  	_ =	shalt  }
0x5b: {  	_ =	shalt  }
0x5c: {  	_ =	shalt  }
0x5d: {  	_ =	shalt  }
0x5e: {  	_ =	shalt  }
0x5f: {  	_ =	shalt  }
0x60: {  	_ =	shalt  }
0x61: {  	_ =	shalt  }
0x62: {  	_ =	shalt  }
0x63: {  	_ =	shalt  }
0x64: {  	_ =	shalt  }
0x65: {  	_ =	shalt  }
0x66: {  	_ =	shalt  }
0x67: {  	_ =	shalt  }
0x68: {  	_ =	shalt  }
0x69: {  	_ =	shalt  }
0x6a: {  	_ =	shalt  }
0x6b: {  	_ =	shalt  }
0x6c: {  	_ =	shalt  }
0x6d: {  	_ =	shalt  }
0x6e: {  	_ =	shalt  }
0x6f: {  	_ =	shalt  }
0x70: {  	_ =	shalt  }
0x71: {  	_ =	shalt  }
0x72: {  	_ =	shalt  }
0x73: {  	_ =	shalt  }
0x74: {  	_ =	shalt  }
0x75: {  	_ =	shalt  }
0x76: {  	_ =	shalt  }
0x77: {  	_ =	shalt  }
0x78: {  	_ =	shalt  }
0x79: {  	_ =	shalt  }
0x7a: {  	_ =	shalt  }
0x7b: {  	_ =	shalt  }
0x7c: {  	_ =	shalt  }
0x7d: {  	_ =	shalt  }
0x7e: {  	_ =	shalt  }
0x7f: {  	_ =	shalt  }
0x80: {  	_ =	shalt  }
0x81: {  	_ =	shalt  }
0x82: {  	_ =	shalt  }
0x83: {  	_ =	shalt  }
0x84: {  	_ =	shalt  }
0x85: {  	_ =	shalt  }
0x86: {  	_ =	shalt  }
0x87: {  	_ =	shalt  }
.Lfunc_end0:
.L_simem_size_0:
called_computation.3_lowered:
.L_overlay_start_0:
0x88: {  	s2 =	sld [smem:$0x3FD9]  }
0x89: {  	s3 =	sld [smem:$0x3FFE];
	_ =	sdelay $0x1  }
0x8a: {  	s1 =	srdreg.scid  }
0x8b: {  	s0 =	sand.u32 $0x1, s1  }
0x8c: {  	s16 =	sshll.u32 s0, $0xA;
	s2 =	sadd.s32 s3, s2  }
0x8d: {  	s2 =	sadd.s32 s2, s16  }
0x8e: {  	[smem:$0x3FBB] =	sst s2  }
0x8f: {  	_ = 	snop  }
0x90: {  	(tm) =	ssettm $0x1  }
0x91: {  	s17 =	sld [smem:$0x3FFB];
	_ =	sdelay $0x3  }
0x92: {  	_ =	strace s17  }
0x93: {  	s2 =	sld [smem:$0x3FFC];
	_ =	sdelay $0x3  }
0x94: {  	_ =	strace s2  }
0x95: {  	s2 =	sld [smem:$0x3FFD];
	_ =	sdelay $0x3  }
0x96: {  	_ =	strace s2  }
0x97: {  	_ =	strace $0x8FFFFFFF  }
0x98: {  	s18 =	sld [smem:$0x3FDB];
	_ =	sdelay $0x1  }
0x99: {  	s19 =	simm.s32 $_scs_section_size  }
0x9a: {  	s4 =	simm.s32 $_size__tile_overlayer_lowered;
	s5 =	simm.s32 $_tile_overlayer_lowered  }
0x9b: {  	s22 =	simm.s32 $0x1BFF;
	s21 =	sshll.u32 s5, $0x1;
	s2 =	sadd.s32 s19, s18  }
0x9c: {  	s6 =	simm.s32 $0x0;
	s20 =	sshll.u32 s4, $0x1;
	s4 =	sadd.s32 s21, s2  }
0x9d: {  	[timem:s6], [sflag:s22] =	dma.local [hbm:s4], s20  }
0x9e: {  	_ =	swait.ge [sflag:s22], s20  }
0x9f: {  	s3 =	ssub.s32 $0x0, s20;
	[sflag:s22] =	ssyncset.done $0x0  }
0xa0: {  	[sflag:s22] =	ssyncadd.s32 s3;
	_ =	sdelay $0x1  }
0xa1: {  	s23 =	simm.s32 $0x1B8B  }
0xa2: {  	_ =	swait.ge [sflag:s23], $0x1  }
0xa3: {  	[sflag:s23] =	ssyncset.done $0x0  }
0xa4: {  	s25 =	simm.s32 $0x1B8E;
	s24 =	sld [smem:$0x3FFE];
	[sflag:s23] =	ssyncadd.s32 $0xFFFFFFFF  }
0xa5: {  	s26 =	simm.s32 $execute0_lowered;
	[smem:$0x3FD2] =	sst s25  }
0xa6: {  	s4 =	sshll.u32 s26, $0x1;
	_ =	strace $0x8000004F;
	[dreg:$0x1] =	wrdreg $0xFFFFFFFF  }
0xa7: {  	s28 =	simm.s32 $_size_execute0_lowered;
	s2 =	sadd.s32 s2, s4;
	[dreg:$0x0] =	wrdreg $0x0  }
0xa8: {  	s4 =	sshll.u32 s28, $0x1;
	[dreg:$0x2] =	wrdreg s2  }
0xa9: {  	[dreg:$0x3] =	wrdreg s4  }
0xaa: {  	[dreg:$0x4] =	wrdreg $0xC0  }
0xab: {  	_ =	task [dreg:s6], $0x5FFFF  }
0xac: {  	[dreg:$0x1] =	wrdreg $0xFFFFFFFF  }
0xad: {  	[dreg:$0x0] =	wrdreg $0x60  }
0xae: {  	[dreg:$0x2] =	wrdreg s24  }
0xaf: {  	[dreg:$0x3] =	wrdreg $0xCD000  }
0xb0: {  	[dreg:$0x4] =	wrdreg $0x9  }
0xb1: {  	_ =	task.clear_ibuf [dreg:s6], $0x5FFFF;
	_ =	strace $0x9000004F  }
0xb2: {  	s29 =	simm.s32 $0x9;
	_ =	strace $0x80000051  }
0xb3: {  	_ =	swait.ge [sflag:s29], $0x1  }
0xb4: {  	[sflag:s29] =	ssyncadd.s32 $0xFFFFFFFF  }
0xb5: {  	_ =	strace $0x90000051  }
0xb6: {  	_ =	sfence  }
0xb7: {  	s30 =	sld [smem:$0x0];
	_ =	sdelay $0x2  }
0xb8: {  	s31 =	sshll.u32 s1, $0xD;
	s1 =	sshrl.u32 s1, $0x2  }
0xb9: {  	s3 =	sand.u32 $0x4000, s31;
	s1 =	sadd.s32 s1, s30  }
0xba: {  	s0 =	sor.u32 s3, s0;
	s1 =	sshll.u32 s1, $0x11  }
0xbb: {  	s0 =	sor.u32 s1, s0  }
0xbc: {  	s0 =	sadd.s32 $0x8F2B, s0  }
0xbd: {  	[sflag:s0] =	ssyncadd.remote.s32 $0x1  }
0xbe: {  	_ =	sfence.sel $0xFFFF  }
0xbf: {  	[dreg:$0x0] =	wrdreg $0xFFFFFFFF;
	(pc) =	sbr.abs _section_cstart, $3  }
0xc0: {  	[dreg:$0x1] =	wrdreg $0xFFFFFFFF  }
0xc1: {  	_ =	task.clear_ibuf [dreg:s6], $0x2FFFF;
	_ =	strace $0x9FFFFFFF  }
0xc2: {  	(tm) =	ssettm $0x7FFFFFFF  }
0xc3: {  	_ =	shalt  }
tec
execute0_lowered:
.L_overlay_start_1:
0x0: {  	(tag) =	ssettag $0x1  }
0x1: {  	s0 =	rddreg [dreg:$0x0];
	s1 =	srdreg.scid  }
0x2: {  	s4 =	stileid.u32;
	s30 =	simm.s32 $0x3;
	s31 =	simm.s32 $0x2800  }
0x3: {  	s2 =	sand.u32 $0x1, s1;
	s3 =	sshll.u32 s4, $0x1;
	s4 =	smul.u32 $0x14000, s4  }
0x4: {  	s1 =	simm.s32 $0x0;
	s6 =	sadd.s32 $0x49000, s0;
	s3 =	sor.u32 s2, s3  }
0x5: {  	s5 =	smul.u32 $0x140000, s2;
	[smem:$0x7FF] =	sst s1;
	s2 =	ssub.s32 $0x2, s2  }
0x6: {  	s3 =	smul.u32 $0x500, s3;
	s8 =	sshrl.u32 s2, $0x1;
	s9 =	sor.u32 $0x2000, s4  }
0x7: {  	s12 =	sadd.s32 $0x4000, s4;
	s10 =	sadd.s32 $0x6000, s4;
	s23 =	sadd.s32 $0x8000, s4  }
0x8: {  	s24 =	sadd.s32 $0xA000, s4;
	s25 =	sadd.s32 $0xC000, s4;
	s26 =	sadd.s32 $0xE000, s4  }
0x9: {  	s28 =	sadd.s32 $0x10000, s4;
	s29 =	sadd.s32 $0x12000, s4;
	s21 =	sshrl.u32 s4, $0x4  }
0xa: {  	s22 =	sshrl.u32 s4, $0x1;
	s7 =	sadd.s32 s5, s4;
	s2 =	ssub.s32 s2, s8  }
0xb: {  	s11 =	sadd.s32 s5, s9;
	s13 =	sadd.s32 s5, s12;
	s15 =	sadd.s32 s5, s23  }
0xc: {  	s16 =	sadd.s32 s5, s24;
	s17 =	sadd.s32 s5, s25;
	s19 =	sadd.s32 s5, s26  }
0xd: {  	s20 =	sadd.s32 s5, s28;
	s4 =	sshrl.u32 s9, $0x1;
	s7 =	sshrl.u32 s7, $0x4  }
0xe: {  	s8 =	sshrl.u32 s24, $0x1;
	s9 =	sshrl.u32 s25, $0x1;
	s7 =	sadd.s32 s6, s7  }
0xf: {  	s3 =	sadd.s32 s3, s0;
	[dreg:$0x3] =	wrdreg s7;
	s7 =	sshrl.u32 s11, $0x4  }
0x10: {  	s11 =	sadd.s32 s5, s10;
	s5 =	sadd.s32 s5, s29;
	s7 =	sadd.s32 s6, s7  }
0x11: {  	s11 =	sshrl.u32 s11, $0x4;
	s5 =	sshrl.u32 s5, $0x4;
	[dreg:$0x4] =	wrdreg s7  }
0x12: {  	s7 =	sshrl.u32 s13, $0x4;
	s14 =	sadd.s32 s6, s11;
	s11 =	sshrl.u32 s17, $0x4  }
0x13: {  	s5 =	sadd.s32 s6, s5;
	s13 =	sshrl.u32 s29, $0x1;
	[dreg:$0x6] =	wrdreg s14  }
0x14: {  	s7 =	sadd.s32 s6, s7;
	s18 =	sadd.s32 s6, s11;
	s11 =	rddreg [dreg:$0x1]  }
0x15: {  	[dreg:$0xc] =	wrdreg s5;
	s5 =	sadd.s32 s21, s0;
	s14 =	sadd.s32 $0x35600, s0  }
0x16: {  	s0 =	simm.s32 $0x5000;
	[dreg:$0x5] =	wrdreg s7;
	s7 =	sshrl.u32 s15, $0x4  }
0x17: {  	[dreg:$0x9] =	wrdreg s18;
	s15 =	sadd.s32 $0x17600, s3;
	s17 =	sadd.s32 s22, s11  }
0x18: {  	s18 =	sadd.s32 $0x21600, s5;
	s5 =	sshrl.u32 s12, $0x1;
	s24 =	sadd.s32 s8, s11  }
0x19: {  	s25 =	sadd.s32 s9, s11;
	s12 =	sshrl.u32 s28, $0x1;
	s7 =	sadd.s32 s6, s7  }
0x1a: {  	s29 =	sadd.s32 s13, s11;
	[dreg:$0x7] =	wrdreg s7;
	s7 =	sshrl.u32 s16, $0x4  }
0x1b: {  	s21 =	sadd.s32 s5, s11;
	s28 =	sadd.s32 s12, s11;
	s7 =	sadd.s32 s6, s7  }
0x1c: {  	s16 =	sadd.s32 $0xD600, s3;
	[dreg:$0x8] =	wrdreg s7;
	s7 =	sshrl.u32 s19, $0x4  }
0x1d: {  	s3 =	simm.s32 $0x2;
	s19 =	smax.u32 s2, $0x1;
	s7 =	sadd.s32 s6, s7  }
0x1e: {  	s2 =	simm.s32 $0x1;
	[dreg:$0xa] =	wrdreg s7;
	s7 =	sshrl.u32 s20, $0x4  }
0x1f: {  	s20 =	sadd.s32 s4, s11;
	s4 =	simm.s32 $0x0;
	s7 =	sadd.s32 s6, s7  }
0x20: {  	s6 =	sshrl.u32 s10, $0x1;
	s10 =	sshrl.u32 s26, $0x1;
	[dreg:$0xb] =	wrdreg s7  }
0x21: {  	s22 =	sadd.s32 s6, s11;
	s7 =	sshrl.u32 s23, $0x1;
	s26 =	sadd.s32 s10, s11  }
0x22: {  	s10 =	simm.s32 $0x7D;
	_ =	strace $0x80000050;
	s23 =	sadd.s32 s7, s11  }
.LBB2_1:
0x23: {  	[tilespmem:s1], [sflag:$0x3] =	stream.linear.gather [hbm4b:s15+s1], $0x2800, $0x38;
	[tilespmem:$0x16D00] =	vst v63  }
0x24: {  	_ =	swait.ge [sflag:s30], $0x2800  }
0x25: {  	[sflag:s30] =	ssyncset.done $0x0  }
0x26: {  	[sflag:s30] =	ssyncadd.s32 $0xFFFFD800  }
0x27: {  	[tilespmem:s31], [sflag:$0x3] =	stream.linear.gather [hbm4b:s16+s1], $0x2800, $0x38;
	[tilespmem:$0x16D00] =	vst v63  }
0x28: {  	s5 =	stileid.u32;
	_ =	swait.ge [sflag:s30], $0x2800  }
0x29: {  	s5 =	sshll.u32 s5, $0x6;
	[sflag:s30] =	ssyncset.done $0x0  }
0x2a: {  	s6 =	sshrl.u32 s17, $0x3;
	s5 =	sor.u32 $0x1C03, s5;
	[sflag:s30] =	ssyncadd.s32 $0xFFFFD800  }
0x2b: {  	[spmem:s6], [sflag:s5] =	dma.local [hbm:s18], $0x1400  }
0x2c: {  	_ =	swait.ge [sflag:s30], $0x1400  }
0x2d: {  	[sflag:s30] =	ssyncset.done $0x0  }
0x2e: {  	[sflag:s30] =	ssyncadd.s32 $0xFFFFEC00  }
0x2f: {  	[bflag:$0x0] =	sbarrier.arrive $0xFFFF  }
0x30: {  	[tilespmem:s0], [sflag:$0x1] =	stream.indirect.gather [hbm4b:s14+s10], $0x40, s1, s10, $0xb8;
	[tilespmem:$0x16D00] =	vst v63  }
0x31: {  	s12 =	simm.s32 $0x80;
	s13 =	simm.s32 $0x6F40  }
0x32: {  	[tilespmem:s13], [sflag:$0x1] =	stream.indirect.gather [hbm4b:s14+s10], $0x40, s12, s10, $0xb8;
	[tilespmem:$0x16D00] =	vst v63  }
0x33: {  	s7 =	simm.s32 $0x8E80;
	s6 =	simm.s32 $0x100  }
0x34: {  	[tilespmem:s7], [sflag:$0x1] =	stream.indirect.gather [hbm4b:s14+s10], $0x40, s6, s10, $0xb8;
	[tilespmem:$0x16D00] =	vst v63  }
0x35: {  	_ =	swait.ge [sflag:s2], $0x1F40  }
0x36: {  	s8 =	simm.s32 $0x180;
	s9 =	simm.s32 $0xADC0;
	[sflag:s2] =	ssyncset.done $0x0  }
0x37: {  	p0 =	por $0x0, $0x0;
	s5 =	simm.s32 $0x4;
	[sflag:s2] =	ssyncadd.s32 $0xFFFFE0C0  }
0x38: {  	[tilespmem:s9], [sflag:$0x1] =	stream.indirect.gather [hbm4b:s14+s10], $0x40, s8, s10, $0xb8;
	[tilespmem:$0x16D00] =	vst v63  }
0x39: {  	s5 =	sand.u32 @!p0 $0x3, s5  }
0x3a: {  	[spmem:s11] =	stream.indirect.scatter.add.bf16 [tilespmem:s0], [sflag:$0x2], $0x40, s31, s10, $0xb8;
	[tilespmem:$0x16D00] =	vst v63  }
0x3b: {  	s5 =	smul.u32 @!p0 $0x7D00, s5;
	s12 =	simm.s32 $0x1;
	_ =	swait.ge [sflag:s2], $0x1F40  }
0x3c: {  	s6 =	sand.u32 $0x3, s12;
	[sflag:s2] =	ssyncset.done $0x0  }
0x3d: {  	s5 =	sshrl.u32 @!p0 s5, $0x2;
	s8 =	smul.u32 $0x7D00, s6;
	[sflag:s2] =	ssyncadd.s32 $0xFFFFE0C0  }
0x3e: {  	s5 =	sadd.s32 @!p0 $0x5000, s5;
	s7 =	simm.s32 $0x200;
	_ =	swait.ge [sflag:s3], $0x1F40  }
0x3f: {  	s6 =	simm.s32 @!p0 $0x7D;
	s13 =	sshrl.u32 s8, $0x2;
	[sflag:s3] =	ssyncset.done $0x0  }
0x40: {  	s8 =	simm.s32 $0x280;
	s9 =	sadd.s32 $0x5000, s13;
	[sflag:s3] =	ssyncadd.s32 $0xFFFFE0C0  }
0x41: {  	[tilespmem:s5], [sflag:$0x1] =	stream.indirect.gather @!p0 [hbm4b:s14+s6], $0x40, s7, s6, $0xb8;
	[tilespmem:$0x16D00] =	vst v63  }
0x42: {  	s5 =	simm.s32 $0x2880;
	s6 =	simm.s32 $0x5;
	s7 =	simm.s32 $0x2900  }
.LBB2_2:
0x43: {  	[spmem:s11] =	stream.indirect.scatter.add.bf16 [tilespmem:s9], [sflag:$0x2], $0x40, s5, s10, $0xb8;
	[tilespmem:$0x16D00] =	vst v63  }
0x44: {  	s9 =	smov.u32 s6;
	s5 =	smov.u32 s7  }
0x45: {  	s6 =	sadd.s32 $0x1, s6;
	s12 =	sadd.s32 $0xFFFFFFFD, s9;
	_ =	swait.ge [sflag:s2], $0x1F40  }
0x46: {  	s13 =	sand.u32 $0x3, s12;
	[sflag:s2] =	ssyncset.done $0x0;
	p0 =	sgt.u32 s12, $0x4C  }
0x47: {  	s12 =	smul.u32 $0x7D00, s13;
	[sflag:s2] =	ssyncadd.s32 $0xFFFFE0C0;
	s9 =	sand.u32 @!p0 $0x3, s9  }
0x48: {  	p1 =	sne.s32 s6, $0x53;
	_ =	swait.ge [sflag:s3], $0x1F40;
	s9 =	smul.u32 @!p0 $0x7D00, s9  }
.Ltmp0:
0x49: {  	s12 =	sshrl.u32 s12, $0x2;
	[sflag:s3] =	ssyncset.done $0x0;
	(pc) =	sbr.rel @p1 .LBB2_2-.Ltmp0, $4  }
0x4a: {  	[sflag:s3] =	ssyncadd.s32 $0xFFFFE0C0;
	s9 =	sshrl.u32 @!p0 s9, $0x2  }
0x4b: {  	s13 =	simm.s32 @!p0 $0x7D;
	s9 =	sadd.s32 @!p0 $0x5000, s9  }
0x4c: {  	[tilespmem:s9], [sflag:$0x1] =	stream.indirect.gather @!p0 [hbm4b:s14+s13], $0x40, s8, s13, $0xb8;
	[tilespmem:$0x16D00] =	vst v63  }
0x4d: {  	s7 =	sadd.s32 $0x80, s7;
	s9 =	sadd.s32 $0x5000, s12;
	s8 =	sadd.s32 $0x80, s8  }
0x4e: {  	[spmem:s11] =	stream.indirect.scatter.add.bf16 [tilespmem:s9], [sflag:$0x2], $0x40, s5, s10, $0xb8;
	[tilespmem:$0x16D00] =	vst v63  }
0x4f: {  	_ =	swait.ge [sflag:s3], $0x1F40  }
0x50: {  	[sflag:s3] =	ssyncset.done $0x0  }
0x51: {  	[sflag:s3] =	ssyncadd.s32 $0xFFFFE0C0  }
0x52: {  	[bflag:$0x0] =	sbarrier.arrive $0xFFFF  }
0x53: {  	[tilespmem:s0], [sflag:$0x3] =	stream.linear.gather [spmem:s17], $0x1000, $0x38;
	[tilespmem:$0x16D00] =	vst v63  }
0x54: {  	_ =	swait.ge [sflag:s30], $0x1000  }
0x55: {  	[sflag:s30] =	ssyncset.done $0x0  }
0x56: {  	s8 =	rddreg [dreg:$0x3];
	[sflag:s30] =	ssyncadd.s32 $0xFFFFF000  }
0x57: {  	[hbm4b:s8+s1] =	stream.linear.scatter [tilespmem:s0], [sflag:$0x3], $0x1000, $0x38;
	[tilespmem:$0x16D00] =	vst v63  }
0x58: {  	_ =	swait.ge [sflag:s30], $0x1000  }
0x59: {  	[sflag:s30] =	ssyncset.done $0x0  }
0x5a: {  	[sflag:s30] =	ssyncadd.s32 $0xFFFFF000  }
0x5b: {  	[tilespmem:s0], [sflag:$0x3] =	stream.linear.gather [spmem:s20], $0x1000, $0x38;
	[tilespmem:$0x16D00] =	vst v63  }
0x5c: {  	_ =	swait.ge [sflag:s30], $0x1000  }
0x5d: {  	[sflag:s30] =	ssyncset.done $0x0  }
0x5e: {  	s9 =	rddreg [dreg:$0x4];
	[sflag:s30] =	ssyncadd.s32 $0xFFFFF000  }
0x5f: {  	[hbm4b:s9+s1] =	stream.linear.scatter [tilespmem:s0], [sflag:$0x3], $0x1000, $0x38;
	[tilespmem:$0x16D00] =	vst v63  }
0x60: {  	_ =	swait.ge [sflag:s30], $0x1000  }
0x61: {  	[sflag:s30] =	ssyncset.done $0x0  }
0x62: {  	[sflag:s30] =	ssyncadd.s32 $0xFFFFF000  }
0x63: {  	[tilespmem:s0], [sflag:$0x3] =	stream.linear.gather [spmem:s21], $0x1000, $0x38;
	[tilespmem:$0x16D00] =	vst v63  }
0x64: {  	_ =	swait.ge [sflag:s30], $0x1000  }
0x65: {  	[sflag:s30] =	ssyncset.done $0x0  }
0x66: {  	s12 =	rddreg [dreg:$0x5];
	[sflag:s30] =	ssyncadd.s32 $0xFFFFF000  }
0x67: {  	[hbm4b:s12+s1] =	stream.linear.scatter [tilespmem:s0], [sflag:$0x3], $0x1000, $0x38;
	[tilespmem:$0x16D00] =	vst v63  }
0x68: {  	_ =	swait.ge [sflag:s30], $0x1000  }
0x69: {  	[sflag:s30] =	ssyncset.done $0x0  }
0x6a: {  	[sflag:s30] =	ssyncadd.s32 $0xFFFFF000  }
0x6b: {  	[tilespmem:s0], [sflag:$0x3] =	stream.linear.gather [spmem:s22], $0x1000, $0x38;
	[tilespmem:$0x16D00] =	vst v63  }
0x6c: {  	_ =	swait.ge [sflag:s30], $0x1000  }
0x6d: {  	[sflag:s30] =	ssyncset.done $0x0  }
0x6e: {  	s13 =	rddreg [dreg:$0x6];
	[sflag:s30] =	ssyncadd.s32 $0xFFFFF000  }
0x6f: {  	[hbm4b:s13+s1] =	stream.linear.scatter [tilespmem:s0], [sflag:$0x3], $0x1000, $0x38;
	[tilespmem:$0x16D00] =	vst v63  }
0x70: {  	_ =	swait.ge [sflag:s30], $0x1000  }
0x71: {  	[sflag:s30] =	ssyncset.done $0x0  }
0x72: {  	[sflag:s30] =	ssyncadd.s32 $0xFFFFF000  }
0x73: {  	[tilespmem:s0], [sflag:$0x3] =	stream.linear.gather [spmem:s23], $0x1000, $0x38;
	[tilespmem:$0x16D00] =	vst v63  }
0x74: {  	_ =	swait.ge [sflag:s30], $0x1000  }
0x75: {  	[sflag:s30] =	ssyncset.done $0x0  }
0x76: {  	s6 =	rddreg [dreg:$0x7];
	[sflag:s30] =	ssyncadd.s32 $0xFFFFF000  }
0x77: {  	[hbm4b:s6+s1] =	stream.linear.scatter [tilespmem:s0], [sflag:$0x3], $0x1000, $0x38;
	[tilespmem:$0x16D00] =	vst v63  }
0x78: {  	_ =	swait.ge [sflag:s30], $0x1000  }
0x79: {  	[sflag:s30] =	ssyncset.done $0x0  }
0x7a: {  	[sflag:s30] =	ssyncadd.s32 $0xFFFFF000  }
0x7b: {  	[tilespmem:s0], [sflag:$0x3] =	stream.linear.gather [spmem:s24], $0x1000, $0x38;
	[tilespmem:$0x16D00] =	vst v63  }
0x7c: {  	_ =	swait.ge [sflag:s30], $0x1000  }
0x7d: {  	[sflag:s30] =	ssyncset.done $0x0  }
0x7e: {  	s7 =	rddreg [dreg:$0x8];
	[sflag:s30] =	ssyncadd.s32 $0xFFFFF000  }
0x7f: {  	[hbm4b:s7+s1] =	stream.linear.scatter [tilespmem:s0], [sflag:$0x3], $0x1000, $0x38;
	[tilespmem:$0x16D00] =	vst v63  }
0x80: {  	_ =	swait.ge [sflag:s30], $0x1000  }
0x81: {  	[sflag:s30] =	ssyncset.done $0x0  }
0x82: {  	[sflag:s30] =	ssyncadd.s32 $0xFFFFF000  }
0x83: {  	[tilespmem:s0], [sflag:$0x3] =	stream.linear.gather [spmem:s25], $0x1000, $0x38;
	[tilespmem:$0x16D00] =	vst v63  }
0x84: {  	_ =	swait.ge [sflag:s30], $0x1000  }
0x85: {  	[sflag:s30] =	ssyncset.done $0x0  }
0x86: {  	s8 =	rddreg [dreg:$0x9];
	[sflag:s30] =	ssyncadd.s32 $0xFFFFF000  }
0x87: {  	[hbm4b:s8+s1] =	stream.linear.scatter [tilespmem:s0], [sflag:$0x3], $0x1000, $0x38;
	[tilespmem:$0x16D00] =	vst v63  }
0x88: {  	_ =	swait.ge [sflag:s30], $0x1000  }
0x89: {  	[sflag:s30] =	ssyncset.done $0x0  }
0x8a: {  	[sflag:s30] =	ssyncadd.s32 $0xFFFFF000  }
0x8b: {  	[tilespmem:s0], [sflag:$0x3] =	stream.linear.gather [spmem:s26], $0x1000, $0x38;
	[tilespmem:$0x16D00] =	vst v63  }
0x8c: {  	_ =	swait.ge [sflag:s30], $0x1000  }
0x8d: {  	[sflag:s30] =	ssyncset.done $0x0  }
0x8e: {  	s9 =	rddreg [dreg:$0xa];
	[sflag:s30] =	ssyncadd.s32 $0xFFFFF000  }
0x8f: {  	[hbm4b:s9+s1] =	stream.linear.scatter [tilespmem:s0], [sflag:$0x3], $0x1000, $0x38;
	[tilespmem:$0x16D00] =	vst v63  }
0x90: {  	_ =	swait.ge [sflag:s30], $0x1000  }
0x91: {  	[sflag:s30] =	ssyncset.done $0x0  }
0x92: {  	[sflag:s30] =	ssyncadd.s32 $0xFFFFF000  }
0x93: {  	[tilespmem:s0], [sflag:$0x3] =	stream.linear.gather [spmem:s28], $0x1000, $0x38;
	[tilespmem:$0x16D00] =	vst v63  }
0x94: {  	_ =	swait.ge [sflag:s30], $0x1000  }
0x95: {  	[sflag:s30] =	ssyncset.done $0x0  }
0x96: {  	s12 =	rddreg [dreg:$0xb];
	[sflag:s30] =	ssyncadd.s32 $0xFFFFF000  }
0x97: {  	[hbm4b:s12+s1] =	stream.linear.scatter [tilespmem:s0], [sflag:$0x3], $0x1000, $0x38;
	[tilespmem:$0x16D00] =	vst v63  }
0x98: {  	_ =	swait.ge [sflag:s30], $0x1000  }
0x99: {  	[sflag:s30] =	ssyncset.done $0x0  }
0x9a: {  	[sflag:s30] =	ssyncadd.s32 $0xFFFFF000  }
0x9b: {  	[tilespmem:s0], [sflag:$0x3] =	stream.linear.gather [spmem:s29], $0x1000, $0x38;
	[tilespmem:$0x16D00] =	vst v63  }
0x9c: {  	s4 =	sadd.s32 $0x1, s4;
	_ =	swait.ge [sflag:s30], $0x1000  }
0x9d: {  	p0 =	sne.s32 s4, s19;
	[sflag:s30] =	ssyncset.done $0x0  }
.Ltmp1:
0x9e: {  	s13 =	rddreg [dreg:$0xc];
	[sflag:s30] =	ssyncadd.s32 $0xFFFFF000;
	(pc) =	sbr.rel @p0 .LBB2_1-.Ltmp1, $4  }
0x9f: {  	[hbm4b:s13+s1] =	stream.linear.scatter [tilespmem:s0], [sflag:$0x3], $0x1000, $0x38;
	[tilespmem:$0x16D00] =	vst v63  }
0xa0: {  	_ =	swait.ge [sflag:s30], $0x1000  }
0xa1: {  	[sflag:s30] =	ssyncset.done $0x0  }
0xa2: {  	[sflag:s30] =	ssyncadd.s32 $0xFFFFF000  }
0xa3: {  	_ =	sfence.sel $0x180000  }
0xa4: {  	[bflag:$0x0] =	sbarrier.arrive $0xFFFF  }
0xa5: {  	_ =	strace $0x90000050  }
0xa6: {  	s0 =	stileid.u32;
	[bflag:$0x2] =	sbarrier.arrive $0xFFFF  }
0xa7: {  	p0 =	sne.s32 s0, $0x0;
	s0 =	rddreg [dreg:$0x2]  }
0xa8: {  	s0 =	sadd.s32 @!p0 $0x100000, s0  }
0xa9: {  	[sflag:s0] =	ssyncadd.tile.s32 @!p0 $0x1;
	_ =	shalt  }
.Lfunc_end2:
_tile_overlayer_lowered:
.L_overlay_start_2:
0xaa: {  	(tag) =	ssettag $0x2  }
0xab: {  	s0 =	rddreg [dreg:$0x0];
	s2 =	stileid.u32  }
0xac: {  	s1 =	rddreg [dreg:$0x1];
	p0 =	sne.s32 s2, $0x0  }
0xad: {  	s3 =	rddreg [dreg:$0x2];
	[bflag:$0x3] =	sbarrier.arrive $0xFFFF;
	s2 =	simm.s32 @!p0 $0x1C03  }
0xae: {  	[timem:s3], [sflag:s2] =	dma.local @!p0 [hbm:s0], s1  }
0xaf: {  	s0 =	simm.s32 @!p0 $0x3  }
0xb0: {  	_ =	swait.ge @!p0 [sflag:s0], s1  }
0xb1: {  	s1 =	ssub.s32 @!p0 $0x0, s1;
	[sflag:s0] =	ssyncset.done @!p0 $0x0  }
0xb2: {  	[sflag:s0] =	ssyncadd.s32 @!p0 s1  }
0xb3: {  	[bflag:$0x3] =	sbarrier.arrive $0xFFFF  }
0xb4: {  	_ =	shalt  }

</sc_bundles>
